<compile_context>
chip_gen: v7x
topology: tpu7x:2x2x1
jax: 0.10.2.dev20260603
libtpu: 0.0.44.dev20260713+nightly
codegen_flags: <defaults>
</compile_context>

<pallas_src>
import jax
import jax.numpy as jnp
from jax.experimental import pallas as pl

_N_C = 2
_EMB = 32
_ADD_RATIO = 0.1
_TEMP = 0.5
_N = 8192
_M = 2048
_NNZ = 131072
_BLK = 256
_NE = 64


def _s_kernel(x_ref, w_ref, efc_ref, excl_ref, e_ref, out_ref, cnt_ref):
    i = pl.program_id(0)
    x = x_ref[...]
    w = w_ref[...]
    efc = efc_ref[...]
    excl = excl_ref[...]
    acc = jnp.zeros((x.shape[0], efc.shape[2]), dtype=jnp.float32)
    for c in range(_N_C):
        f = x * w[c][None, :]
        n = jnp.sqrt(jnp.sum(f * f, axis=1, keepdims=True))
        fn = f / jnp.maximum(n, 1e-12)
        acc = acc + jnp.dot(fn, efc[c], preferred_element_type=jnp.float32)
    s = jnp.where(excl > 0.0, -1e30, acc * (1.0 / _N_C))
    out_ref[...] = s

    cnts = jnp.stack([jnp.sum((s > e_ref[0, j]).astype(jnp.int32))
                      for j in range(_NE)]).reshape(1, _NE)

    @pl.when(i == 0)
    def _():
        cnt_ref[...] = jnp.zeros_like(cnt_ref)

    cnt_ref[...] += cnts


def _count_kernel(s_ref, e_ref, cnt_ref):
    i = pl.program_id(0)
    s = s_ref[...]
    cnts = jnp.stack([jnp.sum((s > e_ref[0, j]).astype(jnp.int32))
                      for j in range(_NE)]).reshape(1, _NE)

    @pl.when(i == 0)
    def _():
        cnt_ref[...] = jnp.zeros_like(cnt_ref)

    cnt_ref[...] += cnts


def _out_kernel(s_ref, t_ref, h_ref, p_ref, g_ref, out_ref):
    t = t_ref[0, 0]
    h = h_ref[...]
    p = p_ref[...]
    g = g_ref[...]
    delta = (s_ref[...] > t).astype(jnp.float32)
    logit = jnp.log(p + 1e-8) - jnp.log(1.0 - p + 1e-8) + g
    soft = jax.nn.sigmoid(logit / _TEMP)
    hard = (soft > 0.5).astype(soft.dtype)
    mask = hard - soft + soft
    out_ref[...] = (h + delta) * mask


def _refine(edges, cnt, k):
    idx = jnp.sum((cnt >= k).astype(jnp.int32)) - 1
    step = edges[1] - edges[0]
    lo = edges[idx]
    return lo + step * jnp.arange(_NE, dtype=jnp.float32) / _NE


def kernel(X, H, V, E, incident_mask_prob, cos_weight):
    V = V.astype(jnp.int32)
    E = E.astype(jnp.int32)

    sums = jax.ops.segment_sum(X[V], E, num_segments=_M)
    counts = jax.ops.segment_sum(jnp.ones((_NNZ,), jnp.float32), E, num_segments=_M)
    eX = sums / jnp.maximum(counts, 1.0)[:, None]

    ef = eX[None, :, :] * cos_weight[:, None, :]
    en = jnp.sqrt(jnp.sum(ef * ef, axis=2, keepdims=True))
    efc = jnp.transpose(ef / jnp.maximum(en, 1e-12), (0, 2, 1))

    excl = jnp.zeros((_N, _M), jnp.float32).at[V, E].set(1.0)

    grid = _N // _BLK
    edges1 = jnp.linspace(-1.0, 1.0, _NE).astype(jnp.float32)
    S, cnt1 = pl.pallas_call(
        _s_kernel,
        grid=(grid,),
        in_specs=[
            pl.BlockSpec((_BLK, _EMB), lambda i: (i, 0)),
            pl.BlockSpec((_N_C, _EMB), lambda i: (0, 0)),
            pl.BlockSpec((_N_C, _EMB, _M), lambda i: (0, 0, 0)),
            pl.BlockSpec((_BLK, _M), lambda i: (i, 0)),
            pl.BlockSpec((1, _NE), lambda i: (0, 0)),
        ],
        out_specs=[
            pl.BlockSpec((_BLK, _M), lambda i: (i, 0)),
            pl.BlockSpec((1, _NE), lambda i: (0, 0)),
        ],
        out_shape=[
            jax.ShapeDtypeStruct((_N, _M), jnp.float32),
            jax.ShapeDtypeStruct((1, _NE), jnp.int32),
        ],
    )(X, cos_weight, efc, excl, edges1.reshape(1, _NE))

    k = max(1, int(_ADD_RATIO * _NNZ))

    count_call = pl.pallas_call(
        _count_kernel,
        grid=(grid,),
        in_specs=[
            pl.BlockSpec((_BLK, _M), lambda i: (i, 0)),
            pl.BlockSpec((1, _NE), lambda i: (0, 0)),
        ],
        out_specs=pl.BlockSpec((1, _NE), lambda i: (0, 0)),
        out_shape=jax.ShapeDtypeStruct((1, _NE), jnp.int32),
    )

    edges2 = _refine(edges1, cnt1[0], k)
    cnt2 = count_call(S, edges2.reshape(1, _NE))
    edges3 = _refine(edges2, cnt2[0], k)
    cnt3 = count_call(S, edges3.reshape(1, _NE))
    jstar = jnp.argmin(jnp.abs(cnt3[0] - k))
    t = edges3[jstar].reshape(1, 1)

    eps = jax.random.uniform(jax.random.key(42), (_N, _M),
                             minval=1e-6, maxval=1.0 - 1e-6, dtype=jnp.float32)
    g = jnp.log(eps) - jnp.log(1.0 - eps)

    out = pl.pallas_call(
        _out_kernel,
        grid=(grid,),
        in_specs=[
            pl.BlockSpec((_BLK, _M), lambda i: (i, 0)),
            pl.BlockSpec((1, 1), lambda i: (0, 0)),
            pl.BlockSpec((_BLK, _M), lambda i: (i, 0)),
            pl.BlockSpec((_BLK, _M), lambda i: (i, 0)),
            pl.BlockSpec((_BLK, _M), lambda i: (i, 0)),
        ],
        out_specs=pl.BlockSpec((_BLK, _M), lambda i: (i, 0)),
        out_shape=jax.ShapeDtypeStruct((_N, _M), jnp.float32),
    )(S, t, H, incident_mask_prob, g)
    return out

# --- scband reference (transcript-rebuilt; emitter-appended) ---
"""Pipeline reference for scband-hslpart2-47278999994503 (READ-ONLY COPY).

The authoritative reference and input builder live on the scoring server;
editing this copy changes nothing except your own understanding.
"""

import jax, jax.numpy as jnp
import numpy as np

N_C = 2
EMB = 32
ADD_RATIO = 0.1
TEMP = 0.5
N = 8192
M = 2048
NNZ = 131072


def _normalize(x, axis=-1, eps=1e-12):
    n = jnp.sqrt(jnp.sum(x * x, axis=axis, keepdims=True))
    return x / jnp.maximum(n, eps)


def setup_inputs(seed: int = 0) -> dict:
    key = jax.random.key(seed)
    k1, k2, k3, k4, k5, k6 = jax.random.split(key, 6)
    X = jax.random.normal(k1, (N, EMB), dtype=jnp.float32)
    H = jax.random.uniform(k2, (N, M), dtype=jnp.float32)
    V = jax.random.randint(k3, (NNZ,), 0, N, dtype=jnp.int64)
    E = jax.random.randint(k4, (NNZ,), 0, M, dtype=jnp.int64)
    incident_mask_prob = jax.random.uniform(k5, (N, M), dtype=jnp.float32)
    cos_weight = jax.random.normal(k6, (N_C, EMB), dtype=jnp.float32)
    return {"X": X, "H": H, "V": V, "E": E, "incident_mask_prob": incident_mask_prob, "cos_weight": cos_weight}


def reference(X, H, V, E, incident_mask_prob, cos_weight):
    # scatter-mean: eX[e] = mean of X[V] rows with segment id E == e
    sums = jax.ops.segment_sum(X[V], E, num_segments=M)
    counts = jax.ops.segment_sum(jnp.ones((NNZ,), dtype=X.dtype), E, num_segments=M)
    eX = sums / jnp.maximum(counts, 1.0)[:, None]
    # cosine-weighted similarity
    node_fc = jnp.transpose(_normalize(X[:, None, :] * cos_weight[None, :, :]), (1, 0, 2))  # [n_c, N, emb]
    edge_fc = jnp.transpose(_normalize(eX[:, None, :] * cos_weight[None, :, :]), (1, 2, 0))  # [n_c, emb, M]
    S = jnp.matmul(node_fc, edge_fc).mean(0)  # [N, M]
    S = S.at[V, E].set(-1e30)
    num_add = max(1, int(ADD_RATIO * NNZ))
    _, indices = jax.lax.top_k(S.reshape(-1), num_add)
    row = indices // M
    col = indices % M
    delta_H = jnp.zeros_like(H).at[row, col].set(1.0)
    enriched_H = H + delta_H
    # relaxed Bernoulli (Gumbel-sigmoid) node sampling with straight-through
    eps = jax.random.uniform(jax.random.key(42), incident_mask_prob.shape, minval=1e-6, maxval=1.0 - 1e-6, dtype=incident_mask_prob.dtype)
    logit = jnp.log(eps) - jnp.log(1.0 - eps)
    logit = jnp.log(incident_mask_prob + 1e-8) - jnp.log(1.0 - incident_mask_prob + 1e-8) + logit
    soft = jax.nn.sigmoid(logit / TEMP)
    hard = (soft > 0.5).astype(soft.dtype)
    incident_mask = hard - jax.lax.stop_gradient(soft) + soft
    return enriched_H * incident_mask

if __name__ == "__main__":
    import jax
    _d = setup_inputs()
    print(jax.jit(kernel)(*tuple(_d.values())))

</pallas_src>

<mosaic_0001>
module attributes {stable_mosaic.version = 14 : i64} {
  func.func @_s_kernel(%arg0: i32, %arg1: memref<256x32xf32, #tpu.memory_space<vmem>>, %arg2: memref<2x32xf32, #tpu.memory_space<vmem>>, %arg3: memref<2x32x2048xf32, #tpu.memory_space<vmem>>, %arg4: memref<256x2048xf32, #tpu.memory_space<vmem>>, %arg5: memref<1x64xf32, #tpu.memory_space<vmem>>, %arg6: memref<256x2048xf32, #tpu.memory_space<vmem>>, %arg7: memref<1x64xi32, #tpu.memory_space<vmem>>) attributes {dimension_semantics = [#tpu.dimension_semantics<arbitrary>], iteration_bounds = array<i64: 32>, scalar_prefetch = 0 : i64, scratch_operands = 0 : i64, tpu.core_type = #tpu.core_type<tc>, window_params = [{transform_indices = @transform_0, window_bounds = array<i64: 256, 32>}, {pipeline_mode = #tpu.pipeline_mode<synchronous>, transform_indices = @transform_1, window_bounds = array<i64: 2, 32>}, {pipeline_mode = #tpu.pipeline_mode<synchronous>, transform_indices = @transform_2, window_bounds = array<i64: 2, 32, 2048>}, {transform_indices = @transform_3, window_bounds = array<i64: 256, 2048>}, {pipeline_mode = #tpu.pipeline_mode<synchronous>, transform_indices = @transform_4, window_bounds = array<i64: 1, 64>}, {transform_indices = @transform_5, window_bounds = array<i64: 256, 2048>}, {pipeline_mode = #tpu.pipeline_mode<synchronous>, transform_indices = @transform_6, window_bounds = array<i64: 1, 64>}]} {
    %get3A = arith.constant 0 : index
    %get3A_0 = arith.constant 0 : index
    %get3A_1 = vector.load %arg1[%get3A, %get3A_0] : memref<256x32xf32, #tpu.memory_space<vmem>>, vector<256x32xf32>
    %get3A_2 = arith.constant 0 : index
    %get3A_3 = arith.constant 0 : index
    %get3A_4 = vector.load %arg2[%get3A_2, %get3A_3] : memref<2x32xf32, #tpu.memory_space<vmem>>, vector<2x32xf32>
    %get3A_5 = arith.constant 0 : index
    %get3A_6 = arith.constant 0 : index
    %get3A_7 = arith.constant 0 : index
    %get3A_8 = vector.load %arg3[%get3A_5, %get3A_6, %get3A_7] : memref<2x32x2048xf32, #tpu.memory_space<vmem>>, vector<2x32x2048xf32>
    %get3A_9 = arith.constant 0 : index
    %get3A_10 = arith.constant 0 : index
    %get3A_11 = vector.load %arg4[%get3A_9, %get3A_10] : memref<256x2048xf32, #tpu.memory_space<vmem>>, vector<256x2048xf32>
    %broadcast_in_dim3A = arith.constant 0.000000e+00 : f32
    %broadcast_in_dim3A_12 = vector.broadcast %broadcast_in_dim3A : f32 to vector<256x2048xf32>
    %slice3A = vector.extract_strided_slice %get3A_4 {offsets = [0, 0], sizes = [1, 32], strides = [1, 1]} : vector<2x32xf32> to vector<1x32xf32>
    %squeeze3A = vector.shape_cast %slice3A : vector<1x32xf32> to vector<32xf32>
    %broadcast_in_dim3A_13 = vector.shape_cast %squeeze3A : vector<32xf32> to vector<1x32xf32>
    %mul3A = vector.broadcast %broadcast_in_dim3A_13 : vector<1x32xf32> to vector<256x32xf32>
    %mul3A_14 = arith.mulf %get3A_1, %mul3A : vector<256x32xf32>
    %mul3A_15 = arith.mulf %mul3A_14, %mul3A_14 : vector<256x32xf32>
    %reduce_sum3A = arith.constant dense<0.000000e+00> : vector<256xf32>
    %reduce_sum3A_16 = vector.multi_reduction <add>, %mul3A_15, %reduce_sum3A [1] : vector<256x32xf32> to vector<256xf32>
    %broadcast_in_dim3A_17 = vector.shape_cast %reduce_sum3A_16 : vector<256xf32> to vector<256x1xf32>
    %sqrt3A = math.sqrt %broadcast_in_dim3A_17 : vector<256x1xf32>
    %max3A = arith.constant 9.99999996E-13 : f32
    %max3A_18 = vector.broadcast %max3A : f32 to vector<256x1xf32>
    %max3A_19 = arith.maximumf %sqrt3A, %max3A_18 : vector<256x1xf32>
    %div3A = vector.broadcast %max3A_19 : vector<256x1xf32> to vector<256x32xf32>
    %div3A_20 = arith.divf %mul3A_14, %div3A : vector<256x32xf32>
    %slice3A_21 = vector.extract_strided_slice %get3A_8 {offsets = [0, 0, 0], sizes = [1, 32, 2048], strides = [1, 1, 1]} : vector<2x32x2048xf32> to vector<1x32x2048xf32>
    %squeeze3A_22 = vector.shape_cast %slice3A_21 : vector<1x32x2048xf32> to vector<32x2048xf32>
    %dot_general3A = arith.constant dense<0.000000e+00> : vector<256x2048xf32>
    %dot_general3A_23 = tpu.matmul %div3A_20, %squeeze3A_22, %dot_general3A {dimension_numbers = #tpu.dot_dimension_numbers<[1], [0], [0], [1], [0, 0, 1, 1], [], []>, transpose_lhs_hint = false} : vector<256x32xf32>, vector<32x2048xf32>, vector<256x2048xf32> -> vector<256x2048xf32>
    %add3A = arith.addf %broadcast_in_dim3A_12, %dot_general3A_23 : vector<256x2048xf32>
    %slice3A_24 = vector.extract_strided_slice %get3A_4 {offsets = [1, 0], sizes = [1, 32], strides = [1, 1]} : vector<2x32xf32> to vector<1x32xf32>
    %squeeze3A_25 = vector.shape_cast %slice3A_24 : vector<1x32xf32> to vector<32xf32>
    %broadcast_in_dim3A_26 = vector.shape_cast %squeeze3A_25 : vector<32xf32> to vector<1x32xf32>
    %mul3A_27 = vector.broadcast %broadcast_in_dim3A_26 : vector<1x32xf32> to vector<256x32xf32>
    %mul3A_28 = arith.mulf %get3A_1, %mul3A_27 : vector<256x32xf32>
    %mul3A_29 = arith.mulf %mul3A_28, %mul3A_28 : vector<256x32xf32>
    %reduce_sum3A_30 = arith.constant dense<0.000000e+00> : vector<256xf32>
    %reduce_sum3A_31 = vector.multi_reduction <add>, %mul3A_29, %reduce_sum3A_30 [1] : vector<256x32xf32> to vector<256xf32>
    %broadcast_in_dim3A_32 = vector.shape_cast %reduce_sum3A_31 : vector<256xf32> to vector<256x1xf32>
    %sqrt3A_33 = math.sqrt %broadcast_in_dim3A_32 : vector<256x1xf32>
    %max3A_34 = arith.constant 9.99999996E-13 : f32
    %max3A_35 = vector.broadcast %max3A_34 : f32 to vector<256x1xf32>
    %max3A_36 = arith.maximumf %sqrt3A_33, %max3A_35 : vector<256x1xf32>
    %div3A_37 = vector.broadcast %max3A_36 : vector<256x1xf32> to vector<256x32xf32>
    %div3A_38 = arith.divf %mul3A_28, %div3A_37 : vector<256x32xf32>
    %slice3A_39 = vector.extract_strided_slice %get3A_8 {offsets = [1, 0, 0], sizes = [1, 32, 2048], strides = [1, 1, 1]} : vector<2x32x2048xf32> to vector<1x32x2048xf32>
    %squeeze3A_40 = vector.shape_cast %slice3A_39 : vector<1x32x2048xf32> to vector<32x2048xf32>
    %dot_general3A_41 = arith.constant dense<0.000000e+00> : vector<256x2048xf32>
    %dot_general3A_42 = tpu.matmul %div3A_38, %squeeze3A_40, %dot_general3A_41 {dimension_numbers = #tpu.dot_dimension_numbers<[1], [0], [0], [1], [0, 0, 1, 1], [], []>, transpose_lhs_hint = false} : vector<256x32xf32>, vector<32x2048xf32>, vector<256x2048xf32> -> vector<256x2048xf32>
    %add3A_43 = arith.addf %add3A, %dot_general3A_42 : vector<256x2048xf32>
    %gt3A = arith.constant 0.000000e+00 : f32
    %gt3A_44 = vector.broadcast %gt3A : f32 to vector<256x2048xf32>
    %gt3A_45 = arith.cmpf ogt, %get3A_11, %gt3A_44 : vector<256x2048xf32>
    %mul3A_46 = arith.constant 5.000000e-01 : f32
    %mul3A_47 = vector.broadcast %mul3A_46 : f32 to vector<256x2048xf32>
    %mul3A_48 = arith.mulf %add3A_43, %mul3A_47 : vector<256x2048xf32>
    %jit3A = arith.constant -1.000000e+30 : f32
    %broadcast_in_dim3A_49 = vector.broadcast %jit3A : f32 to vector<256x2048xf32>
    %select_n3A = arith.select %gt3A_45, %broadcast_in_dim3A_49, %mul3A_48 : vector<256x2048xi1>, vector<256x2048xf32>
    %swap3A = arith.constant 0 : index
    %swap3A_50 = arith.constant 0 : index
    %swap3A_51 = vector.load %arg6[%swap3A, %swap3A_50] : memref<256x2048xf32, #tpu.memory_space<vmem>>, vector<256x2048xf32>
    tpu.vector_store %arg6[%swap3A, %swap3A_50], %select_n3A {strides = array<i32>} : memref<256x2048xf32, #tpu.memory_space<vmem>>, vector<256x2048xf32>,
    %get3A_52 = arith.constant 0 : index
    %get3A_53 = arith.constant 0 : index
    %get3A_54 = vector.load %arg5[%get3A_52, %get3A_53] : memref<1x64xf32, #tpu.memory_space<vmem>>, vector<1x1xf32>
    %get3A_55 = vector.extract %get3A_54[0, 0] : f32 from vector<1x1xf32>
    %gt3A_56 = vector.broadcast %get3A_55 : f32 to vector<256x2048xf32>
    %gt3A_57 = arith.cmpf ogt, %select_n3A, %gt3A_56 : vector<256x2048xf32>
    %convert_element_type3A = arith.extui %gt3A_57 : vector<256x2048xi1> to vector<256x2048xi32>
    %reduce_sum3A_58 = vector.shape_cast %convert_element_type3A : vector<256x2048xi32> to vector<1x256x2048xi32>
    %reduce_sum3A_59 = arith.constant dense<0> : vector<1xi32>
    %reduce_sum3A_60 = vector.multi_reduction <add>, %reduce_sum3A_58, %reduce_sum3A_59 [1, 2] : vector<1x256x2048xi32> to vector<1xi32>
    %reduce_sum3A_61 = vector.shape_cast %reduce_sum3A_60 : vector<1xi32> to vector<1x1x1xi32>
    %reduce_sum3A_62 = vector.extract %reduce_sum3A_61[0, 0, 0] : i32 from vector<1x1x1xi32>
    %get3A_63 = arith.constant 0 : index
    %get3A_64 = arith.constant 1 : index
    %get3A_65 = vector.load %arg5[%get3A_63, %get3A_64] : memref<1x64xf32, #tpu.memory_space<vmem>>, vector<1x1xf32>
    %get3A_66 = vector.extract %get3A_65[0, 0] : f32 from vector<1x1xf32>
    %gt3A_67 = vector.broadcast %get3A_66 : f32 to vector<256x2048xf32>
    %gt3A_68 = arith.cmpf ogt, %select_n3A, %gt3A_67 : vector<256x2048xf32>
    %convert_element_type3A_69 = arith.extui %gt3A_68 : vector<256x2048xi1> to vector<256x2048xi32>
    %reduce_sum3A_70 = vector.shape_cast %convert_element_type3A_69 : vector<256x2048xi32> to vector<1x256x2048xi32>
    %reduce_sum3A_71 = arith.constant dense<0> : vector<1xi32>
    %reduce_sum3A_72 = vector.multi_reduction <add>, %reduce_sum3A_70, %reduce_sum3A_71 [1, 2] : vector<1x256x2048xi32> to vector<1xi32>
    %reduce_sum3A_73 = vector.shape_cast %reduce_sum3A_72 : vector<1xi32> to vector<1x1x1xi32>
    %reduce_sum3A_74 = vector.extract %reduce_sum3A_73[0, 0, 0] : i32 from vector<1x1x1xi32>
    %get3A_75 = arith.constant 0 : index
    %get3A_76 = arith.constant 2 : index
    %get3A_77 = vector.load %arg5[%get3A_75, %get3A_76] : memref<1x64xf32, #tpu.memory_space<vmem>>, vector<1x1xf32>
    %get3A_78 = vector.extract %get3A_77[0, 0] : f32 from vector<1x1xf32>
    %gt3A_79 = vector.broadcast %get3A_78 : f32 to vector<256x2048xf32>
    %gt3A_80 = arith.cmpf ogt, %select_n3A, %gt3A_79 : vector<256x2048xf32>
    %convert_element_type3A_81 = arith.extui %gt3A_80 : vector<256x2048xi1> to vector<256x2048xi32>
    %reduce_sum3A_82 = vector.shape_cast %convert_element_type3A_81 : vector<256x2048xi32> to vector<1x256x2048xi32>
    %reduce_sum3A_83 = arith.constant dense<0> : vector<1xi32>
    %reduce_sum3A_84 = vector.multi_reduction <add>, %reduce_sum3A_82, %reduce_sum3A_83 [1, 2] : vector<1x256x2048xi32> to vector<1xi32>
    %reduce_sum3A_85 = vector.shape_cast %reduce_sum3A_84 : vector<1xi32> to vector<1x1x1xi32>
    %reduce_sum3A_86 = vector.extract %reduce_sum3A_85[0, 0, 0] : i32 from vector<1x1x1xi32>
    %get3A_87 = arith.constant 0 : index
    %get3A_88 = arith.constant 3 : index
    %get3A_89 = vector.load %arg5[%get3A_87, %get3A_88] : memref<1x64xf32, #tpu.memory_space<vmem>>, vector<1x1xf32>
    %get3A_90 = vector.extract %get3A_89[0, 0] : f32 from vector<1x1xf32>
    %gt3A_91 = vector.broadcast %get3A_90 : f32 to vector<256x2048xf32>
    %gt3A_92 = arith.cmpf ogt, %select_n3A, %gt3A_91 : vector<256x2048xf32>
    %convert_element_type3A_93 = arith.extui %gt3A_92 : vector<256x2048xi1> to vector<256x2048xi32>
    %reduce_sum3A_94 = vector.shape_cast %convert_element_type3A_93 : vector<256x2048xi32> to vector<1x256x2048xi32>
    %reduce_sum3A_95 = arith.constant dense<0> : vector<1xi32>
    %reduce_sum3A_96 = vector.multi_reduction <add>, %reduce_sum3A_94, %reduce_sum3A_95 [1, 2] : vector<1x256x2048xi32> to vector<1xi32>
    %reduce_sum3A_97 = vector.shape_cast %reduce_sum3A_96 : vector<1xi32> to vector<1x1x1xi32>
    %reduce_sum3A_98 = vector.extract %reduce_sum3A_97[0, 0, 0] : i32 from vector<1x1x1xi32>
    %get3A_99 = arith.constant 0 : index
    %get3A_100 = arith.constant 4 : index
    %get3A_101 = vector.load %arg5[%get3A_99, %get3A_100] : memref<1x64xf32, #tpu.memory_space<vmem>>, vector<1x1xf32>
    %get3A_102 = vector.extract %get3A_101[0, 0] : f32 from vector<1x1xf32>
    %gt3A_103 = vector.broadcast %get3A_102 : f32 to vector<256x2048xf32>
    %gt3A_104 = arith.cmpf ogt, %select_n3A, %gt3A_103 : vector<256x2048xf32>
    %convert_element_type3A_105 = arith.extui %gt3A_104 : vector<256x2048xi1> to vector<256x2048xi32>
    %reduce_sum3A_106 = vector.shape_cast %convert_element_type3A_105 : vector<256x2048xi32> to vector<1x256x2048xi32>
    %reduce_sum3A_107 = arith.constant dense<0> : vector<1xi32>
    %reduce_sum3A_108 = vector.multi_reduction <add>, %reduce_sum3A_106, %reduce_sum3A_107 [1, 2] : vector<1x256x2048xi32> to vector<1xi32>
    %reduce_sum3A_109 = vector.shape_cast %reduce_sum3A_108 : vector<1xi32> to vector<1x1x1xi32>
    %reduce_sum3A_110 = vector.extract %reduce_sum3A_109[0, 0, 0] : i32 from vector<1x1x1xi32>
    %get3A_111 = arith.constant 0 : index
    %get3A_112 = arith.constant 5 : index
    %get3A_113 = vector.load %arg5[%get3A_111, %get3A_112] : memref<1x64xf32, #tpu.memory_space<vmem>>, vector<1x1xf32>
    %get3A_114 = vector.extract %get3A_113[0, 0] : f32 from vector<1x1xf32>
    %gt3A_115 = vector.broadcast %get3A_114 : f32 to vector<256x2048xf32>
    %gt3A_116 = arith.cmpf ogt, %select_n3A, %gt3A_115 : vector<256x2048xf32>
    %convert_element_type3A_117 = arith.extui %gt3A_116 : vector<256x2048xi1> to vector<256x2048xi32>
    %reduce_sum3A_118 = vector.shape_cast %convert_element_type3A_117 : vector<256x2048xi32> to vector<1x256x2048xi32>
    %reduce_sum3A_119 = arith.constant dense<0> : vector<1xi32>
    %reduce_sum3A_120 = vector.multi_reduction <add>, %reduce_sum3A_118, %reduce_sum3A_119 [1, 2] : vector<1x256x2048xi32> to vector<1xi32>
    %reduce_sum3A_121 = vector.shape_cast %reduce_sum3A_120 : vector<1xi32> to vector<1x1x1xi32>
    %reduce_sum3A_122 = vector.extract %reduce_sum3A_121[0, 0, 0] : i32 from vector<1x1x1xi32>
    %get3A_123 = arith.constant 0 : index
    %get3A_124 = arith.constant 6 : index
    %get3A_125 = vector.load %arg5[%get3A_123, %get3A_124] : memref<1x64xf32, #tpu.memory_space<vmem>>, vector<1x1xf32>
    %get3A_126 = vector.extract %get3A_125[0, 0] : f32 from vector<1x1xf32>
    %gt3A_127 = vector.broadcast %get3A_126 : f32 to vector<256x2048xf32>
    %gt3A_128 = arith.cmpf ogt, %select_n3A, %gt3A_127 : vector<256x2048xf32>
    %convert_element_type3A_129 = arith.extui %gt3A_128 : vector<256x2048xi1> to vector<256x2048xi32>
    %reduce_sum3A_130 = vector.shape_cast %convert_element_type3A_129 : vector<256x2048xi32> to vector<1x256x2048xi32>
    %reduce_sum3A_131 = arith.constant dense<0> : vector<1xi32>
    %reduce_sum3A_132 = vector.multi_reduction <add>, %reduce_sum3A_130, %reduce_sum3A_131 [1, 2] : vector<1x256x2048xi32> to vector<1xi32>
    %reduce_sum3A_133 = vector.shape_cast %reduce_sum3A_132 : vector<1xi32> to vector<1x1x1xi32>
    %reduce_sum3A_134 = vector.extract %reduce_sum3A_133[0, 0, 0] : i32 from vector<1x1x1xi32>
    %get3A_135 = arith.constant 0 : index
    %get3A_136 = arith.constant 7 : index
    %get3A_137 = vector.load %arg5[%get3A_135, %get3A_136] : memref<1x64xf32, #tpu.memory_space<vmem>>, vector<1x1xf32>
    %get3A_138 = vector.extract %get3A_137[0, 0] : f32 from vector<1x1xf32>
    %gt3A_139 = vector.broadcast %get3A_138 : f32 to vector<256x2048xf32>
    %gt3A_140 = arith.cmpf ogt, %select_n3A, %gt3A_139 : vector<256x2048xf32>
    %convert_element_type3A_141 = arith.extui %gt3A_140 : vector<256x2048xi1> to vector<256x2048xi32>
    %reduce_sum3A_142 = vector.shape_cast %convert_element_type3A_141 : vector<256x2048xi32> to vector<1x256x2048xi32>
    %reduce_sum3A_143 = arith.constant dense<0> : vector<1xi32>
    %reduce_sum3A_144 = vector.multi_reduction <add>, %reduce_sum3A_142, %reduce_sum3A_143 [1, 2] : vector<1x256x2048xi32> to vector<1xi32>
    %reduce_sum3A_145 = vector.shape_cast %reduce_sum3A_144 : vector<1xi32> to vector<1x1x1xi32>
    %reduce_sum3A_146 = vector.extract %reduce_sum3A_145[0, 0, 0] : i32 from vector<1x1x1xi32>
    %get3A_147 = arith.constant 0 : index
    %get3A_148 = arith.constant 8 : index
    %get3A_149 = vector.load %arg5[%get3A_147, %get3A_148] : memref<1x64xf32, #tpu.memory_space<vmem>>, vector<1x1xf32>
    %get3A_150 = vector.extract %get3A_149[0, 0] : f32 from vector<1x1xf32>
    %gt3A_151 = vector.broadcast %get3A_150 : f32 to vector<256x2048xf32>
    %gt3A_152 = arith.cmpf ogt, %select_n3A, %gt3A_151 : vector<256x2048xf32>
    %convert_element_type3A_153 = arith.extui %gt3A_152 : vector<256x2048xi1> to vector<256x2048xi32>
    %reduce_sum3A_154 = vector.shape_cast %convert_element_type3A_153 : vector<256x2048xi32> to vector<1x256x2048xi32>
    %reduce_sum3A_155 = arith.constant dense<0> : vector<1xi32>
    %reduce_sum3A_156 = vector.multi_reduction <add>, %reduce_sum3A_154, %reduce_sum3A_155 [1, 2] : vector<1x256x2048xi32> to vector<1xi32>
    %reduce_sum3A_157 = vector.shape_cast %reduce_sum3A_156 : vector<1xi32> to vector<1x1x1xi32>
    %reduce_sum3A_158 = vector.extract %reduce_sum3A_157[0, 0, 0] : i32 from vector<1x1x1xi32>
    %get3A_159 = arith.constant 0 : index
    %get3A_160 = arith.constant 9 : index
    %get3A_161 = vector.load %arg5[%get3A_159, %get3A_160] : memref<1x64xf32, #tpu.memory_space<vmem>>, vector<1x1xf32>
    %get3A_162 = vector.extract %get3A_161[0, 0] : f32 from vector<1x1xf32>
    %gt3A_163 = vector.broadcast %get3A_162 : f32 to vector<256x2048xf32>
    %gt3A_164 = arith.cmpf ogt, %select_n3A, %gt3A_163 : vector<256x2048xf32>
    %convert_element_type3A_165 = arith.extui %gt3A_164 : vector<256x2048xi1> to vector<256x2048xi32>
    %reduce_sum3A_166 = vector.shape_cast %convert_element_type3A_165 : vector<256x2048xi32> to vector<1x256x2048xi32>
    %reduce_sum3A_167 = arith.constant dense<0> : vector<1xi32>
    %reduce_sum3A_168 = vector.multi_reduction <add>, %reduce_sum3A_166, %reduce_sum3A_167 [1, 2] : vector<1x256x2048xi32> to vector<1xi32>
    %reduce_sum3A_169 = vector.shape_cast %reduce_sum3A_168 : vector<1xi32> to vector<1x1x1xi32>
    %reduce_sum3A_170 = vector.extract %reduce_sum3A_169[0, 0, 0] : i32 from vector<1x1x1xi32>
    %get3A_171 = arith.constant 0 : index
    %get3A_172 = arith.constant 10 : index
    %get3A_173 = vector.load %arg5[%get3A_171, %get3A_172] : memref<1x64xf32, #tpu.memory_space<vmem>>, vector<1x1xf32>
    %get3A_174 = vector.extract %get3A_173[0, 0] : f32 from vector<1x1xf32>
    %gt3A_175 = vector.broadcast %get3A_174 : f32 to vector<256x2048xf32>
    %gt3A_176 = arith.cmpf ogt, %select_n3A, %gt3A_175 : vector<256x2048xf32>
    %convert_element_type3A_177 = arith.extui %gt3A_176 : vector<256x2048xi1> to vector<256x2048xi32>
    %reduce_sum3A_178 = vector.shape_cast %convert_element_type3A_177 : vector<256x2048xi32> to vector<1x256x2048xi32>
    %reduce_sum3A_179 = arith.constant dense<0> : vector<1xi32>
    %reduce_sum3A_180 = vector.multi_reduction <add>, %reduce_sum3A_178, %reduce_sum3A_179 [1, 2] : vector<1x256x2048xi32> to vector<1xi32>
    %reduce_sum3A_181 = vector.shape_cast %reduce_sum3A_180 : vector<1xi32> to vector<1x1x1xi32>
    %reduce_sum3A_182 = vector.extract %reduce_sum3A_181[0, 0, 0] : i32 from vector<1x1x1xi32>
    %get3A_183 = arith.constant 0 : index
    %get3A_184 = arith.constant 11 : index
    %get3A_185 = vector.load %arg5[%get3A_183, %get3A_184] : memref<1x64xf32, #tpu.memory_space<vmem>>, vector<1x1xf32>
    %get3A_186 = vector.extract %get3A_185[0, 0] : f32 from vector<1x1xf32>
    %gt3A_187 = vector.broadcast %get3A_186 : f32 to vector<256x2048xf32>
    %gt3A_188 = arith.cmpf ogt, %select_n3A, %gt3A_187 : vector<256x2048xf32>
    %convert_element_type3A_189 = arith.extui %gt3A_188 : vector<256x2048xi1> to vector<256x2048xi32>
    %reduce_sum3A_190 = vector.shape_cast %convert_element_type3A_189 : vector<256x2048xi32> to vector<1x256x2048xi32>
    %reduce_sum3A_191 = arith.constant dense<0> : vector<1xi32>
    %reduce_sum3A_192 = vector.multi_reduction <add>, %reduce_sum3A_190, %reduce_sum3A_191 [1, 2] : vector<1x256x2048xi32> to vector<1xi32>
    %reduce_sum3A_193 = vector.shape_cast %reduce_sum3A_192 : vector<1xi32> to vector<1x1x1xi32>
    %reduce_sum3A_194 = vector.extract %reduce_sum3A_193[0, 0, 0] : i32 from vector<1x1x1xi32>
    %get3A_195 = arith.constant 0 : index
    %get3A_196 = arith.constant 12 : index
    %get3A_197 = vector.load %arg5[%get3A_195, %get3A_196] : memref<1x64xf32, #tpu.memory_space<vmem>>, vector<1x1xf32>
    %get3A_198 = vector.extract %get3A_197[0, 0] : f32 from vector<1x1xf32>
    %gt3A_199 = vector.broadcast %get3A_198 : f32 to vector<256x2048xf32>
    %gt3A_200 = arith.cmpf ogt, %select_n3A, %gt3A_199 : vector<256x2048xf32>
    %convert_element_type3A_201 = arith.extui %gt3A_200 : vector<256x2048xi1> to vector<256x2048xi32>
    %reduce_sum3A_202 = vector.shape_cast %convert_element_type3A_201 : vector<256x2048xi32> to vector<1x256x2048xi32>
    %reduce_sum3A_203 = arith.constant dense<0> : vector<1xi32>
    %reduce_sum3A_204 = vector.multi_reduction <add>, %reduce_sum3A_202, %reduce_sum3A_203 [1, 2] : vector<1x256x2048xi32> to vector<1xi32>
    %reduce_sum3A_205 = vector.shape_cast %reduce_sum3A_204 : vector<1xi32> to vector<1x1x1xi32>
    %reduce_sum3A_206 = vector.extract %reduce_sum3A_205[0, 0, 0] : i32 from vector<1x1x1xi32>
    %get3A_207 = arith.constant 0 : index
    %get3A_208 = arith.constant 13 : index
    %get3A_209 = vector.load %arg5[%get3A_207, %get3A_208] : memref<1x64xf32, #tpu.memory_space<vmem>>, vector<1x1xf32>
    %get3A_210 = vector.extract %get3A_209[0, 0] : f32 from vector<1x1xf32>
    %gt3A_211 = vector.broadcast %get3A_210 : f32 to vector<256x2048xf32>
    %gt3A_212 = arith.cmpf ogt, %select_n3A, %gt3A_211 : vector<256x2048xf32>
    %convert_element_type3A_213 = arith.extui %gt3A_212 : vector<256x2048xi1> to vector<256x2048xi32>
    %reduce_sum3A_214 = vector.shape_cast %convert_element_type3A_213 : vector<256x2048xi32> to vector<1x256x2048xi32>
    %reduce_sum3A_215 = arith.constant dense<0> : vector<1xi32>
    %reduce_sum3A_216 = vector.multi_reduction <add>, %reduce_sum3A_214, %reduce_sum3A_215 [1, 2] : vector<1x256x2048xi32> to vector<1xi32>
    %reduce_sum3A_217 = vector.shape_cast %reduce_sum3A_216 : vector<1xi32> to vector<1x1x1xi32>
    %reduce_sum3A_218 = vector.extract %reduce_sum3A_217[0, 0, 0] : i32 from vector<1x1x1xi32>
    %get3A_219 = arith.constant 0 : index
    %get3A_220 = arith.constant 14 : index
    %get3A_221 = vector.load %arg5[%get3A_219, %get3A_220] : memref<1x64xf32, #tpu.memory_space<vmem>>, vector<1x1xf32>
    %get3A_222 = vector.extract %get3A_221[0, 0] : f32 from vector<1x1xf32>
    %gt3A_223 = vector.broadcast %get3A_222 : f32 to vector<256x2048xf32>
    %gt3A_224 = arith.cmpf ogt, %select_n3A, %gt3A_223 : vector<256x2048xf32>
    %convert_element_type3A_225 = arith.extui %gt3A_224 : vector<256x2048xi1> to vector<256x2048xi32>
    %reduce_sum3A_226 = vector.shape_cast %convert_element_type3A_225 : vector<256x2048xi32> to vector<1x256x2048xi32>
    %reduce_sum3A_227 = arith.constant dense<0> : vector<1xi32>
    %reduce_sum3A_228 = vector.multi_reduction <add>, %reduce_sum3A_226, %reduce_sum3A_227 [1, 2] : vector<1x256x2048xi32> to vector<1xi32>
    %reduce_sum3A_229 = vector.shape_cast %reduce_sum3A_228 : vector<1xi32> to vector<1x1x1xi32>
    %reduce_sum3A_230 = vector.extract %reduce_sum3A_229[0, 0, 0] : i32 from vector<1x1x1xi32>
    %get3A_231 = arith.constant 0 : index
    %get3A_232 = arith.constant 15 : index
    %get3A_233 = vector.load %arg5[%get3A_231, %get3A_232] : memref<1x64xf32, #tpu.memory_space<vmem>>, vector<1x1xf32>
    %get3A_234 = vector.extract %get3A_233[0, 0] : f32 from vector<1x1xf32>
    %gt3A_235 = vector.broadcast %get3A_234 : f32 to vector<256x2048xf32>
    %gt3A_236 = arith.cmpf ogt, %select_n3A, %gt3A_235 : vector<256x2048xf32>
    %convert_element_type3A_237 = arith.extui %gt3A_236 : vector<256x2048xi1> to vector<256x2048xi32>
    %reduce_sum3A_238 = vector.shape_cast %convert_element_type3A_237 : vector<256x2048xi32> to vector<1x256x2048xi32>
    %reduce_sum3A_239 = arith.constant dense<0> : vector<1xi32>
    %reduce_sum3A_240 = vector.multi_reduction <add>, %reduce_sum3A_238, %reduce_sum3A_239 [1, 2] : vector<1x256x2048xi32> to vector<1xi32>
    %reduce_sum3A_241 = vector.shape_cast %reduce_sum3A_240 : vector<1xi32> to vector<1x1x1xi32>
    %reduce_sum3A_242 = vector.extract %reduce_sum3A_241[0, 0, 0] : i32 from vector<1x1x1xi32>
    %get3A_243 = arith.constant 0 : index
    %get3A_244 = arith.constant 16 : index
    %get3A_245 = vector.load %arg5[%get3A_243, %get3A_244] : memref<1x64xf32, #tpu.memory_space<vmem>>, vector<1x1xf32>
    %get3A_246 = vector.extract %get3A_245[0, 0] : f32 from vector<1x1xf32>
    %gt3A_247 = vector.broadcast %get3A_246 : f32 to vector<256x2048xf32>
    %gt3A_248 = arith.cmpf ogt, %select_n3A, %gt3A_247 : vector<256x2048xf32>
    %convert_element_type3A_249 = arith.extui %gt3A_248 : vector<256x2048xi1> to vector<256x2048xi32>
    %reduce_sum3A_250 = vector.shape_cast %convert_element_type3A_249 : vector<256x2048xi32> to vector<1x256x2048xi32>
    %reduce_sum3A_251 = arith.constant dense<0> : vector<1xi32>
    %reduce_sum3A_252 = vector.multi_reduction <add>, %reduce_sum3A_250, %reduce_sum3A_251 [1, 2] : vector<1x256x2048xi32> to vector<1xi32>
    %reduce_sum3A_253 = vector.shape_cast %reduce_sum3A_252 : vector<1xi32> to vector<1x1x1xi32>
    %reduce_sum3A_254 = vector.extract %reduce_sum3A_253[0, 0, 0] : i32 from vector<1x1x1xi32>
    %get3A_255 = arith.constant 0 : index
    %get3A_256 = arith.constant 17 : index
    %get3A_257 = vector.load %arg5[%get3A_255, %get3A_256] : memref<1x64xf32, #tpu.memory_space<vmem>>, vector<1x1xf32>
    %get3A_258 = vector.extract %get3A_257[0, 0] : f32 from vector<1x1xf32>
    %gt3A_259 = vector.broadcast %get3A_258 : f32 to vector<256x2048xf32>
    %gt3A_260 = arith.cmpf ogt, %select_n3A, %gt3A_259 : vector<256x2048xf32>
    %convert_element_type3A_261 = arith.extui %gt3A_260 : vector<256x2048xi1> to vector<256x2048xi32>
    %reduce_sum3A_262 = vector.shape_cast %convert_element_type3A_261 : vector<256x2048xi32> to vector<1x256x2048xi32>
    %reduce_sum3A_263 = arith.constant dense<0> : vector<1xi32>
    %reduce_sum3A_264 = vector.multi_reduction <add>, %reduce_sum3A_262, %reduce_sum3A_263 [1, 2] : vector<1x256x2048xi32> to vector<1xi32>
    %reduce_sum3A_265 = vector.shape_cast %reduce_sum3A_264 : vector<1xi32> to vector<1x1x1xi32>
    %reduce_sum3A_266 = vector.extract %reduce_sum3A_265[0, 0, 0] : i32 from vector<1x1x1xi32>
    %get3A_267 = arith.constant 0 : index
    %get3A_268 = arith.constant 18 : index
    %get3A_269 = vector.load %arg5[%get3A_267, %get3A_268] : memref<1x64xf32, #tpu.memory_space<vmem>>, vector<1x1xf32>
    %get3A_270 = vector.extract %get3A_269[0, 0] : f32 from vector<1x1xf32>
    %gt3A_271 = vector.broadcast %get3A_270 : f32 to vector<256x2048xf32>
    %gt3A_272 = arith.cmpf ogt, %select_n3A, %gt3A_271 : vector<256x2048xf32>
    %convert_element_type3A_273 = arith.extui %gt3A_272 : vector<256x2048xi1> to vector<256x2048xi32>
    %reduce_sum3A_274 = vector.shape_cast %convert_element_type3A_273 : vector<256x2048xi32> to vector<1x256x2048xi32>
    %reduce_sum3A_275 = arith.constant dense<0> : vector<1xi32>
    %reduce_sum3A_276 = vector.multi_reduction <add>, %reduce_sum3A_274, %reduce_sum3A_275 [1, 2] : vector<1x256x2048xi32> to vector<1xi32>
    %reduce_sum3A_277 = vector.shape_cast %reduce_sum3A_276 : vector<1xi32> to vector<1x1x1xi32>
    %reduce_sum3A_278 = vector.extract %reduce_sum3A_277[0, 0, 0] : i32 from vector<1x1x1xi32>
    %get3A_279 = arith.constant 0 : index
    %get3A_280 = arith.constant 19 : index
    %get3A_281 = vector.load %arg5[%get3A_279, %get3A_280] : memref<1x64xf32, #tpu.memory_space<vmem>>, vector<1x1xf32>
    %get3A_282 = vector.extract %get3A_281[0, 0] : f32 from vector<1x1xf32>
    %gt3A_283 = vector.broadcast %get3A_282 : f32 to vector<256x2048xf32>
    %gt3A_284 = arith.cmpf ogt, %select_n3A, %gt3A_283 : vector<256x2048xf32>
    %convert_element_type3A_285 = arith.extui %gt3A_284 : vector<256x2048xi1> to vector<256x2048xi32>
    %reduce_sum3A_286 = vector.shape_cast %convert_element_type3A_285 : vector<256x2048xi32> to vector<1x256x2048xi32>
    %reduce_sum3A_287 = arith.constant dense<0> : vector<1xi32>
    %reduce_sum3A_288 = vector.multi_reduction <add>, %reduce_sum3A_286, %reduce_sum3A_287 [1, 2] : vector<1x256x2048xi32> to vector<1xi32>
    %reduce_sum3A_289 = vector.shape_cast %reduce_sum3A_288 : vector<1xi32> to vector<1x1x1xi32>
    %reduce_sum3A_290 = vector.extract %reduce_sum3A_289[0, 0, 0] : i32 from vector<1x1x1xi32>
    %get3A_291 = arith.constant 0 : index
    %get3A_292 = arith.constant 20 : index
    %get3A_293 = vector.load %arg5[%get3A_291, %get3A_292] : memref<1x64xf32, #tpu.memory_space<vmem>>, vector<1x1xf32>
    %get3A_294 = vector.extract %get3A_293[0, 0] : f32 from vector<1x1xf32>
    %gt3A_295 = vector.broadcast %get3A_294 : f32 to vector<256x2048xf32>
    %gt3A_296 = arith.cmpf ogt, %select_n3A, %gt3A_295 : vector<256x2048xf32>
    %convert_element_type3A_297 = arith.extui %gt3A_296 : vector<256x2048xi1> to vector<256x2048xi32>
    %reduce_sum3A_298 = vector.shape_cast %convert_element_type3A_297 : vector<256x2048xi32> to vector<1x256x2048xi32>
    %reduce_sum3A_299 = arith.constant dense<0> : vector<1xi32>
    %reduce_sum3A_300 = vector.multi_reduction <add>, %reduce_sum3A_298, %reduce_sum3A_299 [1, 2] : vector<1x256x2048xi32> to vector<1xi32>
    %reduce_sum3A_301 = vector.shape_cast %reduce_sum3A_300 : vector<1xi32> to vector<1x1x1xi32>
    %reduce_sum3A_302 = vector.extract %reduce_sum3A_301[0, 0, 0] : i32 from vector<1x1x1xi32>
    %get3A_303 = arith.constant 0 : index
    %get3A_304 = arith.constant 21 : index
    %get3A_305 = vector.load %arg5[%get3A_303, %get3A_304] : memref<1x64xf32, #tpu.memory_space<vmem>>, vector<1x1xf32>
    %get3A_306 = vector.extract %get3A_305[0, 0] : f32 from vector<1x1xf32>
    %gt3A_307 = vector.broadcast %get3A_306 : f32 to vector<256x2048xf32>
    %gt3A_308 = arith.cmpf ogt, %select_n3A, %gt3A_307 : vector<256x2048xf32>
    %convert_element_type3A_309 = arith.extui %gt3A_308 : vector<256x2048xi1> to vector<256x2048xi32>
    %reduce_sum3A_310 = vector.shape_cast %convert_element_type3A_309 : vector<256x2048xi32> to vector<1x256x2048xi32>
    %reduce_sum3A_311 = arith.constant dense<0> : vector<1xi32>
    %reduce_sum3A_312 = vector.multi_reduction <add>, %reduce_sum3A_310, %reduce_sum3A_311 [1, 2] : vector<1x256x2048xi32> to vector<1xi32>
    %reduce_sum3A_313 = vector.shape_cast %reduce_sum3A_312 : vector<1xi32> to vector<1x1x1xi32>
    %reduce_sum3A_314 = vector.extract %reduce_sum3A_313[0, 0, 0] : i32 from vector<1x1x1xi32>
    %get3A_315 = arith.constant 0 : index
    %get3A_316 = arith.constant 22 : index
    %get3A_317 = vector.load %arg5[%get3A_315, %get3A_316] : memref<1x64xf32, #tpu.memory_space<vmem>>, vector<1x1xf32>
    %get3A_318 = vector.extract %get3A_317[0, 0] : f32 from vector<1x1xf32>
    %gt3A_319 = vector.broadcast %get3A_318 : f32 to vector<256x2048xf32>
    %gt3A_320 = arith.cmpf ogt, %select_n3A, %gt3A_319 : vector<256x2048xf32>
    %convert_element_type3A_321 = arith.extui %gt3A_320 : vector<256x2048xi1> to vector<256x2048xi32>
    %reduce_sum3A_322 = vector.shape_cast %convert_element_type3A_321 : vector<256x2048xi32> to vector<1x256x2048xi32>
    %reduce_sum3A_323 = arith.constant dense<0> : vector<1xi32>
    %reduce_sum3A_324 = vector.multi_reduction <add>, %reduce_sum3A_322, %reduce_sum3A_323 [1, 2] : vector<1x256x2048xi32> to vector<1xi32>
    %reduce_sum3A_325 = vector.shape_cast %reduce_sum3A_324 : vector<1xi32> to vector<1x1x1xi32>
    %reduce_sum3A_326 = vector.extract %reduce_sum3A_325[0, 0, 0] : i32 from vector<1x1x1xi32>
    %get3A_327 = arith.constant 0 : index
    %get3A_328 = arith.constant 23 : index
    %get3A_329 = vector.load %arg5[%get3A_327, %get3A_328] : memref<1x64xf32, #tpu.memory_space<vmem>>, vector<1x1xf32>
    %get3A_330 = vector.extract %get3A_329[0, 0] : f32 from vector<1x1xf32>
    %gt3A_331 = vector.broadcast %get3A_330 : f32 to vector<256x2048xf32>
    %gt3A_332 = arith.cmpf ogt, %select_n3A, %gt3A_331 : vector<256x2048xf32>
    %convert_element_type3A_333 = arith.extui %gt3A_332 : vector<256x2048xi1> to vector<256x2048xi32>
    %reduce_sum3A_334 = vector.shape_cast %convert_element_type3A_333 : vector<256x2048xi32> to vector<1x256x2048xi32>
    %reduce_sum3A_335 = arith.constant dense<0> : vector<1xi32>
    %reduce_sum3A_336 = vector.multi_reduction <add>, %reduce_sum3A_334, %reduce_sum3A_335 [1, 2] : vector<1x256x2048xi32> to vector<1xi32>
    %reduce_sum3A_337 = vector.shape_cast %reduce_sum3A_336 : vector<1xi32> to vector<1x1x1xi32>
    %reduce_sum3A_338 = vector.extract %reduce_sum3A_337[0, 0, 0] : i32 from vector<1x1x1xi32>
    %get3A_339 = arith.constant 0 : index
    %get3A_340 = arith.constant 24 : index
    %get3A_341 = vector.load %arg5[%get3A_339, %get3A_340] : memref<1x64xf32, #tpu.memory_space<vmem>>, vector<1x1xf32>
    %get3A_342 = vector.extract %get3A_341[0, 0] : f32 from vector<1x1xf32>
    %gt3A_343 = vector.broadcast %get3A_342 : f32 to vector<256x2048xf32>
    %gt3A_344 = arith.cmpf ogt, %select_n3A, %gt3A_343 : vector<256x2048xf32>
    %convert_element_type3A_345 = arith.extui %gt3A_344 : vector<256x2048xi1> to vector<256x2048xi32>
    %reduce_sum3A_346 = vector.shape_cast %convert_element_type3A_345 : vector<256x2048xi32> to vector<1x256x2048xi32>
    %reduce_sum3A_347 = arith.constant dense<0> : vector<1xi32>
    %reduce_sum3A_348 = vector.multi_reduction <add>, %reduce_sum3A_346, %reduce_sum3A_347 [1, 2] : vector<1x256x2048xi32> to vector<1xi32>
    %reduce_sum3A_349 = vector.shape_cast %reduce_sum3A_348 : vector<1xi32> to vector<1x1x1xi32>
    %reduce_sum3A_350 = vector.extract %reduce_sum3A_349[0, 0, 0] : i32 from vector<1x1x1xi32>
    %get3A_351 = arith.constant 0 : index
    %get3A_352 = arith.constant 25 : index
    %get3A_353 = vector.load %arg5[%get3A_351, %get3A_352] : memref<1x64xf32, #tpu.memory_space<vmem>>, vector<1x1xf32>
    %get3A_354 = vector.extract %get3A_353[0, 0] : f32 from vector<1x1xf32>
    %gt3A_355 = vector.broadcast %get3A_354 : f32 to vector<256x2048xf32>
    %gt3A_356 = arith.cmpf ogt, %select_n3A, %gt3A_355 : vector<256x2048xf32>
    %convert_element_type3A_357 = arith.extui %gt3A_356 : vector<256x2048xi1> to vector<256x2048xi32>
    %reduce_sum3A_358 = vector.shape_cast %convert_element_type3A_357 : vector<256x2048xi32> to vector<1x256x2048xi32>
    %reduce_sum3A_359 = arith.constant dense<0> : vector<1xi32>
    %reduce_sum3A_360 = vector.multi_reduction <add>, %reduce_sum3A_358, %reduce_sum3A_359 [1, 2] : vector<1x256x2048xi32> to vector<1xi32>
    %reduce_sum3A_361 = vector.shape_cast %reduce_sum3A_360 : vector<1xi32> to vector<1x1x1xi32>
    %reduce_sum3A_362 = vector.extract %reduce_sum3A_361[0, 0, 0] : i32 from vector<1x1x1xi32>
    %get3A_363 = arith.constant 0 : index
    %get3A_364 = arith.constant 26 : index
    %get3A_365 = vector.load %arg5[%get3A_363, %get3A_364] : memref<1x64xf32, #tpu.memory_space<vmem>>, vector<1x1xf32>
    %get3A_366 = vector.extract %get3A_365[0, 0] : f32 from vector<1x1xf32>
    %gt3A_367 = vector.broadcast %get3A_366 : f32 to vector<256x2048xf32>
    %gt3A_368 = arith.cmpf ogt, %select_n3A, %gt3A_367 : vector<256x2048xf32>
    %convert_element_type3A_369 = arith.extui %gt3A_368 : vector<256x2048xi1> to vector<256x2048xi32>
    %reduce_sum3A_370 = vector.shape_cast %convert_element_type3A_369 : vector<256x2048xi32> to vector<1x256x2048xi32>
    %reduce_sum3A_371 = arith.constant dense<0> : vector<1xi32>
    %reduce_sum3A_372 = vector.multi_reduction <add>, %reduce_sum3A_370, %reduce_sum3A_371 [1, 2] : vector<1x256x2048xi32> to vector<1xi32>
    %reduce_sum3A_373 = vector.shape_cast %reduce_sum3A_372 : vector<1xi32> to vector<1x1x1xi32>
    %reduce_sum3A_374 = vector.extract %reduce_sum3A_373[0, 0, 0] : i32 from vector<1x1x1xi32>
    %get3A_375 = arith.constant 0 : index
    %get3A_376 = arith.constant 27 : index
    %get3A_377 = vector.load %arg5[%get3A_375, %get3A_376] : memref<1x64xf32, #tpu.memory_space<vmem>>, vector<1x1xf32>
    %get3A_378 = vector.extract %get3A_377[0, 0] : f32 from vector<1x1xf32>
    %gt3A_379 = vector.broadcast %get3A_378 : f32 to vector<256x2048xf32>
    %gt3A_380 = arith.cmpf ogt, %select_n3A, %gt3A_379 : vector<256x2048xf32>
    %convert_element_type3A_381 = arith.extui %gt3A_380 : vector<256x2048xi1> to vector<256x2048xi32>
    %reduce_sum3A_382 = vector.shape_cast %convert_element_type3A_381 : vector<256x2048xi32> to vector<1x256x2048xi32>
    %reduce_sum3A_383 = arith.constant dense<0> : vector<1xi32>
    %reduce_sum3A_384 = vector.multi_reduction <add>, %reduce_sum3A_382, %reduce_sum3A_383 [1, 2] : vector<1x256x2048xi32> to vector<1xi32>
    %reduce_sum3A_385 = vector.shape_cast %reduce_sum3A_384 : vector<1xi32> to vector<1x1x1xi32>
    %reduce_sum3A_386 = vector.extract %reduce_sum3A_385[0, 0, 0] : i32 from vector<1x1x1xi32>
    %get3A_387 = arith.constant 0 : index
    %get3A_388 = arith.constant 28 : index
    %get3A_389 = vector.load %arg5[%get3A_387, %get3A_388] : memref<1x64xf32, #tpu.memory_space<vmem>>, vector<1x1xf32>
    %get3A_390 = vector.extract %get3A_389[0, 0] : f32 from vector<1x1xf32>
    %gt3A_391 = vector.broadcast %get3A_390 : f32 to vector<256x2048xf32>
    %gt3A_392 = arith.cmpf ogt, %select_n3A, %gt3A_391 : vector<256x2048xf32>
    %convert_element_type3A_393 = arith.extui %gt3A_392 : vector<256x2048xi1> to vector<256x2048xi32>
    %reduce_sum3A_394 = vector.shape_cast %convert_element_type3A_393 : vector<256x2048xi32> to vector<1x256x2048xi32>
    %reduce_sum3A_395 = arith.constant dense<0> : vector<1xi32>
    %reduce_sum3A_396 = vector.multi_reduction <add>, %reduce_sum3A_394, %reduce_sum3A_395 [1, 2] : vector<1x256x2048xi32> to vector<1xi32>
    %reduce_sum3A_397 = vector.shape_cast %reduce_sum3A_396 : vector<1xi32> to vector<1x1x1xi32>
    %reduce_sum3A_398 = vector.extract %reduce_sum3A_397[0, 0, 0] : i32 from vector<1x1x1xi32>
    %get3A_399 = arith.constant 0 : index
    %get3A_400 = arith.constant 29 : index
    %get3A_401 = vector.load %arg5[%get3A_399, %get3A_400] : memref<1x64xf32, #tpu.memory_space<vmem>>, vector<1x1xf32>
    %get3A_402 = vector.extract %get3A_401[0, 0] : f32 from vector<1x1xf32>
    %gt3A_403 = vector.broadcast %get3A_402 : f32 to vector<256x2048xf32>
    %gt3A_404 = arith.cmpf ogt, %select_n3A, %gt3A_403 : vector<256x2048xf32>
    %convert_element_type3A_405 = arith.extui %gt3A_404 : vector<256x2048xi1> to vector<256x2048xi32>
    %reduce_sum3A_406 = vector.shape_cast %convert_element_type3A_405 : vector<256x2048xi32> to vector<1x256x2048xi32>
    %reduce_sum3A_407 = arith.constant dense<0> : vector<1xi32>
    %reduce_sum3A_408 = vector.multi_reduction <add>, %reduce_sum3A_406, %reduce_sum3A_407 [1, 2] : vector<1x256x2048xi32> to vector<1xi32>
    %reduce_sum3A_409 = vector.shape_cast %reduce_sum3A_408 : vector<1xi32> to vector<1x1x1xi32>
    %reduce_sum3A_410 = vector.extract %reduce_sum3A_409[0, 0, 0] : i32 from vector<1x1x1xi32>
    %get3A_411 = arith.constant 0 : index
    %get3A_412 = arith.constant 30 : index
    %get3A_413 = vector.load %arg5[%get3A_411, %get3A_412] : memref<1x64xf32, #tpu.memory_space<vmem>>, vector<1x1xf32>
    %get3A_414 = vector.extract %get3A_413[0, 0] : f32 from vector<1x1xf32>
    %gt3A_415 = vector.broadcast %get3A_414 : f32 to vector<256x2048xf32>
    %gt3A_416 = arith.cmpf ogt, %select_n3A, %gt3A_415 : vector<256x2048xf32>
    %convert_element_type3A_417 = arith.extui %gt3A_416 : vector<256x2048xi1> to vector<256x2048xi32>
    %reduce_sum3A_418 = vector.shape_cast %convert_element_type3A_417 : vector<256x2048xi32> to vector<1x256x2048xi32>
    %reduce_sum3A_419 = arith.constant dense<0> : vector<1xi32>
    %reduce_sum3A_420 = vector.multi_reduction <add>, %reduce_sum3A_418, %reduce_sum3A_419 [1, 2] : vector<1x256x2048xi32> to vector<1xi32>
    %reduce_sum3A_421 = vector.shape_cast %reduce_sum3A_420 : vector<1xi32> to vector<1x1x1xi32>
    %reduce_sum3A_422 = vector.extract %reduce_sum3A_421[0, 0, 0] : i32 from vector<1x1x1xi32>
    %get3A_423 = arith.constant 0 : index
    %get3A_424 = arith.constant 31 : index
    %get3A_425 = vector.load %arg5[%get3A_423, %get3A_424] : memref<1x64xf32, #tpu.memory_space<vmem>>, vector<1x1xf32>
    %get3A_426 = vector.extract %get3A_425[0, 0] : f32 from vector<1x1xf32>
    %gt3A_427 = vector.broadcast %get3A_426 : f32 to vector<256x2048xf32>
    %gt3A_428 = arith.cmpf ogt, %select_n3A, %gt3A_427 : vector<256x2048xf32>
    %convert_element_type3A_429 = arith.extui %gt3A_428 : vector<256x2048xi1> to vector<256x2048xi32>
    %reduce_sum3A_430 = vector.shape_cast %convert_element_type3A_429 : vector<256x2048xi32> to vector<1x256x2048xi32>
    %reduce_sum3A_431 = arith.constant dense<0> : vector<1xi32>
    %reduce_sum3A_432 = vector.multi_reduction <add>, %reduce_sum3A_430, %reduce_sum3A_431 [1, 2] : vector<1x256x2048xi32> to vector<1xi32>
    %reduce_sum3A_433 = vector.shape_cast %reduce_sum3A_432 : vector<1xi32> to vector<1x1x1xi32>
    %reduce_sum3A_434 = vector.extract %reduce_sum3A_433[0, 0, 0] : i32 from vector<1x1x1xi32>
    %get3A_435 = arith.constant 0 : index
    %get3A_436 = arith.constant 32 : index
    %get3A_437 = vector.load %arg5[%get3A_435, %get3A_436] : memref<1x64xf32, #tpu.memory_space<vmem>>, vector<1x1xf32>
    %get3A_438 = vector.extract %get3A_437[0, 0] : f32 from vector<1x1xf32>
    %gt3A_439 = vector.broadcast %get3A_438 : f32 to vector<256x2048xf32>
    %gt3A_440 = arith.cmpf ogt, %select_n3A, %gt3A_439 : vector<256x2048xf32>
    %convert_element_type3A_441 = arith.extui %gt3A_440 : vector<256x2048xi1> to vector<256x2048xi32>
    %reduce_sum3A_442 = vector.shape_cast %convert_element_type3A_441 : vector<256x2048xi32> to vector<1x256x2048xi32>
    %reduce_sum3A_443 = arith.constant dense<0> : vector<1xi32>
    %reduce_sum3A_444 = vector.multi_reduction <add>, %reduce_sum3A_442, %reduce_sum3A_443 [1, 2] : vector<1x256x2048xi32> to vector<1xi32>
    %reduce_sum3A_445 = vector.shape_cast %reduce_sum3A_444 : vector<1xi32> to vector<1x1x1xi32>
    %reduce_sum3A_446 = vector.extract %reduce_sum3A_445[0, 0, 0] : i32 from vector<1x1x1xi32>
    %get3A_447 = arith.constant 0 : index
    %get3A_448 = arith.constant 33 : index
    %get3A_449 = vector.load %arg5[%get3A_447, %get3A_448] : memref<1x64xf32, #tpu.memory_space<vmem>>, vector<1x1xf32>
    %get3A_450 = vector.extract %get3A_449[0, 0] : f32 from vector<1x1xf32>
    %gt3A_451 = vector.broadcast %get3A_450 : f32 to vector<256x2048xf32>
    %gt3A_452 = arith.cmpf ogt, %select_n3A, %gt3A_451 : vector<256x2048xf32>
    %convert_element_type3A_453 = arith.extui %gt3A_452 : vector<256x2048xi1> to vector<256x2048xi32>
    %reduce_sum3A_454 = vector.shape_cast %convert_element_type3A_453 : vector<256x2048xi32> to vector<1x256x2048xi32>
    %reduce_sum3A_455 = arith.constant dense<0> : vector<1xi32>
    %reduce_sum3A_456 = vector.multi_reduction <add>, %reduce_sum3A_454, %reduce_sum3A_455 [1, 2] : vector<1x256x2048xi32> to vector<1xi32>
    %reduce_sum3A_457 = vector.shape_cast %reduce_sum3A_456 : vector<1xi32> to vector<1x1x1xi32>
    %reduce_sum3A_458 = vector.extract %reduce_sum3A_457[0, 0, 0] : i32 from vector<1x1x1xi32>
    %get3A_459 = arith.constant 0 : index
    %get3A_460 = arith.constant 34 : index
    %get3A_461 = vector.load %arg5[%get3A_459, %get3A_460] : memref<1x64xf32, #tpu.memory_space<vmem>>, vector<1x1xf32>
    %get3A_462 = vector.extract %get3A_461[0, 0] : f32 from vector<1x1xf32>
    %gt3A_463 = vector.broadcast %get3A_462 : f32 to vector<256x2048xf32>
    %gt3A_464 = arith.cmpf ogt, %select_n3A, %gt3A_463 : vector<256x2048xf32>
    %convert_element_type3A_465 = arith.extui %gt3A_464 : vector<256x2048xi1> to vector<256x2048xi32>
    %reduce_sum3A_466 = vector.shape_cast %convert_element_type3A_465 : vector<256x2048xi32> to vector<1x256x2048xi32>
    %reduce_sum3A_467 = arith.constant dense<0> : vector<1xi32>
    %reduce_sum3A_468 = vector.multi_reduction <add>, %reduce_sum3A_466, %reduce_sum3A_467 [1, 2] : vector<1x256x2048xi32> to vector<1xi32>
    %reduce_sum3A_469 = vector.shape_cast %reduce_sum3A_468 : vector<1xi32> to vector<1x1x1xi32>
    %reduce_sum3A_470 = vector.extract %reduce_sum3A_469[0, 0, 0] : i32 from vector<1x1x1xi32>
    %get3A_471 = arith.constant 0 : index
    %get3A_472 = arith.constant 35 : index
    %get3A_473 = vector.load %arg5[%get3A_471, %get3A_472] : memref<1x64xf32, #tpu.memory_space<vmem>>, vector<1x1xf32>
    %get3A_474 = vector.extract %get3A_473[0, 0] : f32 from vector<1x1xf32>
    %gt3A_475 = vector.broadcast %get3A_474 : f32 to vector<256x2048xf32>
    %gt3A_476 = arith.cmpf ogt, %select_n3A, %gt3A_475 : vector<256x2048xf32>
    %convert_element_type3A_477 = arith.extui %gt3A_476 : vector<256x2048xi1> to vector<256x2048xi32>
    %reduce_sum3A_478 = vector.shape_cast %convert_element_type3A_477 : vector<256x2048xi32> to vector<1x256x2048xi32>
    %reduce_sum3A_479 = arith.constant dense<0> : vector<1xi32>
    %reduce_sum3A_480 = vector.multi_reduction <add>, %reduce_sum3A_478, %reduce_sum3A_479 [1, 2] : vector<1x256x2048xi32> to vector<1xi32>
    %reduce_sum3A_481 = vector.shape_cast %reduce_sum3A_480 : vector<1xi32> to vector<1x1x1xi32>
    %reduce_sum3A_482 = vector.extract %reduce_sum3A_481[0, 0, 0] : i32 from vector<1x1x1xi32>
    %get3A_483 = arith.constant 0 : index
    %get3A_484 = arith.constant 36 : index
    %get3A_485 = vector.load %arg5[%get3A_483, %get3A_484] : memref<1x64xf32, #tpu.memory_space<vmem>>, vector<1x1xf32>
    %get3A_486 = vector.extract %get3A_485[0, 0] : f32 from vector<1x1xf32>
    %gt3A_487 = vector.broadcast %get3A_486 : f32 to vector<256x2048xf32>
    %gt3A_488 = arith.cmpf ogt, %select_n3A, %gt3A_487 : vector<256x2048xf32>
    %convert_element_type3A_489 = arith.extui %gt3A_488 : vector<256x2048xi1> to vector<256x2048xi32>
    %reduce_sum3A_490 = vector.shape_cast %convert_element_type3A_489 : vector<256x2048xi32> to vector<1x256x2048xi32>
    %reduce_sum3A_491 = arith.constant dense<0> : vector<1xi32>
    %reduce_sum3A_492 = vector.multi_reduction <add>, %reduce_sum3A_490, %reduce_sum3A_491 [1, 2] : vector<1x256x2048xi32> to vector<1xi32>
    %reduce_sum3A_493 = vector.shape_cast %reduce_sum3A_492 : vector<1xi32> to vector<1x1x1xi32>
    %reduce_sum3A_494 = vector.extract %reduce_sum3A_493[0, 0, 0] : i32 from vector<1x1x1xi32>
    %get3A_495 = arith.constant 0 : index
    %get3A_496 = arith.constant 37 : index
    %get3A_497 = vector.load %arg5[%get3A_495, %get3A_496] : memref<1x64xf32, #tpu.memory_space<vmem>>, vector<1x1xf32>
    %get3A_498 = vector.extract %get3A_497[0, 0] : f32 from vector<1x1xf32>
    %gt3A_499 = vector.broadcast %get3A_498 : f32 to vector<256x2048xf32>
    %gt3A_500 = arith.cmpf ogt, %select_n3A, %gt3A_499 : vector<256x2048xf32>
    %convert_element_type3A_501 = arith.extui %gt3A_500 : vector<256x2048xi1> to vector<256x2048xi32>
    %reduce_sum3A_502 = vector.shape_cast %convert_element_type3A_501 : vector<256x2048xi32> to vector<1x256x2048xi32>
    %reduce_sum3A_503 = arith.constant dense<0> : vector<1xi32>
    %reduce_sum3A_504 = vector.multi_reduction <add>, %reduce_sum3A_502, %reduce_sum3A_503 [1, 2] : vector<1x256x2048xi32> to vector<1xi32>
    %reduce_sum3A_505 = vector.shape_cast %reduce_sum3A_504 : vector<1xi32> to vector<1x1x1xi32>
    %reduce_sum3A_506 = vector.extract %reduce_sum3A_505[0, 0, 0] : i32 from vector<1x1x1xi32>
    %get3A_507 = arith.constant 0 : index
    %get3A_508 = arith.constant 38 : index
    %get3A_509 = vector.load %arg5[%get3A_507, %get3A_508] : memref<1x64xf32, #tpu.memory_space<vmem>>, vector<1x1xf32>
    %get3A_510 = vector.extract %get3A_509[0, 0] : f32 from vector<1x1xf32>
    %gt3A_511 = vector.broadcast %get3A_510 : f32 to vector<256x2048xf32>
    %gt3A_512 = arith.cmpf ogt, %select_n3A, %gt3A_511 : vector<256x2048xf32>
    %convert_element_type3A_513 = arith.extui %gt3A_512 : vector<256x2048xi1> to vector<256x2048xi32>
    %reduce_sum3A_514 = vector.shape_cast %convert_element_type3A_513 : vector<256x2048xi32> to vector<1x256x2048xi32>
    %reduce_sum3A_515 = arith.constant dense<0> : vector<1xi32>
    %reduce_sum3A_516 = vector.multi_reduction <add>, %reduce_sum3A_514, %reduce_sum3A_515 [1, 2] : vector<1x256x2048xi32> to vector<1xi32>
    %reduce_sum3A_517 = vector.shape_cast %reduce_sum3A_516 : vector<1xi32> to vector<1x1x1xi32>
    %reduce_sum3A_518 = vector.extract %reduce_sum3A_517[0, 0, 0] : i32 from vector<1x1x1xi32>
    %get3A_519 = arith.constant 0 : index
    %get3A_520 = arith.constant 39 : index
    %get3A_521 = vector.load %arg5[%get3A_519, %get3A_520] : memref<1x64xf32, #tpu.memory_space<vmem>>, vector<1x1xf32>
    %get3A_522 = vector.extract %get3A_521[0, 0] : f32 from vector<1x1xf32>
    %gt3A_523 = vector.broadcast %get3A_522 : f32 to vector<256x2048xf32>
    %gt3A_524 = arith.cmpf ogt, %select_n3A, %gt3A_523 : vector<256x2048xf32>
    %convert_element_type3A_525 = arith.extui %gt3A_524 : vector<256x2048xi1> to vector<256x2048xi32>
    %reduce_sum3A_526 = vector.shape_cast %convert_element_type3A_525 : vector<256x2048xi32> to vector<1x256x2048xi32>
    %reduce_sum3A_527 = arith.constant dense<0> : vector<1xi32>
    %reduce_sum3A_528 = vector.multi_reduction <add>, %reduce_sum3A_526, %reduce_sum3A_527 [1, 2] : vector<1x256x2048xi32> to vector<1xi32>
    %reduce_sum3A_529 = vector.shape_cast %reduce_sum3A_528 : vector<1xi32> to vector<1x1x1xi32>
    %reduce_sum3A_530 = vector.extract %reduce_sum3A_529[0, 0, 0] : i32 from vector<1x1x1xi32>
    %get3A_531 = arith.constant 0 : index
    %get3A_532 = arith.constant 40 : index
    %get3A_533 = vector.load %arg5[%get3A_531, %get3A_532] : memref<1x64xf32, #tpu.memory_space<vmem>>, vector<1x1xf32>
    %get3A_534 = vector.extract %get3A_533[0, 0] : f32 from vector<1x1xf32>
    %gt3A_535 = vector.broadcast %get3A_534 : f32 to vector<256x2048xf32>
    %gt3A_536 = arith.cmpf ogt, %select_n3A, %gt3A_535 : vector<256x2048xf32>
    %convert_element_type3A_537 = arith.extui %gt3A_536 : vector<256x2048xi1> to vector<256x2048xi32>
    %reduce_sum3A_538 = vector.shape_cast %convert_element_type3A_537 : vector<256x2048xi32> to vector<1x256x2048xi32>
    %reduce_sum3A_539 = arith.constant dense<0> : vector<1xi32>
    %reduce_sum3A_540 = vector.multi_reduction <add>, %reduce_sum3A_538, %reduce_sum3A_539 [1, 2] : vector<1x256x2048xi32> to vector<1xi32>
    %reduce_sum3A_541 = vector.shape_cast %reduce_sum3A_540 : vector<1xi32> to vector<1x1x1xi32>
    %reduce_sum3A_542 = vector.extract %reduce_sum3A_541[0, 0, 0] : i32 from vector<1x1x1xi32>
    %get3A_543 = arith.constant 0 : index
    %get3A_544 = arith.constant 41 : index
    %get3A_545 = vector.load %arg5[%get3A_543, %get3A_544] : memref<1x64xf32, #tpu.memory_space<vmem>>, vector<1x1xf32>
    %get3A_546 = vector.extract %get3A_545[0, 0] : f32 from vector<1x1xf32>
    %gt3A_547 = vector.broadcast %get3A_546 : f32 to vector<256x2048xf32>
    %gt3A_548 = arith.cmpf ogt, %select_n3A, %gt3A_547 : vector<256x2048xf32>
    %convert_element_type3A_549 = arith.extui %gt3A_548 : vector<256x2048xi1> to vector<256x2048xi32>
    %reduce_sum3A_550 = vector.shape_cast %convert_element_type3A_549 : vector<256x2048xi32> to vector<1x256x2048xi32>
    %reduce_sum3A_551 = arith.constant dense<0> : vector<1xi32>
    %reduce_sum3A_552 = vector.multi_reduction <add>, %reduce_sum3A_550, %reduce_sum3A_551 [1, 2] : vector<1x256x2048xi32> to vector<1xi32>
    %reduce_sum3A_553 = vector.shape_cast %reduce_sum3A_552 : vector<1xi32> to vector<1x1x1xi32>
    %reduce_sum3A_554 = vector.extract %reduce_sum3A_553[0, 0, 0] : i32 from vector<1x1x1xi32>
    %get3A_555 = arith.constant 0 : index
    %get3A_556 = arith.constant 42 : index
    %get3A_557 = vector.load %arg5[%get3A_555, %get3A_556] : memref<1x64xf32, #tpu.memory_space<vmem>>, vector<1x1xf32>
    %get3A_558 = vector.extract %get3A_557[0, 0] : f32 from vector<1x1xf32>
    %gt3A_559 = vector.broadcast %get3A_558 : f32 to vector<256x2048xf32>
    %gt3A_560 = arith.cmpf ogt, %select_n3A, %gt3A_559 : vector<256x2048xf32>
    %convert_element_type3A_561 = arith.extui %gt3A_560 : vector<256x2048xi1> to vector<256x2048xi32>
    %reduce_sum3A_562 = vector.shape_cast %convert_element_type3A_561 : vector<256x2048xi32> to vector<1x256x2048xi32>
    %reduce_sum3A_563 = arith.constant dense<0> : vector<1xi32>
    %reduce_sum3A_564 = vector.multi_reduction <add>, %reduce_sum3A_562, %reduce_sum3A_563 [1, 2] : vector<1x256x2048xi32> to vector<1xi32>
    %reduce_sum3A_565 = vector.shape_cast %reduce_sum3A_564 : vector<1xi32> to vector<1x1x1xi32>
    %reduce_sum3A_566 = vector.extract %reduce_sum3A_565[0, 0, 0] : i32 from vector<1x1x1xi32>
    %get3A_567 = arith.constant 0 : index
    %get3A_568 = arith.constant 43 : index
    %get3A_569 = vector.load %arg5[%get3A_567, %get3A_568] : memref<1x64xf32, #tpu.memory_space<vmem>>, vector<1x1xf32>
    %get3A_570 = vector.extract %get3A_569[0, 0] : f32 from vector<1x1xf32>
    %gt3A_571 = vector.broadcast %get3A_570 : f32 to vector<256x2048xf32>
    %gt3A_572 = arith.cmpf ogt, %select_n3A, %gt3A_571 : vector<256x2048xf32>
    %convert_element_type3A_573 = arith.extui %gt3A_572 : vector<256x2048xi1> to vector<256x2048xi32>
    %reduce_sum3A_574 = vector.shape_cast %convert_element_type3A_573 : vector<256x2048xi32> to vector<1x256x2048xi32>
    %reduce_sum3A_575 = arith.constant dense<0> : vector<1xi32>
    %reduce_sum3A_576 = vector.multi_reduction <add>, %reduce_sum3A_574, %reduce_sum3A_575 [1, 2] : vector<1x256x2048xi32> to vector<1xi32>
    %reduce_sum3A_577 = vector.shape_cast %reduce_sum3A_576 : vector<1xi32> to vector<1x1x1xi32>
    %reduce_sum3A_578 = vector.extract %reduce_sum3A_577[0, 0, 0] : i32 from vector<1x1x1xi32>
    %get3A_579 = arith.constant 0 : index
    %get3A_580 = arith.constant 44 : index
    %get3A_581 = vector.load %arg5[%get3A_579, %get3A_580] : memref<1x64xf32, #tpu.memory_space<vmem>>, vector<1x1xf32>
    %get3A_582 = vector.extract %get3A_581[0, 0] : f32 from vector<1x1xf32>
    %gt3A_583 = vector.broadcast %get3A_582 : f32 to vector<256x2048xf32>
    %gt3A_584 = arith.cmpf ogt, %select_n3A, %gt3A_583 : vector<256x2048xf32>
    %convert_element_type3A_585 = arith.extui %gt3A_584 : vector<256x2048xi1> to vector<256x2048xi32>
    %reduce_sum3A_586 = vector.shape_cast %convert_element_type3A_585 : vector<256x2048xi32> to vector<1x256x2048xi32>
    %reduce_sum3A_587 = arith.constant dense<0> : vector<1xi32>
    %reduce_sum3A_588 = vector.multi_reduction <add>, %reduce_sum3A_586, %reduce_sum3A_587 [1, 2] : vector<1x256x2048xi32> to vector<1xi32>
    %reduce_sum3A_589 = vector.shape_cast %reduce_sum3A_588 : vector<1xi32> to vector<1x1x1xi32>
    %reduce_sum3A_590 = vector.extract %reduce_sum3A_589[0, 0, 0] : i32 from vector<1x1x1xi32>
    %get3A_591 = arith.constant 0 : index
    %get3A_592 = arith.constant 45 : index
    %get3A_593 = vector.load %arg5[%get3A_591, %get3A_592] : memref<1x64xf32, #tpu.memory_space<vmem>>, vector<1x1xf32>
    %get3A_594 = vector.extract %get3A_593[0, 0] : f32 from vector<1x1xf32>
    %gt3A_595 = vector.broadcast %get3A_594 : f32 to vector<256x2048xf32>
    %gt3A_596 = arith.cmpf ogt, %select_n3A, %gt3A_595 : vector<256x2048xf32>
    %convert_element_type3A_597 = arith.extui %gt3A_596 : vector<256x2048xi1> to vector<256x2048xi32>
    %reduce_sum3A_598 = vector.shape_cast %convert_element_type3A_597 : vector<256x2048xi32> to vector<1x256x2048xi32>
    %reduce_sum3A_599 = arith.constant dense<0> : vector<1xi32>
    %reduce_sum3A_600 = vector.multi_reduction <add>, %reduce_sum3A_598, %reduce_sum3A_599 [1, 2] : vector<1x256x2048xi32> to vector<1xi32>
    %reduce_sum3A_601 = vector.shape_cast %reduce_sum3A_600 : vector<1xi32> to vector<1x1x1xi32>
    %reduce_sum3A_602 = vector.extract %reduce_sum3A_601[0, 0, 0] : i32 from vector<1x1x1xi32>
    %get3A_603 = arith.constant 0 : index
    %get3A_604 = arith.constant 46 : index
    %get3A_605 = vector.load %arg5[%get3A_603, %get3A_604] : memref<1x64xf32, #tpu.memory_space<vmem>>, vector<1x1xf32>
    %get3A_606 = vector.extract %get3A_605[0, 0] : f32 from vector<1x1xf32>
    %gt3A_607 = vector.broadcast %get3A_606 : f32 to vector<256x2048xf32>
    %gt3A_608 = arith.cmpf ogt, %select_n3A, %gt3A_607 : vector<256x2048xf32>
    %convert_element_type3A_609 = arith.extui %gt3A_608 : vector<256x2048xi1> to vector<256x2048xi32>
    %reduce_sum3A_610 = vector.shape_cast %convert_element_type3A_609 : vector<256x2048xi32> to vector<1x256x2048xi32>
    %reduce_sum3A_611 = arith.constant dense<0> : vector<1xi32>
    %reduce_sum3A_612 = vector.multi_reduction <add>, %reduce_sum3A_610, %reduce_sum3A_611 [1, 2] : vector<1x256x2048xi32> to vector<1xi32>
    %reduce_sum3A_613 = vector.shape_cast %reduce_sum3A_612 : vector<1xi32> to vector<1x1x1xi32>
    %reduce_sum3A_614 = vector.extract %reduce_sum3A_613[0, 0, 0] : i32 from vector<1x1x1xi32>
    %get3A_615 = arith.constant 0 : index
    %get3A_616 = arith.constant 47 : index
    %get3A_617 = vector.load %arg5[%get3A_615, %get3A_616] : memref<1x64xf32, #tpu.memory_space<vmem>>, vector<1x1xf32>
    %get3A_618 = vector.extract %get3A_617[0, 0] : f32 from vector<1x1xf32>
    %gt3A_619 = vector.broadcast %get3A_618 : f32 to vector<256x2048xf32>
    %gt3A_620 = arith.cmpf ogt, %select_n3A, %gt3A_619 : vector<256x2048xf32>
    %convert_element_type3A_621 = arith.extui %gt3A_620 : vector<256x2048xi1> to vector<256x2048xi32>
    %reduce_sum3A_622 = vector.shape_cast %convert_element_type3A_621 : vector<256x2048xi32> to vector<1x256x2048xi32>
    %reduce_sum3A_623 = arith.constant dense<0> : vector<1xi32>
    %reduce_sum3A_624 = vector.multi_reduction <add>, %reduce_sum3A_622, %reduce_sum3A_623 [1, 2] : vector<1x256x2048xi32> to vector<1xi32>
    %reduce_sum3A_625 = vector.shape_cast %reduce_sum3A_624 : vector<1xi32> to vector<1x1x1xi32>
    %reduce_sum3A_626 = vector.extract %reduce_sum3A_625[0, 0, 0] : i32 from vector<1x1x1xi32>
    %get3A_627 = arith.constant 0 : index
    %get3A_628 = arith.constant 48 : index
    %get3A_629 = vector.load %arg5[%get3A_627, %get3A_628] : memref<1x64xf32, #tpu.memory_space<vmem>>, vector<1x1xf32>
    %get3A_630 = vector.extract %get3A_629[0, 0] : f32 from vector<1x1xf32>
    %gt3A_631 = vector.broadcast %get3A_630 : f32 to vector<256x2048xf32>
    %gt3A_632 = arith.cmpf ogt, %select_n3A, %gt3A_631 : vector<256x2048xf32>
    %convert_element_type3A_633 = arith.extui %gt3A_632 : vector<256x2048xi1> to vector<256x2048xi32>
    %reduce_sum3A_634 = vector.shape_cast %convert_element_type3A_633 : vector<256x2048xi32> to vector<1x256x2048xi32>
    %reduce_sum3A_635 = arith.constant dense<0> : vector<1xi32>
    %reduce_sum3A_636 = vector.multi_reduction <add>, %reduce_sum3A_634, %reduce_sum3A_635 [1, 2] : vector<1x256x2048xi32> to vector<1xi32>
    %reduce_sum3A_637 = vector.shape_cast %reduce_sum3A_636 : vector<1xi32> to vector<1x1x1xi32>
    %reduce_sum3A_638 = vector.extract %reduce_sum3A_637[0, 0, 0] : i32 from vector<1x1x1xi32>
    %get3A_639 = arith.constant 0 : index
    %get3A_640 = arith.constant 49 : index
    %get3A_641 = vector.load %arg5[%get3A_639, %get3A_640] : memref<1x64xf32, #tpu.memory_space<vmem>>, vector<1x1xf32>
    %get3A_642 = vector.extract %get3A_641[0, 0] : f32 from vector<1x1xf32>
    %gt3A_643 = vector.broadcast %get3A_642 : f32 to vector<256x2048xf32>
    %gt3A_644 = arith.cmpf ogt, %select_n3A, %gt3A_643 : vector<256x2048xf32>
    %convert_element_type3A_645 = arith.extui %gt3A_644 : vector<256x2048xi1> to vector<256x2048xi32>
    %reduce_sum3A_646 = vector.shape_cast %convert_element_type3A_645 : vector<256x2048xi32> to vector<1x256x2048xi32>
    %reduce_sum3A_647 = arith.constant dense<0> : vector<1xi32>
    %reduce_sum3A_648 = vector.multi_reduction <add>, %reduce_sum3A_646, %reduce_sum3A_647 [1, 2] : vector<1x256x2048xi32> to vector<1xi32>
    %reduce_sum3A_649 = vector.shape_cast %reduce_sum3A_648 : vector<1xi32> to vector<1x1x1xi32>
    %reduce_sum3A_650 = vector.extract %reduce_sum3A_649[0, 0, 0] : i32 from vector<1x1x1xi32>
    %get3A_651 = arith.constant 0 : index
    %get3A_652 = arith.constant 50 : index
    %get3A_653 = vector.load %arg5[%get3A_651, %get3A_652] : memref<1x64xf32, #tpu.memory_space<vmem>>, vector<1x1xf32>
    %get3A_654 = vector.extract %get3A_653[0, 0] : f32 from vector<1x1xf32>
    %gt3A_655 = vector.broadcast %get3A_654 : f32 to vector<256x2048xf32>
    %gt3A_656 = arith.cmpf ogt, %select_n3A, %gt3A_655 : vector<256x2048xf32>
    %convert_element_type3A_657 = arith.extui %gt3A_656 : vector<256x2048xi1> to vector<256x2048xi32>
    %reduce_sum3A_658 = vector.shape_cast %convert_element_type3A_657 : vector<256x2048xi32> to vector<1x256x2048xi32>
    %reduce_sum3A_659 = arith.constant dense<0> : vector<1xi32>
    %reduce_sum3A_660 = vector.multi_reduction <add>, %reduce_sum3A_658, %reduce_sum3A_659 [1, 2] : vector<1x256x2048xi32> to vector<1xi32>
    %reduce_sum3A_661 = vector.shape_cast %reduce_sum3A_660 : vector<1xi32> to vector<1x1x1xi32>
    %reduce_sum3A_662 = vector.extract %reduce_sum3A_661[0, 0, 0] : i32 from vector<1x1x1xi32>
    %get3A_663 = arith.constant 0 : index
    %get3A_664 = arith.constant 51 : index
    %get3A_665 = vector.load %arg5[%get3A_663, %get3A_664] : memref<1x64xf32, #tpu.memory_space<vmem>>, vector<1x1xf32>
    %get3A_666 = vector.extract %get3A_665[0, 0] : f32 from vector<1x1xf32>
    %gt3A_667 = vector.broadcast %get3A_666 : f32 to vector<256x2048xf32>
    %gt3A_668 = arith.cmpf ogt, %select_n3A, %gt3A_667 : vector<256x2048xf32>
    %convert_element_type3A_669 = arith.extui %gt3A_668 : vector<256x2048xi1> to vector<256x2048xi32>
    %reduce_sum3A_670 = vector.shape_cast %convert_element_type3A_669 : vector<256x2048xi32> to vector<1x256x2048xi32>
    %reduce_sum3A_671 = arith.constant dense<0> : vector<1xi32>
    %reduce_sum3A_672 = vector.multi_reduction <add>, %reduce_sum3A_670, %reduce_sum3A_671 [1, 2] : vector<1x256x2048xi32> to vector<1xi32>
    %reduce_sum3A_673 = vector.shape_cast %reduce_sum3A_672 : vector<1xi32> to vector<1x1x1xi32>
    %reduce_sum3A_674 = vector.extract %reduce_sum3A_673[0, 0, 0] : i32 from vector<1x1x1xi32>
    %get3A_675 = arith.constant 0 : index
    %get3A_676 = arith.constant 52 : index
    %get3A_677 = vector.load %arg5[%get3A_675, %get3A_676] : memref<1x64xf32, #tpu.memory_space<vmem>>, vector<1x1xf32>
    %get3A_678 = vector.extract %get3A_677[0, 0] : f32 from vector<1x1xf32>
    %gt3A_679 = vector.broadcast %get3A_678 : f32 to vector<256x2048xf32>
    %gt3A_680 = arith.cmpf ogt, %select_n3A, %gt3A_679 : vector<256x2048xf32>
    %convert_element_type3A_681 = arith.extui %gt3A_680 : vector<256x2048xi1> to vector<256x2048xi32>
    %reduce_sum3A_682 = vector.shape_cast %convert_element_type3A_681 : vector<256x2048xi32> to vector<1x256x2048xi32>
    %reduce_sum3A_683 = arith.constant dense<0> : vector<1xi32>
    %reduce_sum3A_684 = vector.multi_reduction <add>, %reduce_sum3A_682, %reduce_sum3A_683 [1, 2] : vector<1x256x2048xi32> to vector<1xi32>
    %reduce_sum3A_685 = vector.shape_cast %reduce_sum3A_684 : vector<1xi32> to vector<1x1x1xi32>
    %reduce_sum3A_686 = vector.extract %reduce_sum3A_685[0, 0, 0] : i32 from vector<1x1x1xi32>
    %get3A_687 = arith.constant 0 : index
    %get3A_688 = arith.constant 53 : index
    %get3A_689 = vector.load %arg5[%get3A_687, %get3A_688] : memref<1x64xf32, #tpu.memory_space<vmem>>, vector<1x1xf32>
    %get3A_690 = vector.extract %get3A_689[0, 0] : f32 from vector<1x1xf32>
    %gt3A_691 = vector.broadcast %get3A_690 : f32 to vector<256x2048xf32>
    %gt3A_692 = arith.cmpf ogt, %select_n3A, %gt3A_691 : vector<256x2048xf32>
    %convert_element_type3A_693 = arith.extui %gt3A_692 : vector<256x2048xi1> to vector<256x2048xi32>
    %reduce_sum3A_694 = vector.shape_cast %convert_element_type3A_693 : vector<256x2048xi32> to vector<1x256x2048xi32>
    %reduce_sum3A_695 = arith.constant dense<0> : vector<1xi32>
    %reduce_sum3A_696 = vector.multi_reduction <add>, %reduce_sum3A_694, %reduce_sum3A_695 [1, 2] : vector<1x256x2048xi32> to vector<1xi32>
    %reduce_sum3A_697 = vector.shape_cast %reduce_sum3A_696 : vector<1xi32> to vector<1x1x1xi32>
    %reduce_sum3A_698 = vector.extract %reduce_sum3A_697[0, 0, 0] : i32 from vector<1x1x1xi32>
    %get3A_699 = arith.constant 0 : index
    %get3A_700 = arith.constant 54 : index
    %get3A_701 = vector.load %arg5[%get3A_699, %get3A_700] : memref<1x64xf32, #tpu.memory_space<vmem>>, vector<1x1xf32>
    %get3A_702 = vector.extract %get3A_701[0, 0] : f32 from vector<1x1xf32>
    %gt3A_703 = vector.broadcast %get3A_702 : f32 to vector<256x2048xf32>
    %gt3A_704 = arith.cmpf ogt, %select_n3A, %gt3A_703 : vector<256x2048xf32>
    %convert_element_type3A_705 = arith.extui %gt3A_704 : vector<256x2048xi1> to vector<256x2048xi32>
    %reduce_sum3A_706 = vector.shape_cast %convert_element_type3A_705 : vector<256x2048xi32> to vector<1x256x2048xi32>
    %reduce_sum3A_707 = arith.constant dense<0> : vector<1xi32>
    %reduce_sum3A_708 = vector.multi_reduction <add>, %reduce_sum3A_706, %reduce_sum3A_707 [1, 2] : vector<1x256x2048xi32> to vector<1xi32>
    %reduce_sum3A_709 = vector.shape_cast %reduce_sum3A_708 : vector<1xi32> to vector<1x1x1xi32>
    %reduce_sum3A_710 = vector.extract %reduce_sum3A_709[0, 0, 0] : i32 from vector<1x1x1xi32>
    %get3A_711 = arith.constant 0 : index
    %get3A_712 = arith.constant 55 : index
    %get3A_713 = vector.load %arg5[%get3A_711, %get3A_712] : memref<1x64xf32, #tpu.memory_space<vmem>>, vector<1x1xf32>
    %get3A_714 = vector.extract %get3A_713[0, 0] : f32 from vector<1x1xf32>
    %gt3A_715 = vector.broadcast %get3A_714 : f32 to vector<256x2048xf32>
    %gt3A_716 = arith.cmpf ogt, %select_n3A, %gt3A_715 : vector<256x2048xf32>
    %convert_element_type3A_717 = arith.extui %gt3A_716 : vector<256x2048xi1> to vector<256x2048xi32>
    %reduce_sum3A_718 = vector.shape_cast %convert_element_type3A_717 : vector<256x2048xi32> to vector<1x256x2048xi32>
    %reduce_sum3A_719 = arith.constant dense<0> : vector<1xi32>
    %reduce_sum3A_720 = vector.multi_reduction <add>, %reduce_sum3A_718, %reduce_sum3A_719 [1, 2] : vector<1x256x2048xi32> to vector<1xi32>
    %reduce_sum3A_721 = vector.shape_cast %reduce_sum3A_720 : vector<1xi32> to vector<1x1x1xi32>
    %reduce_sum3A_722 = vector.extract %reduce_sum3A_721[0, 0, 0] : i32 from vector<1x1x1xi32>
    %get3A_723 = arith.constant 0 : index
    %get3A_724 = arith.constant 56 : index
    %get3A_725 = vector.load %arg5[%get3A_723, %get3A_724] : memref<1x64xf32, #tpu.memory_space<vmem>>, vector<1x1xf32>
    %get3A_726 = vector.extract %get3A_725[0, 0] : f32 from vector<1x1xf32>
    %gt3A_727 = vector.broadcast %get3A_726 : f32 to vector<256x2048xf32>
    %gt3A_728 = arith.cmpf ogt, %select_n3A, %gt3A_727 : vector<256x2048xf32>
    %convert_element_type3A_729 = arith.extui %gt3A_728 : vector<256x2048xi1> to vector<256x2048xi32>
    %reduce_sum3A_730 = vector.shape_cast %convert_element_type3A_729 : vector<256x2048xi32> to vector<1x256x2048xi32>
    %reduce_sum3A_731 = arith.constant dense<0> : vector<1xi32>
    %reduce_sum3A_732 = vector.multi_reduction <add>, %reduce_sum3A_730, %reduce_sum3A_731 [1, 2] : vector<1x256x2048xi32> to vector<1xi32>
    %reduce_sum3A_733 = vector.shape_cast %reduce_sum3A_732 : vector<1xi32> to vector<1x1x1xi32>
    %reduce_sum3A_734 = vector.extract %reduce_sum3A_733[0, 0, 0] : i32 from vector<1x1x1xi32>
    %get3A_735 = arith.constant 0 : index
    %get3A_736 = arith.constant 57 : index
    %get3A_737 = vector.load %arg5[%get3A_735, %get3A_736] : memref<1x64xf32, #tpu.memory_space<vmem>>, vector<1x1xf32>
    %get3A_738 = vector.extract %get3A_737[0, 0] : f32 from vector<1x1xf32>
    %gt3A_739 = vector.broadcast %get3A_738 : f32 to vector<256x2048xf32>
    %gt3A_740 = arith.cmpf ogt, %select_n3A, %gt3A_739 : vector<256x2048xf32>
    %convert_element_type3A_741 = arith.extui %gt3A_740 : vector<256x2048xi1> to vector<256x2048xi32>
    %reduce_sum3A_742 = vector.shape_cast %convert_element_type3A_741 : vector<256x2048xi32> to vector<1x256x2048xi32>
    %reduce_sum3A_743 = arith.constant dense<0> : vector<1xi32>
    %reduce_sum3A_744 = vector.multi_reduction <add>, %reduce_sum3A_742, %reduce_sum3A_743 [1, 2] : vector<1x256x2048xi32> to vector<1xi32>
    %reduce_sum3A_745 = vector.shape_cast %reduce_sum3A_744 : vector<1xi32> to vector<1x1x1xi32>
    %reduce_sum3A_746 = vector.extract %reduce_sum3A_745[0, 0, 0] : i32 from vector<1x1x1xi32>
    %get3A_747 = arith.constant 0 : index
    %get3A_748 = arith.constant 58 : index
    %get3A_749 = vector.load %arg5[%get3A_747, %get3A_748] : memref<1x64xf32, #tpu.memory_space<vmem>>, vector<1x1xf32>
    %get3A_750 = vector.extract %get3A_749[0, 0] : f32 from vector<1x1xf32>
    %gt3A_751 = vector.broadcast %get3A_750 : f32 to vector<256x2048xf32>
    %gt3A_752 = arith.cmpf ogt, %select_n3A, %gt3A_751 : vector<256x2048xf32>
    %convert_element_type3A_753 = arith.extui %gt3A_752 : vector<256x2048xi1> to vector<256x2048xi32>
    %reduce_sum3A_754 = vector.shape_cast %convert_element_type3A_753 : vector<256x2048xi32> to vector<1x256x2048xi32>
    %reduce_sum3A_755 = arith.constant dense<0> : vector<1xi32>
    %reduce_sum3A_756 = vector.multi_reduction <add>, %reduce_sum3A_754, %reduce_sum3A_755 [1, 2] : vector<1x256x2048xi32> to vector<1xi32>
    %reduce_sum3A_757 = vector.shape_cast %reduce_sum3A_756 : vector<1xi32> to vector<1x1x1xi32>
    %reduce_sum3A_758 = vector.extract %reduce_sum3A_757[0, 0, 0] : i32 from vector<1x1x1xi32>
    %get3A_759 = arith.constant 0 : index
    %get3A_760 = arith.constant 59 : index
    %get3A_761 = vector.load %arg5[%get3A_759, %get3A_760] : memref<1x64xf32, #tpu.memory_space<vmem>>, vector<1x1xf32>
    %get3A_762 = vector.extract %get3A_761[0, 0] : f32 from vector<1x1xf32>
    %gt3A_763 = vector.broadcast %get3A_762 : f32 to vector<256x2048xf32>
    %gt3A_764 = arith.cmpf ogt, %select_n3A, %gt3A_763 : vector<256x2048xf32>
    %convert_element_type3A_765 = arith.extui %gt3A_764 : vector<256x2048xi1> to vector<256x2048xi32>
    %reduce_sum3A_766 = vector.shape_cast %convert_element_type3A_765 : vector<256x2048xi32> to vector<1x256x2048xi32>
    %reduce_sum3A_767 = arith.constant dense<0> : vector<1xi32>
    %reduce_sum3A_768 = vector.multi_reduction <add>, %reduce_sum3A_766, %reduce_sum3A_767 [1, 2] : vector<1x256x2048xi32> to vector<1xi32>
    %reduce_sum3A_769 = vector.shape_cast %reduce_sum3A_768 : vector<1xi32> to vector<1x1x1xi32>
    %reduce_sum3A_770 = vector.extract %reduce_sum3A_769[0, 0, 0] : i32 from vector<1x1x1xi32>
    %get3A_771 = arith.constant 0 : index
    %get3A_772 = arith.constant 60 : index
    %get3A_773 = vector.load %arg5[%get3A_771, %get3A_772] : memref<1x64xf32, #tpu.memory_space<vmem>>, vector<1x1xf32>
    %get3A_774 = vector.extract %get3A_773[0, 0] : f32 from vector<1x1xf32>
    %gt3A_775 = vector.broadcast %get3A_774 : f32 to vector<256x2048xf32>
    %gt3A_776 = arith.cmpf ogt, %select_n3A, %gt3A_775 : vector<256x2048xf32>
    %convert_element_type3A_777 = arith.extui %gt3A_776 : vector<256x2048xi1> to vector<256x2048xi32>
    %reduce_sum3A_778 = vector.shape_cast %convert_element_type3A_777 : vector<256x2048xi32> to vector<1x256x2048xi32>
    %reduce_sum3A_779 = arith.constant dense<0> : vector<1xi32>
    %reduce_sum3A_780 = vector.multi_reduction <add>, %reduce_sum3A_778, %reduce_sum3A_779 [1, 2] : vector<1x256x2048xi32> to vector<1xi32>
    %reduce_sum3A_781 = vector.shape_cast %reduce_sum3A_780 : vector<1xi32> to vector<1x1x1xi32>
    %reduce_sum3A_782 = vector.extract %reduce_sum3A_781[0, 0, 0] : i32 from vector<1x1x1xi32>
    %get3A_783 = arith.constant 0 : index
    %get3A_784 = arith.constant 61 : index
    %get3A_785 = vector.load %arg5[%get3A_783, %get3A_784] : memref<1x64xf32, #tpu.memory_space<vmem>>, vector<1x1xf32>
    %get3A_786 = vector.extract %get3A_785[0, 0] : f32 from vector<1x1xf32>
    %gt3A_787 = vector.broadcast %get3A_786 : f32 to vector<256x2048xf32>
    %gt3A_788 = arith.cmpf ogt, %select_n3A, %gt3A_787 : vector<256x2048xf32>
    %convert_element_type3A_789 = arith.extui %gt3A_788 : vector<256x2048xi1> to vector<256x2048xi32>
    %reduce_sum3A_790 = vector.shape_cast %convert_element_type3A_789 : vector<256x2048xi32> to vector<1x256x2048xi32>
    %reduce_sum3A_791 = arith.constant dense<0> : vector<1xi32>
    %reduce_sum3A_792 = vector.multi_reduction <add>, %reduce_sum3A_790, %reduce_sum3A_791 [1, 2] : vector<1x256x2048xi32> to vector<1xi32>
    %reduce_sum3A_793 = vector.shape_cast %reduce_sum3A_792 : vector<1xi32> to vector<1x1x1xi32>
    %reduce_sum3A_794 = vector.extract %reduce_sum3A_793[0, 0, 0] : i32 from vector<1x1x1xi32>
    %get3A_795 = arith.constant 0 : index
    %get3A_796 = arith.constant 62 : index
    %get3A_797 = vector.load %arg5[%get3A_795, %get3A_796] : memref<1x64xf32, #tpu.memory_space<vmem>>, vector<1x1xf32>
    %get3A_798 = vector.extract %get3A_797[0, 0] : f32 from vector<1x1xf32>
    %gt3A_799 = vector.broadcast %get3A_798 : f32 to vector<256x2048xf32>
    %gt3A_800 = arith.cmpf ogt, %select_n3A, %gt3A_799 : vector<256x2048xf32>
    %convert_element_type3A_801 = arith.extui %gt3A_800 : vector<256x2048xi1> to vector<256x2048xi32>
    %reduce_sum3A_802 = vector.shape_cast %convert_element_type3A_801 : vector<256x2048xi32> to vector<1x256x2048xi32>
    %reduce_sum3A_803 = arith.constant dense<0> : vector<1xi32>
    %reduce_sum3A_804 = vector.multi_reduction <add>, %reduce_sum3A_802, %reduce_sum3A_803 [1, 2] : vector<1x256x2048xi32> to vector<1xi32>
    %reduce_sum3A_805 = vector.shape_cast %reduce_sum3A_804 : vector<1xi32> to vector<1x1x1xi32>
    %reduce_sum3A_806 = vector.extract %reduce_sum3A_805[0, 0, 0] : i32 from vector<1x1x1xi32>
    %get3A_807 = arith.constant 0 : index
    %get3A_808 = arith.constant 63 : index
    %get3A_809 = vector.load %arg5[%get3A_807, %get3A_808] : memref<1x64xf32, #tpu.memory_space<vmem>>, vector<1x1xf32>
    %get3A_810 = vector.extract %get3A_809[0, 0] : f32 from vector<1x1xf32>
    %gt3A_811 = vector.broadcast %get3A_810 : f32 to vector<256x2048xf32>
    %gt3A_812 = arith.cmpf ogt, %select_n3A, %gt3A_811 : vector<256x2048xf32>
    %convert_element_type3A_813 = arith.extui %gt3A_812 : vector<256x2048xi1> to vector<256x2048xi32>
    %reduce_sum3A_814 = vector.shape_cast %convert_element_type3A_813 : vector<256x2048xi32> to vector<1x256x2048xi32>
    %reduce_sum3A_815 = arith.constant dense<0> : vector<1xi32>
    %reduce_sum3A_816 = vector.multi_reduction <add>, %reduce_sum3A_814, %reduce_sum3A_815 [1, 2] : vector<1x256x2048xi32> to vector<1xi32>
    %reduce_sum3A_817 = vector.shape_cast %reduce_sum3A_816 : vector<1xi32> to vector<1x1x1xi32>
    %reduce_sum3A_818 = vector.extract %reduce_sum3A_817[0, 0, 0] : i32 from vector<1x1x1xi32>
    %stack3A = vector.broadcast %reduce_sum3A_62 : i32 to vector<1xi32>
    %stack3A_819 = vector.broadcast %reduce_sum3A_74 : i32 to vector<1xi32>
    %stack3A_820 = vector.broadcast %reduce_sum3A_86 : i32 to vector<1xi32>
    %stack3A_821 = vector.broadcast %reduce_sum3A_98 : i32 to vector<1xi32>
    %stack3A_822 = vector.broadcast %reduce_sum3A_110 : i32 to vector<1xi32>
    %stack3A_823 = vector.broadcast %reduce_sum3A_122 : i32 to vector<1xi32>
    %stack3A_824 = vector.broadcast %reduce_sum3A_134 : i32 to vector<1xi32>
    %stack3A_825 = vector.broadcast %reduce_sum3A_146 : i32 to vector<1xi32>
    %stack3A_826 = vector.broadcast %reduce_sum3A_158 : i32 to vector<1xi32>
    %stack3A_827 = vector.broadcast %reduce_sum3A_170 : i32 to vector<1xi32>
    %stack3A_828 = vector.broadcast %reduce_sum3A_182 : i32 to vector<1xi32>
    %stack3A_829 = vector.broadcast %reduce_sum3A_194 : i32 to vector<1xi32>
    %stack3A_830 = vector.broadcast %reduce_sum3A_206 : i32 to vector<1xi32>
    %stack3A_831 = vector.broadcast %reduce_sum3A_218 : i32 to vector<1xi32>
    %stack3A_832 = vector.broadcast %reduce_sum3A_230 : i32 to vector<1xi32>
    %stack3A_833 = vector.broadcast %reduce_sum3A_242 : i32 to vector<1xi32>
    %stack3A_834 = vector.broadcast %reduce_sum3A_254 : i32 to vector<1xi32>
    %stack3A_835 = vector.broadcast %reduce_sum3A_266 : i32 to vector<1xi32>
    %stack3A_836 = vector.broadcast %reduce_sum3A_278 : i32 to vector<1xi32>
    %stack3A_837 = vector.broadcast %reduce_sum3A_290 : i32 to vector<1xi32>
    %stack3A_838 = vector.broadcast %reduce_sum3A_302 : i32 to vector<1xi32>
    %stack3A_839 = vector.broadcast %reduce_sum3A_314 : i32 to vector<1xi32>
    %stack3A_840 = vector.broadcast %reduce_sum3A_326 : i32 to vector<1xi32>
    %stack3A_841 = vector.broadcast %reduce_sum3A_338 : i32 to vector<1xi32>
    %stack3A_842 = vector.broadcast %reduce_sum3A_350 : i32 to vector<1xi32>
    %stack3A_843 = vector.broadcast %reduce_sum3A_362 : i32 to vector<1xi32>
    %stack3A_844 = vector.broadcast %reduce_sum3A_374 : i32 to vector<1xi32>
    %stack3A_845 = vector.broadcast %reduce_sum3A_386 : i32 to vector<1xi32>
    %stack3A_846 = vector.broadcast %reduce_sum3A_398 : i32 to vector<1xi32>
    %stack3A_847 = vector.broadcast %reduce_sum3A_410 : i32 to vector<1xi32>
    %stack3A_848 = vector.broadcast %reduce_sum3A_422 : i32 to vector<1xi32>
    %stack3A_849 = vector.broadcast %reduce_sum3A_434 : i32 to vector<1xi32>
    %stack3A_850 = vector.broadcast %reduce_sum3A_446 : i32 to vector<1xi32>
    %stack3A_851 = vector.broadcast %reduce_sum3A_458 : i32 to vector<1xi32>
    %stack3A_852 = vector.broadcast %reduce_sum3A_470 : i32 to vector<1xi32>
    %stack3A_853 = vector.broadcast %reduce_sum3A_482 : i32 to vector<1xi32>
    %stack3A_854 = vector.broadcast %reduce_sum3A_494 : i32 to vector<1xi32>
    %stack3A_855 = vector.broadcast %reduce_sum3A_506 : i32 to vector<1xi32>
    %stack3A_856 = vector.broadcast %reduce_sum3A_518 : i32 to vector<1xi32>
    %stack3A_857 = vector.broadcast %reduce_sum3A_530 : i32 to vector<1xi32>
    %stack3A_858 = vector.broadcast %reduce_sum3A_542 : i32 to vector<1xi32>
    %stack3A_859 = vector.broadcast %reduce_sum3A_554 : i32 to vector<1xi32>
    %stack3A_860 = vector.broadcast %reduce_sum3A_566 : i32 to vector<1xi32>
    %stack3A_861 = vector.broadcast %reduce_sum3A_578 : i32 to vector<1xi32>
    %stack3A_862 = vector.broadcast %reduce_sum3A_590 : i32 to vector<1xi32>
    %stack3A_863 = vector.broadcast %reduce_sum3A_602 : i32 to vector<1xi32>
    %stack3A_864 = vector.broadcast %reduce_sum3A_614 : i32 to vector<1xi32>
    %stack3A_865 = vector.broadcast %reduce_sum3A_626 : i32 to vector<1xi32>
    %stack3A_866 = vector.broadcast %reduce_sum3A_638 : i32 to vector<1xi32>
    %stack3A_867 = vector.broadcast %reduce_sum3A_650 : i32 to vector<1xi32>
    %stack3A_868 = vector.broadcast %reduce_sum3A_662 : i32 to vector<1xi32>
    %stack3A_869 = vector.broadcast %reduce_sum3A_674 : i32 to vector<1xi32>
    %stack3A_870 = vector.broadcast %reduce_sum3A_686 : i32 to vector<1xi32>
    %stack3A_871 = vector.broadcast %reduce_sum3A_698 : i32 to vector<1xi32>
    %stack3A_872 = vector.broadcast %reduce_sum3A_710 : i32 to vector<1xi32>
    %stack3A_873 = vector.broadcast %reduce_sum3A_722 : i32 to vector<1xi32>
    %stack3A_874 = vector.broadcast %reduce_sum3A_734 : i32 to vector<1xi32>
    %stack3A_875 = vector.broadcast %reduce_sum3A_746 : i32 to vector<1xi32>
    %stack3A_876 = vector.broadcast %reduce_sum3A_758 : i32 to vector<1xi32>
    %stack3A_877 = vector.broadcast %reduce_sum3A_770 : i32 to vector<1xi32>
    %stack3A_878 = vector.broadcast %reduce_sum3A_782 : i32 to vector<1xi32>
    %stack3A_879 = vector.broadcast %reduce_sum3A_794 : i32 to vector<1xi32>
    %stack3A_880 = vector.broadcast %reduce_sum3A_806 : i32 to vector<1xi32>
    %stack3A_881 = vector.broadcast %reduce_sum3A_818 : i32 to vector<1xi32>
    %stack3A_882 = tpu.concatenate %stack3A, %stack3A_819, %stack3A_820, %stack3A_821, %stack3A_822, %stack3A_823, %stack3A_824, %stack3A_825, %stack3A_826, %stack3A_827, %stack3A_828, %stack3A_829, %stack3A_830, %stack3A_831, %stack3A_832, %stack3A_833, %stack3A_834, %stack3A_835, %stack3A_836, %stack3A_837, %stack3A_838, %stack3A_839, %stack3A_840, %stack3A_841, %stack3A_842, %stack3A_843, %stack3A_844, %stack3A_845, %stack3A_846, %stack3A_847, %stack3A_848, %stack3A_849, %stack3A_850, %stack3A_851, %stack3A_852, %stack3A_853, %stack3A_854, %stack3A_855, %stack3A_856, %stack3A_857, %stack3A_858, %stack3A_859, %stack3A_860, %stack3A_861, %stack3A_862, %stack3A_863, %stack3A_864, %stack3A_865, %stack3A_866, %stack3A_867, %stack3A_868, %stack3A_869, %stack3A_870, %stack3A_871, %stack3A_872, %stack3A_873, %stack3A_874, %stack3A_875, %stack3A_876, %stack3A_877, %stack3A_878, %stack3A_879, %stack3A_880, %stack3A_881 in 0 : vector<1xi32>, vector<1xi32>, vector<1xi32>, vector<1xi32>, vector<1xi32>, vector<1xi32>, vector<1xi32>, vector<1xi32>, vector<1xi32>, vector<1xi32>, vector<1xi32>, vector<1xi32>, vector<1xi32>, vector<1xi32>, vector<1xi32>, vector<1xi32>, vector<1xi32>, vector<1xi32>, vector<1xi32>, vector<1xi32>, vector<1xi32>, vector<1xi32>, vector<1xi32>, vector<1xi32>, vector<1xi32>, vector<1xi32>, vector<1xi32>, vector<1xi32>, vector<1xi32>, vector<1xi32>, vector<1xi32>, vector<1xi32>, vector<1xi32>, vector<1xi32>, vector<1xi32>, vector<1xi32>, vector<1xi32>, vector<1xi32>, vector<1xi32>, vector<1xi32>, vector<1xi32>, vector<1xi32>, vector<1xi32>, vector<1xi32>, vector<1xi32>, vector<1xi32>, vector<1xi32>, vector<1xi32>, vector<1xi32>, vector<1xi32>, vector<1xi32>, vector<1xi32>, vector<1xi32>, vector<1xi32>, vector<1xi32>, vector<1xi32>, vector<1xi32>, vector<1xi32>, vector<1xi32>, vector<1xi32>, vector<1xi32>, vector<1xi32>, vector<1xi32>, vector<1xi32> -> vector<64xi32>
    %reshape3A = vector.shape_cast %stack3A_882 : vector<64xi32> to vector<1x64xi32>
    %eq3A = arith.constant 0 : i32
    %eq3A_883 = arith.cmpi eq, %arg0, %eq3A : i32
    %convert_element_type3A_884 = arith.extui %eq3A_883 : i1 to i32
    %cond3A = arith.constant 0 : i32
    %cond3A_885 = arith.cmpi ne, %convert_element_type3A_884, %cond3A : i32
    scf.if %cond3A_885 {
      %broadcast_in_dim3A_893 = arith.constant 0 : i32
      %broadcast_in_dim3A_894 = vector.broadcast %broadcast_in_dim3A_893 : i32 to vector<1x64xi32>
      %swap3A_895 = arith.constant 0 : index
      %swap3A_896 = arith.constant 0 : index
      %swap3A_897 = vector.load %arg7[%swap3A_895, %swap3A_896] : memref<1x64xi32, #tpu.memory_space<vmem>>, vector<1x64xi32>
      tpu.vector_store %arg7[%swap3A_895, %swap3A_896], %broadcast_in_dim3A_894 {strides = array<i32>} : memref<1x64xi32, #tpu.memory_space<vmem>>, vector<1x64xi32>,
    } else {
    }
    %get3A_886 = arith.constant 0 : index
    %get3A_887 = arith.constant 0 : index
    %get3A_888 = vector.load %arg7[%get3A_886, %get3A_887] : memref<1x64xi32, #tpu.memory_space<vmem>>, vector<1x64xi32>
    %add3A_889 = arith.addi %get3A_888, %reshape3A : vector<1x64xi32>
    %swap3A_890 = arith.constant 0 : index
    %swap3A_891 = arith.constant 0 : index
    %swap3A_892 = vector.load %arg7[%swap3A_890, %swap3A_891] : memref<1x64xi32, #tpu.memory_space<vmem>>, vector<1x64xi32>
    tpu.vector_store %arg7[%swap3A_890, %swap3A_891], %add3A_889 {strides = array<i32>} : memref<1x64xi32, #tpu.memory_space<vmem>>, vector<1x64xi32>,
    return
  }
  func.func @transform_0(%arg0: i32) -> (i32, i32) {
    %c0_i32 = arith.constant 0 : i32
    %c0_i32_0 = arith.constant 0 : i32
    return %arg0, %c0_i32 : i32, i32
  }
  func.func @transform_1(%arg0: i32) -> (i32, i32) {
    %c0_i32 = arith.constant 0 : i32
    %c0_i32_0 = arith.constant 0 : i32
    %c0_i32_1 = arith.constant 0 : i32
    return %c0_i32, %c0_i32_0 : i32, i32
  }
  func.func @transform_2(%arg0: i32) -> (i32, i32, i32) {
    %c0_i32 = arith.constant 0 : i32
    %c0_i32_0 = arith.constant 0 : i32
    %c0_i32_1 = arith.constant 0 : i32
    %c0_i32_2 = arith.constant 0 : i32
    return %c0_i32, %c0_i32_0, %c0_i32_1 : i32, i32, i32
  }
  func.func @transform_3(%arg0: i32) -> (i32, i32) {
    %c0_i32 = arith.constant 0 : i32
    %c0_i32_0 = arith.constant 0 : i32
    return %arg0, %c0_i32 : i32, i32
  }
  func.func @transform_4(%arg0: i32) -> (i32, i32) {
    %c0_i32 = arith.constant 0 : i32
    %c0_i32_0 = arith.constant 0 : i32
    %c0_i32_1 = arith.constant 0 : i32
    return %c0_i32, %c0_i32_0 : i32, i32
  }
  func.func @transform_5(%arg0: i32) -> (i32, i32) {
    %c0_i32 = arith.constant 0 : i32
    %c0_i32_0 = arith.constant 0 : i32
    return %arg0, %c0_i32 : i32, i32
  }
  func.func @transform_6(%arg0: i32) -> (i32, i32) {
    %c0_i32 = arith.constant 0 : i32
    %c0_i32_0 = arith.constant 0 : i32
    %c0_i32_1 = arith.constant 0 : i32
    return %c0_i32, %c0_i32_0 : i32, i32
  }
}

module attributes {stable_mosaic.version = 14 : i64} {
  func.func @_count_kernel(%arg0: i32, %arg1: memref<256x2048xf32, #tpu.memory_space<vmem>>, %arg2: memref<1x64xf32, #tpu.memory_space<vmem>>, %arg3: memref<1x64xi32, #tpu.memory_space<vmem>>) attributes {dimension_semantics = [#tpu.dimension_semantics<arbitrary>], iteration_bounds = array<i64: 32>, scalar_prefetch = 0 : i64, scratch_operands = 0 : i64, tpu.core_type = #tpu.core_type<tc>, window_params = [{transform_indices = @transform_0, window_bounds = array<i64: 256, 2048>}, {pipeline_mode = #tpu.pipeline_mode<synchronous>, transform_indices = @transform_1, window_bounds = array<i64: 1, 64>}, {pipeline_mode = #tpu.pipeline_mode<synchronous>, transform_indices = @transform_2, window_bounds = array<i64: 1, 64>}]} {
    %get3A = arith.constant 0 : index
    %get3A_0 = arith.constant 0 : index
    %get3A_1 = vector.load %arg1[%get3A, %get3A_0] : memref<256x2048xf32, #tpu.memory_space<vmem>>, vector<256x2048xf32>
    %get3A_2 = arith.constant 0 : index
    %get3A_3 = arith.constant 0 : index
    %get3A_4 = vector.load %arg2[%get3A_2, %get3A_3] : memref<1x64xf32, #tpu.memory_space<vmem>>, vector<1x1xf32>
    %get3A_5 = vector.extract %get3A_4[0, 0] : f32 from vector<1x1xf32>
    %gt3A = vector.broadcast %get3A_5 : f32 to vector<256x2048xf32>
    %gt3A_6 = arith.cmpf ogt, %get3A_1, %gt3A : vector<256x2048xf32>
    %convert_element_type3A = arith.extui %gt3A_6 : vector<256x2048xi1> to vector<256x2048xi32>
    %reduce_sum3A = vector.shape_cast %convert_element_type3A : vector<256x2048xi32> to vector<1x256x2048xi32>
    %reduce_sum3A_7 = arith.constant dense<0> : vector<1xi32>
    %reduce_sum3A_8 = vector.multi_reduction <add>, %reduce_sum3A, %reduce_sum3A_7 [1, 2] : vector<1x256x2048xi32> to vector<1xi32>
    %reduce_sum3A_9 = vector.shape_cast %reduce_sum3A_8 : vector<1xi32> to vector<1x1x1xi32>
    %reduce_sum3A_10 = vector.extract %reduce_sum3A_9[0, 0, 0] : i32 from vector<1x1x1xi32>
    %get3A_11 = arith.constant 0 : index
    %get3A_12 = arith.constant 1 : index
    %get3A_13 = vector.load %arg2[%get3A_11, %get3A_12] : memref<1x64xf32, #tpu.memory_space<vmem>>, vector<1x1xf32>
    %get3A_14 = vector.extract %get3A_13[0, 0] : f32 from vector<1x1xf32>
    %gt3A_15 = vector.broadcast %get3A_14 : f32 to vector<256x2048xf32>
    %gt3A_16 = arith.cmpf ogt, %get3A_1, %gt3A_15 : vector<256x2048xf32>
    %convert_element_type3A_17 = arith.extui %gt3A_16 : vector<256x2048xi1> to vector<256x2048xi32>
    %reduce_sum3A_18 = vector.shape_cast %convert_element_type3A_17 : vector<256x2048xi32> to vector<1x256x2048xi32>
    %reduce_sum3A_19 = arith.constant dense<0> : vector<1xi32>
    %reduce_sum3A_20 = vector.multi_reduction <add>, %reduce_sum3A_18, %reduce_sum3A_19 [1, 2] : vector<1x256x2048xi32> to vector<1xi32>
    %reduce_sum3A_21 = vector.shape_cast %reduce_sum3A_20 : vector<1xi32> to vector<1x1x1xi32>
    %reduce_sum3A_22 = vector.extract %reduce_sum3A_21[0, 0, 0] : i32 from vector<1x1x1xi32>
    %get3A_23 = arith.constant 0 : index
    %get3A_24 = arith.constant 2 : index
    %get3A_25 = vector.load %arg2[%get3A_23, %get3A_24] : memref<1x64xf32, #tpu.memory_space<vmem>>, vector<1x1xf32>
    %get3A_26 = vector.extract %get3A_25[0, 0] : f32 from vector<1x1xf32>
    %gt3A_27 = vector.broadcast %get3A_26 : f32 to vector<256x2048xf32>
    %gt3A_28 = arith.cmpf ogt, %get3A_1, %gt3A_27 : vector<256x2048xf32>
    %convert_element_type3A_29 = arith.extui %gt3A_28 : vector<256x2048xi1> to vector<256x2048xi32>
    %reduce_sum3A_30 = vector.shape_cast %convert_element_type3A_29 : vector<256x2048xi32> to vector<1x256x2048xi32>
    %reduce_sum3A_31 = arith.constant dense<0> : vector<1xi32>
    %reduce_sum3A_32 = vector.multi_reduction <add>, %reduce_sum3A_30, %reduce_sum3A_31 [1, 2] : vector<1x256x2048xi32> to vector<1xi32>
    %reduce_sum3A_33 = vector.shape_cast %reduce_sum3A_32 : vector<1xi32> to vector<1x1x1xi32>
    %reduce_sum3A_34 = vector.extract %reduce_sum3A_33[0, 0, 0] : i32 from vector<1x1x1xi32>
    %get3A_35 = arith.constant 0 : index
    %get3A_36 = arith.constant 3 : index
    %get3A_37 = vector.load %arg2[%get3A_35, %get3A_36] : memref<1x64xf32, #tpu.memory_space<vmem>>, vector<1x1xf32>
    %get3A_38 = vector.extract %get3A_37[0, 0] : f32 from vector<1x1xf32>
    %gt3A_39 = vector.broadcast %get3A_38 : f32 to vector<256x2048xf32>
    %gt3A_40 = arith.cmpf ogt, %get3A_1, %gt3A_39 : vector<256x2048xf32>
    %convert_element_type3A_41 = arith.extui %gt3A_40 : vector<256x2048xi1> to vector<256x2048xi32>
    %reduce_sum3A_42 = vector.shape_cast %convert_element_type3A_41 : vector<256x2048xi32> to vector<1x256x2048xi32>
    %reduce_sum3A_43 = arith.constant dense<0> : vector<1xi32>
    %reduce_sum3A_44 = vector.multi_reduction <add>, %reduce_sum3A_42, %reduce_sum3A_43 [1, 2] : vector<1x256x2048xi32> to vector<1xi32>
    %reduce_sum3A_45 = vector.shape_cast %reduce_sum3A_44 : vector<1xi32> to vector<1x1x1xi32>
    %reduce_sum3A_46 = vector.extract %reduce_sum3A_45[0, 0, 0] : i32 from vector<1x1x1xi32>
    %get3A_47 = arith.constant 0 : index
    %get3A_48 = arith.constant 4 : index
    %get3A_49 = vector.load %arg2[%get3A_47, %get3A_48] : memref<1x64xf32, #tpu.memory_space<vmem>>, vector<1x1xf32>
    %get3A_50 = vector.extract %get3A_49[0, 0] : f32 from vector<1x1xf32>
    %gt3A_51 = vector.broadcast %get3A_50 : f32 to vector<256x2048xf32>
    %gt3A_52 = arith.cmpf ogt, %get3A_1, %gt3A_51 : vector<256x2048xf32>
    %convert_element_type3A_53 = arith.extui %gt3A_52 : vector<256x2048xi1> to vector<256x2048xi32>
    %reduce_sum3A_54 = vector.shape_cast %convert_element_type3A_53 : vector<256x2048xi32> to vector<1x256x2048xi32>
    %reduce_sum3A_55 = arith.constant dense<0> : vector<1xi32>
    %reduce_sum3A_56 = vector.multi_reduction <add>, %reduce_sum3A_54, %reduce_sum3A_55 [1, 2] : vector<1x256x2048xi32> to vector<1xi32>
    %reduce_sum3A_57 = vector.shape_cast %reduce_sum3A_56 : vector<1xi32> to vector<1x1x1xi32>
    %reduce_sum3A_58 = vector.extract %reduce_sum3A_57[0, 0, 0] : i32 from vector<1x1x1xi32>
    %get3A_59 = arith.constant 0 : index
    %get3A_60 = arith.constant 5 : index
    %get3A_61 = vector.load %arg2[%get3A_59, %get3A_60] : memref<1x64xf32, #tpu.memory_space<vmem>>, vector<1x1xf32>
    %get3A_62 = vector.extract %get3A_61[0, 0] : f32 from vector<1x1xf32>
    %gt3A_63 = vector.broadcast %get3A_62 : f32 to vector<256x2048xf32>
    %gt3A_64 = arith.cmpf ogt, %get3A_1, %gt3A_63 : vector<256x2048xf32>
    %convert_element_type3A_65 = arith.extui %gt3A_64 : vector<256x2048xi1> to vector<256x2048xi32>
    %reduce_sum3A_66 = vector.shape_cast %convert_element_type3A_65 : vector<256x2048xi32> to vector<1x256x2048xi32>
    %reduce_sum3A_67 = arith.constant dense<0> : vector<1xi32>
    %reduce_sum3A_68 = vector.multi_reduction <add>, %reduce_sum3A_66, %reduce_sum3A_67 [1, 2] : vector<1x256x2048xi32> to vector<1xi32>
    %reduce_sum3A_69 = vector.shape_cast %reduce_sum3A_68 : vector<1xi32> to vector<1x1x1xi32>
    %reduce_sum3A_70 = vector.extract %reduce_sum3A_69[0, 0, 0] : i32 from vector<1x1x1xi32>
    %get3A_71 = arith.constant 0 : index
    %get3A_72 = arith.constant 6 : index
    %get3A_73 = vector.load %arg2[%get3A_71, %get3A_72] : memref<1x64xf32, #tpu.memory_space<vmem>>, vector<1x1xf32>
    %get3A_74 = vector.extract %get3A_73[0, 0] : f32 from vector<1x1xf32>
    %gt3A_75 = vector.broadcast %get3A_74 : f32 to vector<256x2048xf32>
    %gt3A_76 = arith.cmpf ogt, %get3A_1, %gt3A_75 : vector<256x2048xf32>
    %convert_element_type3A_77 = arith.extui %gt3A_76 : vector<256x2048xi1> to vector<256x2048xi32>
    %reduce_sum3A_78 = vector.shape_cast %convert_element_type3A_77 : vector<256x2048xi32> to vector<1x256x2048xi32>
    %reduce_sum3A_79 = arith.constant dense<0> : vector<1xi32>
    %reduce_sum3A_80 = vector.multi_reduction <add>, %reduce_sum3A_78, %reduce_sum3A_79 [1, 2] : vector<1x256x2048xi32> to vector<1xi32>
    %reduce_sum3A_81 = vector.shape_cast %reduce_sum3A_80 : vector<1xi32> to vector<1x1x1xi32>
    %reduce_sum3A_82 = vector.extract %reduce_sum3A_81[0, 0, 0] : i32 from vector<1x1x1xi32>
    %get3A_83 = arith.constant 0 : index
    %get3A_84 = arith.constant 7 : index
    %get3A_85 = vector.load %arg2[%get3A_83, %get3A_84] : memref<1x64xf32, #tpu.memory_space<vmem>>, vector<1x1xf32>
    %get3A_86 = vector.extract %get3A_85[0, 0] : f32 from vector<1x1xf32>
    %gt3A_87 = vector.broadcast %get3A_86 : f32 to vector<256x2048xf32>
    %gt3A_88 = arith.cmpf ogt, %get3A_1, %gt3A_87 : vector<256x2048xf32>
    %convert_element_type3A_89 = arith.extui %gt3A_88 : vector<256x2048xi1> to vector<256x2048xi32>
    %reduce_sum3A_90 = vector.shape_cast %convert_element_type3A_89 : vector<256x2048xi32> to vector<1x256x2048xi32>
    %reduce_sum3A_91 = arith.constant dense<0> : vector<1xi32>
    %reduce_sum3A_92 = vector.multi_reduction <add>, %reduce_sum3A_90, %reduce_sum3A_91 [1, 2] : vector<1x256x2048xi32> to vector<1xi32>
    %reduce_sum3A_93 = vector.shape_cast %reduce_sum3A_92 : vector<1xi32> to vector<1x1x1xi32>
    %reduce_sum3A_94 = vector.extract %reduce_sum3A_93[0, 0, 0] : i32 from vector<1x1x1xi32>
    %get3A_95 = arith.constant 0 : index
    %get3A_96 = arith.constant 8 : index
    %get3A_97 = vector.load %arg2[%get3A_95, %get3A_96] : memref<1x64xf32, #tpu.memory_space<vmem>>, vector<1x1xf32>
    %get3A_98 = vector.extract %get3A_97[0, 0] : f32 from vector<1x1xf32>
    %gt3A_99 = vector.broadcast %get3A_98 : f32 to vector<256x2048xf32>
    %gt3A_100 = arith.cmpf ogt, %get3A_1, %gt3A_99 : vector<256x2048xf32>
    %convert_element_type3A_101 = arith.extui %gt3A_100 : vector<256x2048xi1> to vector<256x2048xi32>
    %reduce_sum3A_102 = vector.shape_cast %convert_element_type3A_101 : vector<256x2048xi32> to vector<1x256x2048xi32>
    %reduce_sum3A_103 = arith.constant dense<0> : vector<1xi32>
    %reduce_sum3A_104 = vector.multi_reduction <add>, %reduce_sum3A_102, %reduce_sum3A_103 [1, 2] : vector<1x256x2048xi32> to vector<1xi32>
    %reduce_sum3A_105 = vector.shape_cast %reduce_sum3A_104 : vector<1xi32> to vector<1x1x1xi32>
    %reduce_sum3A_106 = vector.extract %reduce_sum3A_105[0, 0, 0] : i32 from vector<1x1x1xi32>
    %get3A_107 = arith.constant 0 : index
    %get3A_108 = arith.constant 9 : index
    %get3A_109 = vector.load %arg2[%get3A_107, %get3A_108] : memref<1x64xf32, #tpu.memory_space<vmem>>, vector<1x1xf32>
    %get3A_110 = vector.extract %get3A_109[0, 0] : f32 from vector<1x1xf32>
    %gt3A_111 = vector.broadcast %get3A_110 : f32 to vector<256x2048xf32>
    %gt3A_112 = arith.cmpf ogt, %get3A_1, %gt3A_111 : vector<256x2048xf32>
    %convert_element_type3A_113 = arith.extui %gt3A_112 : vector<256x2048xi1> to vector<256x2048xi32>
    %reduce_sum3A_114 = vector.shape_cast %convert_element_type3A_113 : vector<256x2048xi32> to vector<1x256x2048xi32>
    %reduce_sum3A_115 = arith.constant dense<0> : vector<1xi32>
    %reduce_sum3A_116 = vector.multi_reduction <add>, %reduce_sum3A_114, %reduce_sum3A_115 [1, 2] : vector<1x256x2048xi32> to vector<1xi32>
    %reduce_sum3A_117 = vector.shape_cast %reduce_sum3A_116 : vector<1xi32> to vector<1x1x1xi32>
    %reduce_sum3A_118 = vector.extract %reduce_sum3A_117[0, 0, 0] : i32 from vector<1x1x1xi32>
    %get3A_119 = arith.constant 0 : index
    %get3A_120 = arith.constant 10 : index
    %get3A_121 = vector.load %arg2[%get3A_119, %get3A_120] : memref<1x64xf32, #tpu.memory_space<vmem>>, vector<1x1xf32>
    %get3A_122 = vector.extract %get3A_121[0, 0] : f32 from vector<1x1xf32>
    %gt3A_123 = vector.broadcast %get3A_122 : f32 to vector<256x2048xf32>
    %gt3A_124 = arith.cmpf ogt, %get3A_1, %gt3A_123 : vector<256x2048xf32>
    %convert_element_type3A_125 = arith.extui %gt3A_124 : vector<256x2048xi1> to vector<256x2048xi32>
    %reduce_sum3A_126 = vector.shape_cast %convert_element_type3A_125 : vector<256x2048xi32> to vector<1x256x2048xi32>
    %reduce_sum3A_127 = arith.constant dense<0> : vector<1xi32>
    %reduce_sum3A_128 = vector.multi_reduction <add>, %reduce_sum3A_126, %reduce_sum3A_127 [1, 2] : vector<1x256x2048xi32> to vector<1xi32>
    %reduce_sum3A_129 = vector.shape_cast %reduce_sum3A_128 : vector<1xi32> to vector<1x1x1xi32>
    %reduce_sum3A_130 = vector.extract %reduce_sum3A_129[0, 0, 0] : i32 from vector<1x1x1xi32>
    %get3A_131 = arith.constant 0 : index
    %get3A_132 = arith.constant 11 : index
    %get3A_133 = vector.load %arg2[%get3A_131, %get3A_132] : memref<1x64xf32, #tpu.memory_space<vmem>>, vector<1x1xf32>
    %get3A_134 = vector.extract %get3A_133[0, 0] : f32 from vector<1x1xf32>
    %gt3A_135 = vector.broadcast %get3A_134 : f32 to vector<256x2048xf32>
    %gt3A_136 = arith.cmpf ogt, %get3A_1, %gt3A_135 : vector<256x2048xf32>
    %convert_element_type3A_137 = arith.extui %gt3A_136 : vector<256x2048xi1> to vector<256x2048xi32>
    %reduce_sum3A_138 = vector.shape_cast %convert_element_type3A_137 : vector<256x2048xi32> to vector<1x256x2048xi32>
    %reduce_sum3A_139 = arith.constant dense<0> : vector<1xi32>
    %reduce_sum3A_140 = vector.multi_reduction <add>, %reduce_sum3A_138, %reduce_sum3A_139 [1, 2] : vector<1x256x2048xi32> to vector<1xi32>
    %reduce_sum3A_141 = vector.shape_cast %reduce_sum3A_140 : vector<1xi32> to vector<1x1x1xi32>
    %reduce_sum3A_142 = vector.extract %reduce_sum3A_141[0, 0, 0] : i32 from vector<1x1x1xi32>
    %get3A_143 = arith.constant 0 : index
    %get3A_144 = arith.constant 12 : index
    %get3A_145 = vector.load %arg2[%get3A_143, %get3A_144] : memref<1x64xf32, #tpu.memory_space<vmem>>, vector<1x1xf32>
    %get3A_146 = vector.extract %get3A_145[0, 0] : f32 from vector<1x1xf32>
    %gt3A_147 = vector.broadcast %get3A_146 : f32 to vector<256x2048xf32>
    %gt3A_148 = arith.cmpf ogt, %get3A_1, %gt3A_147 : vector<256x2048xf32>
    %convert_element_type3A_149 = arith.extui %gt3A_148 : vector<256x2048xi1> to vector<256x2048xi32>
    %reduce_sum3A_150 = vector.shape_cast %convert_element_type3A_149 : vector<256x2048xi32> to vector<1x256x2048xi32>
    %reduce_sum3A_151 = arith.constant dense<0> : vector<1xi32>
    %reduce_sum3A_152 = vector.multi_reduction <add>, %reduce_sum3A_150, %reduce_sum3A_151 [1, 2] : vector<1x256x2048xi32> to vector<1xi32>
    %reduce_sum3A_153 = vector.shape_cast %reduce_sum3A_152 : vector<1xi32> to vector<1x1x1xi32>
    %reduce_sum3A_154 = vector.extract %reduce_sum3A_153[0, 0, 0] : i32 from vector<1x1x1xi32>
    %get3A_155 = arith.constant 0 : index
    %get3A_156 = arith.constant 13 : index
    %get3A_157 = vector.load %arg2[%get3A_155, %get3A_156] : memref<1x64xf32, #tpu.memory_space<vmem>>, vector<1x1xf32>
    %get3A_158 = vector.extract %get3A_157[0, 0] : f32 from vector<1x1xf32>
    %gt3A_159 = vector.broadcast %get3A_158 : f32 to vector<256x2048xf32>
    %gt3A_160 = arith.cmpf ogt, %get3A_1, %gt3A_159 : vector<256x2048xf32>
    %convert_element_type3A_161 = arith.extui %gt3A_160 : vector<256x2048xi1> to vector<256x2048xi32>
    %reduce_sum3A_162 = vector.shape_cast %convert_element_type3A_161 : vector<256x2048xi32> to vector<1x256x2048xi32>
    %reduce_sum3A_163 = arith.constant dense<0> : vector<1xi32>
    %reduce_sum3A_164 = vector.multi_reduction <add>, %reduce_sum3A_162, %reduce_sum3A_163 [1, 2] : vector<1x256x2048xi32> to vector<1xi32>
    %reduce_sum3A_165 = vector.shape_cast %reduce_sum3A_164 : vector<1xi32> to vector<1x1x1xi32>
    %reduce_sum3A_166 = vector.extract %reduce_sum3A_165[0, 0, 0] : i32 from vector<1x1x1xi32>
    %get3A_167 = arith.constant 0 : index
    %get3A_168 = arith.constant 14 : index
    %get3A_169 = vector.load %arg2[%get3A_167, %get3A_168] : memref<1x64xf32, #tpu.memory_space<vmem>>, vector<1x1xf32>
    %get3A_170 = vector.extract %get3A_169[0, 0] : f32 from vector<1x1xf32>
    %gt3A_171 = vector.broadcast %get3A_170 : f32 to vector<256x2048xf32>
    %gt3A_172 = arith.cmpf ogt, %get3A_1, %gt3A_171 : vector<256x2048xf32>
    %convert_element_type3A_173 = arith.extui %gt3A_172 : vector<256x2048xi1> to vector<256x2048xi32>
    %reduce_sum3A_174 = vector.shape_cast %convert_element_type3A_173 : vector<256x2048xi32> to vector<1x256x2048xi32>
    %reduce_sum3A_175 = arith.constant dense<0> : vector<1xi32>
    %reduce_sum3A_176 = vector.multi_reduction <add>, %reduce_sum3A_174, %reduce_sum3A_175 [1, 2] : vector<1x256x2048xi32> to vector<1xi32>
    %reduce_sum3A_177 = vector.shape_cast %reduce_sum3A_176 : vector<1xi32> to vector<1x1x1xi32>
    %reduce_sum3A_178 = vector.extract %reduce_sum3A_177[0, 0, 0] : i32 from vector<1x1x1xi32>
    %get3A_179 = arith.constant 0 : index
    %get3A_180 = arith.constant 15 : index
    %get3A_181 = vector.load %arg2[%get3A_179, %get3A_180] : memref<1x64xf32, #tpu.memory_space<vmem>>, vector<1x1xf32>
    %get3A_182 = vector.extract %get3A_181[0, 0] : f32 from vector<1x1xf32>
    %gt3A_183 = vector.broadcast %get3A_182 : f32 to vector<256x2048xf32>
    %gt3A_184 = arith.cmpf ogt, %get3A_1, %gt3A_183 : vector<256x2048xf32>
    %convert_element_type3A_185 = arith.extui %gt3A_184 : vector<256x2048xi1> to vector<256x2048xi32>
    %reduce_sum3A_186 = vector.shape_cast %convert_element_type3A_185 : vector<256x2048xi32> to vector<1x256x2048xi32>
    %reduce_sum3A_187 = arith.constant dense<0> : vector<1xi32>
    %reduce_sum3A_188 = vector.multi_reduction <add>, %reduce_sum3A_186, %reduce_sum3A_187 [1, 2] : vector<1x256x2048xi32> to vector<1xi32>
    %reduce_sum3A_189 = vector.shape_cast %reduce_sum3A_188 : vector<1xi32> to vector<1x1x1xi32>
    %reduce_sum3A_190 = vector.extract %reduce_sum3A_189[0, 0, 0] : i32 from vector<1x1x1xi32>
    %get3A_191 = arith.constant 0 : index
    %get3A_192 = arith.constant 16 : index
    %get3A_193 = vector.load %arg2[%get3A_191, %get3A_192] : memref<1x64xf32, #tpu.memory_space<vmem>>, vector<1x1xf32>
    %get3A_194 = vector.extract %get3A_193[0, 0] : f32 from vector<1x1xf32>
    %gt3A_195 = vector.broadcast %get3A_194 : f32 to vector<256x2048xf32>
    %gt3A_196 = arith.cmpf ogt, %get3A_1, %gt3A_195 : vector<256x2048xf32>
    %convert_element_type3A_197 = arith.extui %gt3A_196 : vector<256x2048xi1> to vector<256x2048xi32>
    %reduce_sum3A_198 = vector.shape_cast %convert_element_type3A_197 : vector<256x2048xi32> to vector<1x256x2048xi32>
    %reduce_sum3A_199 = arith.constant dense<0> : vector<1xi32>
    %reduce_sum3A_200 = vector.multi_reduction <add>, %reduce_sum3A_198, %reduce_sum3A_199 [1, 2] : vector<1x256x2048xi32> to vector<1xi32>
    %reduce_sum3A_201 = vector.shape_cast %reduce_sum3A_200 : vector<1xi32> to vector<1x1x1xi32>
    %reduce_sum3A_202 = vector.extract %reduce_sum3A_201[0, 0, 0] : i32 from vector<1x1x1xi32>
    %get3A_203 = arith.constant 0 : index
    %get3A_204 = arith.constant 17 : index
    %get3A_205 = vector.load %arg2[%get3A_203, %get3A_204] : memref<1x64xf32, #tpu.memory_space<vmem>>, vector<1x1xf32>
    %get3A_206 = vector.extract %get3A_205[0, 0] : f32 from vector<1x1xf32>
    %gt3A_207 = vector.broadcast %get3A_206 : f32 to vector<256x2048xf32>
    %gt3A_208 = arith.cmpf ogt, %get3A_1, %gt3A_207 : vector<256x2048xf32>
    %convert_element_type3A_209 = arith.extui %gt3A_208 : vector<256x2048xi1> to vector<256x2048xi32>
    %reduce_sum3A_210 = vector.shape_cast %convert_element_type3A_209 : vector<256x2048xi32> to vector<1x256x2048xi32>
    %reduce_sum3A_211 = arith.constant dense<0> : vector<1xi32>
    %reduce_sum3A_212 = vector.multi_reduction <add>, %reduce_sum3A_210, %reduce_sum3A_211 [1, 2] : vector<1x256x2048xi32> to vector<1xi32>
    %reduce_sum3A_213 = vector.shape_cast %reduce_sum3A_212 : vector<1xi32> to vector<1x1x1xi32>
    %reduce_sum3A_214 = vector.extract %reduce_sum3A_213[0, 0, 0] : i32 from vector<1x1x1xi32>
    %get3A_215 = arith.constant 0 : index
    %get3A_216 = arith.constant 18 : index
    %get3A_217 = vector.load %arg2[%get3A_215, %get3A_216] : memref<1x64xf32, #tpu.memory_space<vmem>>, vector<1x1xf32>
    %get3A_218 = vector.extract %get3A_217[0, 0] : f32 from vector<1x1xf32>
    %gt3A_219 = vector.broadcast %get3A_218 : f32 to vector<256x2048xf32>
    %gt3A_220 = arith.cmpf ogt, %get3A_1, %gt3A_219 : vector<256x2048xf32>
    %convert_element_type3A_221 = arith.extui %gt3A_220 : vector<256x2048xi1> to vector<256x2048xi32>
    %reduce_sum3A_222 = vector.shape_cast %convert_element_type3A_221 : vector<256x2048xi32> to vector<1x256x2048xi32>
    %reduce_sum3A_223 = arith.constant dense<0> : vector<1xi32>
    %reduce_sum3A_224 = vector.multi_reduction <add>, %reduce_sum3A_222, %reduce_sum3A_223 [1, 2] : vector<1x256x2048xi32> to vector<1xi32>
    %reduce_sum3A_225 = vector.shape_cast %reduce_sum3A_224 : vector<1xi32> to vector<1x1x1xi32>
    %reduce_sum3A_226 = vector.extract %reduce_sum3A_225[0, 0, 0] : i32 from vector<1x1x1xi32>
    %get3A_227 = arith.constant 0 : index
    %get3A_228 = arith.constant 19 : index
    %get3A_229 = vector.load %arg2[%get3A_227, %get3A_228] : memref<1x64xf32, #tpu.memory_space<vmem>>, vector<1x1xf32>
    %get3A_230 = vector.extract %get3A_229[0, 0] : f32 from vector<1x1xf32>
    %gt3A_231 = vector.broadcast %get3A_230 : f32 to vector<256x2048xf32>
    %gt3A_232 = arith.cmpf ogt, %get3A_1, %gt3A_231 : vector<256x2048xf32>
    %convert_element_type3A_233 = arith.extui %gt3A_232 : vector<256x2048xi1> to vector<256x2048xi32>
    %reduce_sum3A_234 = vector.shape_cast %convert_element_type3A_233 : vector<256x2048xi32> to vector<1x256x2048xi32>
    %reduce_sum3A_235 = arith.constant dense<0> : vector<1xi32>
    %reduce_sum3A_236 = vector.multi_reduction <add>, %reduce_sum3A_234, %reduce_sum3A_235 [1, 2] : vector<1x256x2048xi32> to vector<1xi32>
    %reduce_sum3A_237 = vector.shape_cast %reduce_sum3A_236 : vector<1xi32> to vector<1x1x1xi32>
    %reduce_sum3A_238 = vector.extract %reduce_sum3A_237[0, 0, 0] : i32 from vector<1x1x1xi32>
    %get3A_239 = arith.constant 0 : index
    %get3A_240 = arith.constant 20 : index
    %get3A_241 = vector.load %arg2[%get3A_239, %get3A_240] : memref<1x64xf32, #tpu.memory_space<vmem>>, vector<1x1xf32>
    %get3A_242 = vector.extract %get3A_241[0, 0] : f32 from vector<1x1xf32>
    %gt3A_243 = vector.broadcast %get3A_242 : f32 to vector<256x2048xf32>
    %gt3A_244 = arith.cmpf ogt, %get3A_1, %gt3A_243 : vector<256x2048xf32>
    %convert_element_type3A_245 = arith.extui %gt3A_244 : vector<256x2048xi1> to vector<256x2048xi32>
    %reduce_sum3A_246 = vector.shape_cast %convert_element_type3A_245 : vector<256x2048xi32> to vector<1x256x2048xi32>
    %reduce_sum3A_247 = arith.constant dense<0> : vector<1xi32>
    %reduce_sum3A_248 = vector.multi_reduction <add>, %reduce_sum3A_246, %reduce_sum3A_247 [1, 2] : vector<1x256x2048xi32> to vector<1xi32>
    %reduce_sum3A_249 = vector.shape_cast %reduce_sum3A_248 : vector<1xi32> to vector<1x1x1xi32>
    %reduce_sum3A_250 = vector.extract %reduce_sum3A_249[0, 0, 0] : i32 from vector<1x1x1xi32>
    %get3A_251 = arith.constant 0 : index
    %get3A_252 = arith.constant 21 : index
    %get3A_253 = vector.load %arg2[%get3A_251, %get3A_252] : memref<1x64xf32, #tpu.memory_space<vmem>>, vector<1x1xf32>
    %get3A_254 = vector.extract %get3A_253[0, 0] : f32 from vector<1x1xf32>
    %gt3A_255 = vector.broadcast %get3A_254 : f32 to vector<256x2048xf32>
    %gt3A_256 = arith.cmpf ogt, %get3A_1, %gt3A_255 : vector<256x2048xf32>
    %convert_element_type3A_257 = arith.extui %gt3A_256 : vector<256x2048xi1> to vector<256x2048xi32>
    %reduce_sum3A_258 = vector.shape_cast %convert_element_type3A_257 : vector<256x2048xi32> to vector<1x256x2048xi32>
    %reduce_sum3A_259 = arith.constant dense<0> : vector<1xi32>
    %reduce_sum3A_260 = vector.multi_reduction <add>, %reduce_sum3A_258, %reduce_sum3A_259 [1, 2] : vector<1x256x2048xi32> to vector<1xi32>
    %reduce_sum3A_261 = vector.shape_cast %reduce_sum3A_260 : vector<1xi32> to vector<1x1x1xi32>
    %reduce_sum3A_262 = vector.extract %reduce_sum3A_261[0, 0, 0] : i32 from vector<1x1x1xi32>
    %get3A_263 = arith.constant 0 : index
    %get3A_264 = arith.constant 22 : index
    %get3A_265 = vector.load %arg2[%get3A_263, %get3A_264] : memref<1x64xf32, #tpu.memory_space<vmem>>, vector<1x1xf32>
    %get3A_266 = vector.extract %get3A_265[0, 0] : f32 from vector<1x1xf32>
    %gt3A_267 = vector.broadcast %get3A_266 : f32 to vector<256x2048xf32>
    %gt3A_268 = arith.cmpf ogt, %get3A_1, %gt3A_267 : vector<256x2048xf32>
    %convert_element_type3A_269 = arith.extui %gt3A_268 : vector<256x2048xi1> to vector<256x2048xi32>
    %reduce_sum3A_270 = vector.shape_cast %convert_element_type3A_269 : vector<256x2048xi32> to vector<1x256x2048xi32>
    %reduce_sum3A_271 = arith.constant dense<0> : vector<1xi32>
    %reduce_sum3A_272 = vector.multi_reduction <add>, %reduce_sum3A_270, %reduce_sum3A_271 [1, 2] : vector<1x256x2048xi32> to vector<1xi32>
    %reduce_sum3A_273 = vector.shape_cast %reduce_sum3A_272 : vector<1xi32> to vector<1x1x1xi32>
    %reduce_sum3A_274 = vector.extract %reduce_sum3A_273[0, 0, 0] : i32 from vector<1x1x1xi32>
    %get3A_275 = arith.constant 0 : index
    %get3A_276 = arith.constant 23 : index
    %get3A_277 = vector.load %arg2[%get3A_275, %get3A_276] : memref<1x64xf32, #tpu.memory_space<vmem>>, vector<1x1xf32>
    %get3A_278 = vector.extract %get3A_277[0, 0] : f32 from vector<1x1xf32>
    %gt3A_279 = vector.broadcast %get3A_278 : f32 to vector<256x2048xf32>
    %gt3A_280 = arith.cmpf ogt, %get3A_1, %gt3A_279 : vector<256x2048xf32>
    %convert_element_type3A_281 = arith.extui %gt3A_280 : vector<256x2048xi1> to vector<256x2048xi32>
    %reduce_sum3A_282 = vector.shape_cast %convert_element_type3A_281 : vector<256x2048xi32> to vector<1x256x2048xi32>
    %reduce_sum3A_283 = arith.constant dense<0> : vector<1xi32>
    %reduce_sum3A_284 = vector.multi_reduction <add>, %reduce_sum3A_282, %reduce_sum3A_283 [1, 2] : vector<1x256x2048xi32> to vector<1xi32>
    %reduce_sum3A_285 = vector.shape_cast %reduce_sum3A_284 : vector<1xi32> to vector<1x1x1xi32>
    %reduce_sum3A_286 = vector.extract %reduce_sum3A_285[0, 0, 0] : i32 from vector<1x1x1xi32>
    %get3A_287 = arith.constant 0 : index
    %get3A_288 = arith.constant 24 : index
    %get3A_289 = vector.load %arg2[%get3A_287, %get3A_288] : memref<1x64xf32, #tpu.memory_space<vmem>>, vector<1x1xf32>
    %get3A_290 = vector.extract %get3A_289[0, 0] : f32 from vector<1x1xf32>
    %gt3A_291 = vector.broadcast %get3A_290 : f32 to vector<256x2048xf32>
    %gt3A_292 = arith.cmpf ogt, %get3A_1, %gt3A_291 : vector<256x2048xf32>
    %convert_element_type3A_293 = arith.extui %gt3A_292 : vector<256x2048xi1> to vector<256x2048xi32>
    %reduce_sum3A_294 = vector.shape_cast %convert_element_type3A_293 : vector<256x2048xi32> to vector<1x256x2048xi32>
    %reduce_sum3A_295 = arith.constant dense<0> : vector<1xi32>
    %reduce_sum3A_296 = vector.multi_reduction <add>, %reduce_sum3A_294, %reduce_sum3A_295 [1, 2] : vector<1x256x2048xi32> to vector<1xi32>
    %reduce_sum3A_297 = vector.shape_cast %reduce_sum3A_296 : vector<1xi32> to vector<1x1x1xi32>
    %reduce_sum3A_298 = vector.extract %reduce_sum3A_297[0, 0, 0] : i32 from vector<1x1x1xi32>
    %get3A_299 = arith.constant 0 : index
    %get3A_300 = arith.constant 25 : index
    %get3A_301 = vector.load %arg2[%get3A_299, %get3A_300] : memref<1x64xf32, #tpu.memory_space<vmem>>, vector<1x1xf32>
    %get3A_302 = vector.extract %get3A_301[0, 0] : f32 from vector<1x1xf32>
    %gt3A_303 = vector.broadcast %get3A_302 : f32 to vector<256x2048xf32>
    %gt3A_304 = arith.cmpf ogt, %get3A_1, %gt3A_303 : vector<256x2048xf32>
    %convert_element_type3A_305 = arith.extui %gt3A_304 : vector<256x2048xi1> to vector<256x2048xi32>
    %reduce_sum3A_306 = vector.shape_cast %convert_element_type3A_305 : vector<256x2048xi32> to vector<1x256x2048xi32>
    %reduce_sum3A_307 = arith.constant dense<0> : vector<1xi32>
    %reduce_sum3A_308 = vector.multi_reduction <add>, %reduce_sum3A_306, %reduce_sum3A_307 [1, 2] : vector<1x256x2048xi32> to vector<1xi32>
    %reduce_sum3A_309 = vector.shape_cast %reduce_sum3A_308 : vector<1xi32> to vector<1x1x1xi32>
    %reduce_sum3A_310 = vector.extract %reduce_sum3A_309[0, 0, 0] : i32 from vector<1x1x1xi32>
    %get3A_311 = arith.constant 0 : index
    %get3A_312 = arith.constant 26 : index
    %get3A_313 = vector.load %arg2[%get3A_311, %get3A_312] : memref<1x64xf32, #tpu.memory_space<vmem>>, vector<1x1xf32>
    %get3A_314 = vector.extract %get3A_313[0, 0] : f32 from vector<1x1xf32>
    %gt3A_315 = vector.broadcast %get3A_314 : f32 to vector<256x2048xf32>
    %gt3A_316 = arith.cmpf ogt, %get3A_1, %gt3A_315 : vector<256x2048xf32>
    %convert_element_type3A_317 = arith.extui %gt3A_316 : vector<256x2048xi1> to vector<256x2048xi32>
    %reduce_sum3A_318 = vector.shape_cast %convert_element_type3A_317 : vector<256x2048xi32> to vector<1x256x2048xi32>
    %reduce_sum3A_319 = arith.constant dense<0> : vector<1xi32>
    %reduce_sum3A_320 = vector.multi_reduction <add>, %reduce_sum3A_318, %reduce_sum3A_319 [1, 2] : vector<1x256x2048xi32> to vector<1xi32>
    %reduce_sum3A_321 = vector.shape_cast %reduce_sum3A_320 : vector<1xi32> to vector<1x1x1xi32>
    %reduce_sum3A_322 = vector.extract %reduce_sum3A_321[0, 0, 0] : i32 from vector<1x1x1xi32>
    %get3A_323 = arith.constant 0 : index
    %get3A_324 = arith.constant 27 : index
    %get3A_325 = vector.load %arg2[%get3A_323, %get3A_324] : memref<1x64xf32, #tpu.memory_space<vmem>>, vector<1x1xf32>
    %get3A_326 = vector.extract %get3A_325[0, 0] : f32 from vector<1x1xf32>
    %gt3A_327 = vector.broadcast %get3A_326 : f32 to vector<256x2048xf32>
    %gt3A_328 = arith.cmpf ogt, %get3A_1, %gt3A_327 : vector<256x2048xf32>
    %convert_element_type3A_329 = arith.extui %gt3A_328 : vector<256x2048xi1> to vector<256x2048xi32>
    %reduce_sum3A_330 = vector.shape_cast %convert_element_type3A_329 : vector<256x2048xi32> to vector<1x256x2048xi32>
    %reduce_sum3A_331 = arith.constant dense<0> : vector<1xi32>
    %reduce_sum3A_332 = vector.multi_reduction <add>, %reduce_sum3A_330, %reduce_sum3A_331 [1, 2] : vector<1x256x2048xi32> to vector<1xi32>
    %reduce_sum3A_333 = vector.shape_cast %reduce_sum3A_332 : vector<1xi32> to vector<1x1x1xi32>
    %reduce_sum3A_334 = vector.extract %reduce_sum3A_333[0, 0, 0] : i32 from vector<1x1x1xi32>
    %get3A_335 = arith.constant 0 : index
    %get3A_336 = arith.constant 28 : index
    %get3A_337 = vector.load %arg2[%get3A_335, %get3A_336] : memref<1x64xf32, #tpu.memory_space<vmem>>, vector<1x1xf32>
    %get3A_338 = vector.extract %get3A_337[0, 0] : f32 from vector<1x1xf32>
    %gt3A_339 = vector.broadcast %get3A_338 : f32 to vector<256x2048xf32>
    %gt3A_340 = arith.cmpf ogt, %get3A_1, %gt3A_339 : vector<256x2048xf32>
    %convert_element_type3A_341 = arith.extui %gt3A_340 : vector<256x2048xi1> to vector<256x2048xi32>
    %reduce_sum3A_342 = vector.shape_cast %convert_element_type3A_341 : vector<256x2048xi32> to vector<1x256x2048xi32>
    %reduce_sum3A_343 = arith.constant dense<0> : vector<1xi32>
    %reduce_sum3A_344 = vector.multi_reduction <add>, %reduce_sum3A_342, %reduce_sum3A_343 [1, 2] : vector<1x256x2048xi32> to vector<1xi32>
    %reduce_sum3A_345 = vector.shape_cast %reduce_sum3A_344 : vector<1xi32> to vector<1x1x1xi32>
    %reduce_sum3A_346 = vector.extract %reduce_sum3A_345[0, 0, 0] : i32 from vector<1x1x1xi32>
    %get3A_347 = arith.constant 0 : index
    %get3A_348 = arith.constant 29 : index
    %get3A_349 = vector.load %arg2[%get3A_347, %get3A_348] : memref<1x64xf32, #tpu.memory_space<vmem>>, vector<1x1xf32>
    %get3A_350 = vector.extract %get3A_349[0, 0] : f32 from vector<1x1xf32>
    %gt3A_351 = vector.broadcast %get3A_350 : f32 to vector<256x2048xf32>
    %gt3A_352 = arith.cmpf ogt, %get3A_1, %gt3A_351 : vector<256x2048xf32>
    %convert_element_type3A_353 = arith.extui %gt3A_352 : vector<256x2048xi1> to vector<256x2048xi32>
    %reduce_sum3A_354 = vector.shape_cast %convert_element_type3A_353 : vector<256x2048xi32> to vector<1x256x2048xi32>
    %reduce_sum3A_355 = arith.constant dense<0> : vector<1xi32>
    %reduce_sum3A_356 = vector.multi_reduction <add>, %reduce_sum3A_354, %reduce_sum3A_355 [1, 2] : vector<1x256x2048xi32> to vector<1xi32>
    %reduce_sum3A_357 = vector.shape_cast %reduce_sum3A_356 : vector<1xi32> to vector<1x1x1xi32>
    %reduce_sum3A_358 = vector.extract %reduce_sum3A_357[0, 0, 0] : i32 from vector<1x1x1xi32>
    %get3A_359 = arith.constant 0 : index
    %get3A_360 = arith.constant 30 : index
    %get3A_361 = vector.load %arg2[%get3A_359, %get3A_360] : memref<1x64xf32, #tpu.memory_space<vmem>>, vector<1x1xf32>
    %get3A_362 = vector.extract %get3A_361[0, 0] : f32 from vector<1x1xf32>
    %gt3A_363 = vector.broadcast %get3A_362 : f32 to vector<256x2048xf32>
    %gt3A_364 = arith.cmpf ogt, %get3A_1, %gt3A_363 : vector<256x2048xf32>
    %convert_element_type3A_365 = arith.extui %gt3A_364 : vector<256x2048xi1> to vector<256x2048xi32>
    %reduce_sum3A_366 = vector.shape_cast %convert_element_type3A_365 : vector<256x2048xi32> to vector<1x256x2048xi32>
    %reduce_sum3A_367 = arith.constant dense<0> : vector<1xi32>
    %reduce_sum3A_368 = vector.multi_reduction <add>, %reduce_sum3A_366, %reduce_sum3A_367 [1, 2] : vector<1x256x2048xi32> to vector<1xi32>
    %reduce_sum3A_369 = vector.shape_cast %reduce_sum3A_368 : vector<1xi32> to vector<1x1x1xi32>
    %reduce_sum3A_370 = vector.extract %reduce_sum3A_369[0, 0, 0] : i32 from vector<1x1x1xi32>
    %get3A_371 = arith.constant 0 : index
    %get3A_372 = arith.constant 31 : index
    %get3A_373 = vector.load %arg2[%get3A_371, %get3A_372] : memref<1x64xf32, #tpu.memory_space<vmem>>, vector<1x1xf32>
    %get3A_374 = vector.extract %get3A_373[0, 0] : f32 from vector<1x1xf32>
    %gt3A_375 = vector.broadcast %get3A_374 : f32 to vector<256x2048xf32>
    %gt3A_376 = arith.cmpf ogt, %get3A_1, %gt3A_375 : vector<256x2048xf32>
    %convert_element_type3A_377 = arith.extui %gt3A_376 : vector<256x2048xi1> to vector<256x2048xi32>
    %reduce_sum3A_378 = vector.shape_cast %convert_element_type3A_377 : vector<256x2048xi32> to vector<1x256x2048xi32>
    %reduce_sum3A_379 = arith.constant dense<0> : vector<1xi32>
    %reduce_sum3A_380 = vector.multi_reduction <add>, %reduce_sum3A_378, %reduce_sum3A_379 [1, 2] : vector<1x256x2048xi32> to vector<1xi32>
    %reduce_sum3A_381 = vector.shape_cast %reduce_sum3A_380 : vector<1xi32> to vector<1x1x1xi32>
    %reduce_sum3A_382 = vector.extract %reduce_sum3A_381[0, 0, 0] : i32 from vector<1x1x1xi32>
    %get3A_383 = arith.constant 0 : index
    %get3A_384 = arith.constant 32 : index
    %get3A_385 = vector.load %arg2[%get3A_383, %get3A_384] : memref<1x64xf32, #tpu.memory_space<vmem>>, vector<1x1xf32>
    %get3A_386 = vector.extract %get3A_385[0, 0] : f32 from vector<1x1xf32>
    %gt3A_387 = vector.broadcast %get3A_386 : f32 to vector<256x2048xf32>
    %gt3A_388 = arith.cmpf ogt, %get3A_1, %gt3A_387 : vector<256x2048xf32>
    %convert_element_type3A_389 = arith.extui %gt3A_388 : vector<256x2048xi1> to vector<256x2048xi32>
    %reduce_sum3A_390 = vector.shape_cast %convert_element_type3A_389 : vector<256x2048xi32> to vector<1x256x2048xi32>
    %reduce_sum3A_391 = arith.constant dense<0> : vector<1xi32>
    %reduce_sum3A_392 = vector.multi_reduction <add>, %reduce_sum3A_390, %reduce_sum3A_391 [1, 2] : vector<1x256x2048xi32> to vector<1xi32>
    %reduce_sum3A_393 = vector.shape_cast %reduce_sum3A_392 : vector<1xi32> to vector<1x1x1xi32>
    %reduce_sum3A_394 = vector.extract %reduce_sum3A_393[0, 0, 0] : i32 from vector<1x1x1xi32>
    %get3A_395 = arith.constant 0 : index
    %get3A_396 = arith.constant 33 : index
    %get3A_397 = vector.load %arg2[%get3A_395, %get3A_396] : memref<1x64xf32, #tpu.memory_space<vmem>>, vector<1x1xf32>
    %get3A_398 = vector.extract %get3A_397[0, 0] : f32 from vector<1x1xf32>
    %gt3A_399 = vector.broadcast %get3A_398 : f32 to vector<256x2048xf32>
    %gt3A_400 = arith.cmpf ogt, %get3A_1, %gt3A_399 : vector<256x2048xf32>
    %convert_element_type3A_401 = arith.extui %gt3A_400 : vector<256x2048xi1> to vector<256x2048xi32>
    %reduce_sum3A_402 = vector.shape_cast %convert_element_type3A_401 : vector<256x2048xi32> to vector<1x256x2048xi32>
    %reduce_sum3A_403 = arith.constant dense<0> : vector<1xi32>
    %reduce_sum3A_404 = vector.multi_reduction <add>, %reduce_sum3A_402, %reduce_sum3A_403 [1, 2] : vector<1x256x2048xi32> to vector<1xi32>
    %reduce_sum3A_405 = vector.shape_cast %reduce_sum3A_404 : vector<1xi32> to vector<1x1x1xi32>
    %reduce_sum3A_406 = vector.extract %reduce_sum3A_405[0, 0, 0] : i32 from vector<1x1x1xi32>
    %get3A_407 = arith.constant 0 : index
    %get3A_408 = arith.constant 34 : index
    %get3A_409 = vector.load %arg2[%get3A_407, %get3A_408] : memref<1x64xf32, #tpu.memory_space<vmem>>, vector<1x1xf32>
    %get3A_410 = vector.extract %get3A_409[0, 0] : f32 from vector<1x1xf32>
    %gt3A_411 = vector.broadcast %get3A_410 : f32 to vector<256x2048xf32>
    %gt3A_412 = arith.cmpf ogt, %get3A_1, %gt3A_411 : vector<256x2048xf32>
    %convert_element_type3A_413 = arith.extui %gt3A_412 : vector<256x2048xi1> to vector<256x2048xi32>
    %reduce_sum3A_414 = vector.shape_cast %convert_element_type3A_413 : vector<256x2048xi32> to vector<1x256x2048xi32>
    %reduce_sum3A_415 = arith.constant dense<0> : vector<1xi32>
    %reduce_sum3A_416 = vector.multi_reduction <add>, %reduce_sum3A_414, %reduce_sum3A_415 [1, 2] : vector<1x256x2048xi32> to vector<1xi32>
    %reduce_sum3A_417 = vector.shape_cast %reduce_sum3A_416 : vector<1xi32> to vector<1x1x1xi32>
    %reduce_sum3A_418 = vector.extract %reduce_sum3A_417[0, 0, 0] : i32 from vector<1x1x1xi32>
    %get3A_419 = arith.constant 0 : index
    %get3A_420 = arith.constant 35 : index
    %get3A_421 = vector.load %arg2[%get3A_419, %get3A_420] : memref<1x64xf32, #tpu.memory_space<vmem>>, vector<1x1xf32>
    %get3A_422 = vector.extract %get3A_421[0, 0] : f32 from vector<1x1xf32>
    %gt3A_423 = vector.broadcast %get3A_422 : f32 to vector<256x2048xf32>
    %gt3A_424 = arith.cmpf ogt, %get3A_1, %gt3A_423 : vector<256x2048xf32>
    %convert_element_type3A_425 = arith.extui %gt3A_424 : vector<256x2048xi1> to vector<256x2048xi32>
    %reduce_sum3A_426 = vector.shape_cast %convert_element_type3A_425 : vector<256x2048xi32> to vector<1x256x2048xi32>
    %reduce_sum3A_427 = arith.constant dense<0> : vector<1xi32>
    %reduce_sum3A_428 = vector.multi_reduction <add>, %reduce_sum3A_426, %reduce_sum3A_427 [1, 2] : vector<1x256x2048xi32> to vector<1xi32>
    %reduce_sum3A_429 = vector.shape_cast %reduce_sum3A_428 : vector<1xi32> to vector<1x1x1xi32>
    %reduce_sum3A_430 = vector.extract %reduce_sum3A_429[0, 0, 0] : i32 from vector<1x1x1xi32>
    %get3A_431 = arith.constant 0 : index
    %get3A_432 = arith.constant 36 : index
    %get3A_433 = vector.load %arg2[%get3A_431, %get3A_432] : memref<1x64xf32, #tpu.memory_space<vmem>>, vector<1x1xf32>
    %get3A_434 = vector.extract %get3A_433[0, 0] : f32 from vector<1x1xf32>
    %gt3A_435 = vector.broadcast %get3A_434 : f32 to vector<256x2048xf32>
    %gt3A_436 = arith.cmpf ogt, %get3A_1, %gt3A_435 : vector<256x2048xf32>
    %convert_element_type3A_437 = arith.extui %gt3A_436 : vector<256x2048xi1> to vector<256x2048xi32>
    %reduce_sum3A_438 = vector.shape_cast %convert_element_type3A_437 : vector<256x2048xi32> to vector<1x256x2048xi32>
    %reduce_sum3A_439 = arith.constant dense<0> : vector<1xi32>
    %reduce_sum3A_440 = vector.multi_reduction <add>, %reduce_sum3A_438, %reduce_sum3A_439 [1, 2] : vector<1x256x2048xi32> to vector<1xi32>
    %reduce_sum3A_441 = vector.shape_cast %reduce_sum3A_440 : vector<1xi32> to vector<1x1x1xi32>
    %reduce_sum3A_442 = vector.extract %reduce_sum3A_441[0, 0, 0] : i32 from vector<1x1x1xi32>
    %get3A_443 = arith.constant 0 : index
    %get3A_444 = arith.constant 37 : index
    %get3A_445 = vector.load %arg2[%get3A_443, %get3A_444] : memref<1x64xf32, #tpu.memory_space<vmem>>, vector<1x1xf32>
    %get3A_446 = vector.extract %get3A_445[0, 0] : f32 from vector<1x1xf32>
    %gt3A_447 = vector.broadcast %get3A_446 : f32 to vector<256x2048xf32>
    %gt3A_448 = arith.cmpf ogt, %get3A_1, %gt3A_447 : vector<256x2048xf32>
    %convert_element_type3A_449 = arith.extui %gt3A_448 : vector<256x2048xi1> to vector<256x2048xi32>
    %reduce_sum3A_450 = vector.shape_cast %convert_element_type3A_449 : vector<256x2048xi32> to vector<1x256x2048xi32>
    %reduce_sum3A_451 = arith.constant dense<0> : vector<1xi32>
    %reduce_sum3A_452 = vector.multi_reduction <add>, %reduce_sum3A_450, %reduce_sum3A_451 [1, 2] : vector<1x256x2048xi32> to vector<1xi32>
    %reduce_sum3A_453 = vector.shape_cast %reduce_sum3A_452 : vector<1xi32> to vector<1x1x1xi32>
    %reduce_sum3A_454 = vector.extract %reduce_sum3A_453[0, 0, 0] : i32 from vector<1x1x1xi32>
    %get3A_455 = arith.constant 0 : index
    %get3A_456 = arith.constant 38 : index
    %get3A_457 = vector.load %arg2[%get3A_455, %get3A_456] : memref<1x64xf32, #tpu.memory_space<vmem>>, vector<1x1xf32>
    %get3A_458 = vector.extract %get3A_457[0, 0] : f32 from vector<1x1xf32>
    %gt3A_459 = vector.broadcast %get3A_458 : f32 to vector<256x2048xf32>
    %gt3A_460 = arith.cmpf ogt, %get3A_1, %gt3A_459 : vector<256x2048xf32>
    %convert_element_type3A_461 = arith.extui %gt3A_460 : vector<256x2048xi1> to vector<256x2048xi32>
    %reduce_sum3A_462 = vector.shape_cast %convert_element_type3A_461 : vector<256x2048xi32> to vector<1x256x2048xi32>
    %reduce_sum3A_463 = arith.constant dense<0> : vector<1xi32>
    %reduce_sum3A_464 = vector.multi_reduction <add>, %reduce_sum3A_462, %reduce_sum3A_463 [1, 2] : vector<1x256x2048xi32> to vector<1xi32>
    %reduce_sum3A_465 = vector.shape_cast %reduce_sum3A_464 : vector<1xi32> to vector<1x1x1xi32>
    %reduce_sum3A_466 = vector.extract %reduce_sum3A_465[0, 0, 0] : i32 from vector<1x1x1xi32>
    %get3A_467 = arith.constant 0 : index
    %get3A_468 = arith.constant 39 : index
    %get3A_469 = vector.load %arg2[%get3A_467, %get3A_468] : memref<1x64xf32, #tpu.memory_space<vmem>>, vector<1x1xf32>
    %get3A_470 = vector.extract %get3A_469[0, 0] : f32 from vector<1x1xf32>
    %gt3A_471 = vector.broadcast %get3A_470 : f32 to vector<256x2048xf32>
    %gt3A_472 = arith.cmpf ogt, %get3A_1, %gt3A_471 : vector<256x2048xf32>
    %convert_element_type3A_473 = arith.extui %gt3A_472 : vector<256x2048xi1> to vector<256x2048xi32>
    %reduce_sum3A_474 = vector.shape_cast %convert_element_type3A_473 : vector<256x2048xi32> to vector<1x256x2048xi32>
    %reduce_sum3A_475 = arith.constant dense<0> : vector<1xi32>
    %reduce_sum3A_476 = vector.multi_reduction <add>, %reduce_sum3A_474, %reduce_sum3A_475 [1, 2] : vector<1x256x2048xi32> to vector<1xi32>
    %reduce_sum3A_477 = vector.shape_cast %reduce_sum3A_476 : vector<1xi32> to vector<1x1x1xi32>
    %reduce_sum3A_478 = vector.extract %reduce_sum3A_477[0, 0, 0] : i32 from vector<1x1x1xi32>
    %get3A_479 = arith.constant 0 : index
    %get3A_480 = arith.constant 40 : index
    %get3A_481 = vector.load %arg2[%get3A_479, %get3A_480] : memref<1x64xf32, #tpu.memory_space<vmem>>, vector<1x1xf32>
    %get3A_482 = vector.extract %get3A_481[0, 0] : f32 from vector<1x1xf32>
    %gt3A_483 = vector.broadcast %get3A_482 : f32 to vector<256x2048xf32>
    %gt3A_484 = arith.cmpf ogt, %get3A_1, %gt3A_483 : vector<256x2048xf32>
    %convert_element_type3A_485 = arith.extui %gt3A_484 : vector<256x2048xi1> to vector<256x2048xi32>
    %reduce_sum3A_486 = vector.shape_cast %convert_element_type3A_485 : vector<256x2048xi32> to vector<1x256x2048xi32>
    %reduce_sum3A_487 = arith.constant dense<0> : vector<1xi32>
    %reduce_sum3A_488 = vector.multi_reduction <add>, %reduce_sum3A_486, %reduce_sum3A_487 [1, 2] : vector<1x256x2048xi32> to vector<1xi32>
    %reduce_sum3A_489 = vector.shape_cast %reduce_sum3A_488 : vector<1xi32> to vector<1x1x1xi32>
    %reduce_sum3A_490 = vector.extract %reduce_sum3A_489[0, 0, 0] : i32 from vector<1x1x1xi32>
    %get3A_491 = arith.constant 0 : index
    %get3A_492 = arith.constant 41 : index
    %get3A_493 = vector.load %arg2[%get3A_491, %get3A_492] : memref<1x64xf32, #tpu.memory_space<vmem>>, vector<1x1xf32>
    %get3A_494 = vector.extract %get3A_493[0, 0] : f32 from vector<1x1xf32>
    %gt3A_495 = vector.broadcast %get3A_494 : f32 to vector<256x2048xf32>
    %gt3A_496 = arith.cmpf ogt, %get3A_1, %gt3A_495 : vector<256x2048xf32>
    %convert_element_type3A_497 = arith.extui %gt3A_496 : vector<256x2048xi1> to vector<256x2048xi32>
    %reduce_sum3A_498 = vector.shape_cast %convert_element_type3A_497 : vector<256x2048xi32> to vector<1x256x2048xi32>
    %reduce_sum3A_499 = arith.constant dense<0> : vector<1xi32>
    %reduce_sum3A_500 = vector.multi_reduction <add>, %reduce_sum3A_498, %reduce_sum3A_499 [1, 2] : vector<1x256x2048xi32> to vector<1xi32>
    %reduce_sum3A_501 = vector.shape_cast %reduce_sum3A_500 : vector<1xi32> to vector<1x1x1xi32>
    %reduce_sum3A_502 = vector.extract %reduce_sum3A_501[0, 0, 0] : i32 from vector<1x1x1xi32>
    %get3A_503 = arith.constant 0 : index
    %get3A_504 = arith.constant 42 : index
    %get3A_505 = vector.load %arg2[%get3A_503, %get3A_504] : memref<1x64xf32, #tpu.memory_space<vmem>>, vector<1x1xf32>
    %get3A_506 = vector.extract %get3A_505[0, 0] : f32 from vector<1x1xf32>
    %gt3A_507 = vector.broadcast %get3A_506 : f32 to vector<256x2048xf32>
    %gt3A_508 = arith.cmpf ogt, %get3A_1, %gt3A_507 : vector<256x2048xf32>
    %convert_element_type3A_509 = arith.extui %gt3A_508 : vector<256x2048xi1> to vector<256x2048xi32>
    %reduce_sum3A_510 = vector.shape_cast %convert_element_type3A_509 : vector<256x2048xi32> to vector<1x256x2048xi32>
    %reduce_sum3A_511 = arith.constant dense<0> : vector<1xi32>
    %reduce_sum3A_512 = vector.multi_reduction <add>, %reduce_sum3A_510, %reduce_sum3A_511 [1, 2] : vector<1x256x2048xi32> to vector<1xi32>
    %reduce_sum3A_513 = vector.shape_cast %reduce_sum3A_512 : vector<1xi32> to vector<1x1x1xi32>
    %reduce_sum3A_514 = vector.extract %reduce_sum3A_513[0, 0, 0] : i32 from vector<1x1x1xi32>
    %get3A_515 = arith.constant 0 : index
    %get3A_516 = arith.constant 43 : index
    %get3A_517 = vector.load %arg2[%get3A_515, %get3A_516] : memref<1x64xf32, #tpu.memory_space<vmem>>, vector<1x1xf32>
    %get3A_518 = vector.extract %get3A_517[0, 0] : f32 from vector<1x1xf32>
    %gt3A_519 = vector.broadcast %get3A_518 : f32 to vector<256x2048xf32>
    %gt3A_520 = arith.cmpf ogt, %get3A_1, %gt3A_519 : vector<256x2048xf32>
    %convert_element_type3A_521 = arith.extui %gt3A_520 : vector<256x2048xi1> to vector<256x2048xi32>
    %reduce_sum3A_522 = vector.shape_cast %convert_element_type3A_521 : vector<256x2048xi32> to vector<1x256x2048xi32>
    %reduce_sum3A_523 = arith.constant dense<0> : vector<1xi32>
    %reduce_sum3A_524 = vector.multi_reduction <add>, %reduce_sum3A_522, %reduce_sum3A_523 [1, 2] : vector<1x256x2048xi32> to vector<1xi32>
    %reduce_sum3A_525 = vector.shape_cast %reduce_sum3A_524 : vector<1xi32> to vector<1x1x1xi32>
    %reduce_sum3A_526 = vector.extract %reduce_sum3A_525[0, 0, 0] : i32 from vector<1x1x1xi32>
    %get3A_527 = arith.constant 0 : index
    %get3A_528 = arith.constant 44 : index
    %get3A_529 = vector.load %arg2[%get3A_527, %get3A_528] : memref<1x64xf32, #tpu.memory_space<vmem>>, vector<1x1xf32>
    %get3A_530 = vector.extract %get3A_529[0, 0] : f32 from vector<1x1xf32>
    %gt3A_531 = vector.broadcast %get3A_530 : f32 to vector<256x2048xf32>
    %gt3A_532 = arith.cmpf ogt, %get3A_1, %gt3A_531 : vector<256x2048xf32>
    %convert_element_type3A_533 = arith.extui %gt3A_532 : vector<256x2048xi1> to vector<256x2048xi32>
    %reduce_sum3A_534 = vector.shape_cast %convert_element_type3A_533 : vector<256x2048xi32> to vector<1x256x2048xi32>
    %reduce_sum3A_535 = arith.constant dense<0> : vector<1xi32>
    %reduce_sum3A_536 = vector.multi_reduction <add>, %reduce_sum3A_534, %reduce_sum3A_535 [1, 2] : vector<1x256x2048xi32> to vector<1xi32>
    %reduce_sum3A_537 = vector.shape_cast %reduce_sum3A_536 : vector<1xi32> to vector<1x1x1xi32>
    %reduce_sum3A_538 = vector.extract %reduce_sum3A_537[0, 0, 0] : i32 from vector<1x1x1xi32>
    %get3A_539 = arith.constant 0 : index
    %get3A_540 = arith.constant 45 : index
    %get3A_541 = vector.load %arg2[%get3A_539, %get3A_540] : memref<1x64xf32, #tpu.memory_space<vmem>>, vector<1x1xf32>
    %get3A_542 = vector.extract %get3A_541[0, 0] : f32 from vector<1x1xf32>
    %gt3A_543 = vector.broadcast %get3A_542 : f32 to vector<256x2048xf32>
    %gt3A_544 = arith.cmpf ogt, %get3A_1, %gt3A_543 : vector<256x2048xf32>
    %convert_element_type3A_545 = arith.extui %gt3A_544 : vector<256x2048xi1> to vector<256x2048xi32>
    %reduce_sum3A_546 = vector.shape_cast %convert_element_type3A_545 : vector<256x2048xi32> to vector<1x256x2048xi32>
    %reduce_sum3A_547 = arith.constant dense<0> : vector<1xi32>
    %reduce_sum3A_548 = vector.multi_reduction <add>, %reduce_sum3A_546, %reduce_sum3A_547 [1, 2] : vector<1x256x2048xi32> to vector<1xi32>
    %reduce_sum3A_549 = vector.shape_cast %reduce_sum3A_548 : vector<1xi32> to vector<1x1x1xi32>
    %reduce_sum3A_550 = vector.extract %reduce_sum3A_549[0, 0, 0] : i32 from vector<1x1x1xi32>
    %get3A_551 = arith.constant 0 : index
    %get3A_552 = arith.constant 46 : index
    %get3A_553 = vector.load %arg2[%get3A_551, %get3A_552] : memref<1x64xf32, #tpu.memory_space<vmem>>, vector<1x1xf32>
    %get3A_554 = vector.extract %get3A_553[0, 0] : f32 from vector<1x1xf32>
    %gt3A_555 = vector.broadcast %get3A_554 : f32 to vector<256x2048xf32>
    %gt3A_556 = arith.cmpf ogt, %get3A_1, %gt3A_555 : vector<256x2048xf32>
    %convert_element_type3A_557 = arith.extui %gt3A_556 : vector<256x2048xi1> to vector<256x2048xi32>
    %reduce_sum3A_558 = vector.shape_cast %convert_element_type3A_557 : vector<256x2048xi32> to vector<1x256x2048xi32>
    %reduce_sum3A_559 = arith.constant dense<0> : vector<1xi32>
    %reduce_sum3A_560 = vector.multi_reduction <add>, %reduce_sum3A_558, %reduce_sum3A_559 [1, 2] : vector<1x256x2048xi32> to vector<1xi32>
    %reduce_sum3A_561 = vector.shape_cast %reduce_sum3A_560 : vector<1xi32> to vector<1x1x1xi32>
    %reduce_sum3A_562 = vector.extract %reduce_sum3A_561[0, 0, 0] : i32 from vector<1x1x1xi32>
    %get3A_563 = arith.constant 0 : index
    %get3A_564 = arith.constant 47 : index
    %get3A_565 = vector.load %arg2[%get3A_563, %get3A_564] : memref<1x64xf32, #tpu.memory_space<vmem>>, vector<1x1xf32>
    %get3A_566 = vector.extract %get3A_565[0, 0] : f32 from vector<1x1xf32>
    %gt3A_567 = vector.broadcast %get3A_566 : f32 to vector<256x2048xf32>
    %gt3A_568 = arith.cmpf ogt, %get3A_1, %gt3A_567 : vector<256x2048xf32>
    %convert_element_type3A_569 = arith.extui %gt3A_568 : vector<256x2048xi1> to vector<256x2048xi32>
    %reduce_sum3A_570 = vector.shape_cast %convert_element_type3A_569 : vector<256x2048xi32> to vector<1x256x2048xi32>
    %reduce_sum3A_571 = arith.constant dense<0> : vector<1xi32>
    %reduce_sum3A_572 = vector.multi_reduction <add>, %reduce_sum3A_570, %reduce_sum3A_571 [1, 2] : vector<1x256x2048xi32> to vector<1xi32>
    %reduce_sum3A_573 = vector.shape_cast %reduce_sum3A_572 : vector<1xi32> to vector<1x1x1xi32>
    %reduce_sum3A_574 = vector.extract %reduce_sum3A_573[0, 0, 0] : i32 from vector<1x1x1xi32>
    %get3A_575 = arith.constant 0 : index
    %get3A_576 = arith.constant 48 : index
    %get3A_577 = vector.load %arg2[%get3A_575, %get3A_576] : memref<1x64xf32, #tpu.memory_space<vmem>>, vector<1x1xf32>
    %get3A_578 = vector.extract %get3A_577[0, 0] : f32 from vector<1x1xf32>
    %gt3A_579 = vector.broadcast %get3A_578 : f32 to vector<256x2048xf32>
    %gt3A_580 = arith.cmpf ogt, %get3A_1, %gt3A_579 : vector<256x2048xf32>
    %convert_element_type3A_581 = arith.extui %gt3A_580 : vector<256x2048xi1> to vector<256x2048xi32>
    %reduce_sum3A_582 = vector.shape_cast %convert_element_type3A_581 : vector<256x2048xi32> to vector<1x256x2048xi32>
    %reduce_sum3A_583 = arith.constant dense<0> : vector<1xi32>
    %reduce_sum3A_584 = vector.multi_reduction <add>, %reduce_sum3A_582, %reduce_sum3A_583 [1, 2] : vector<1x256x2048xi32> to vector<1xi32>
    %reduce_sum3A_585 = vector.shape_cast %reduce_sum3A_584 : vector<1xi32> to vector<1x1x1xi32>
    %reduce_sum3A_586 = vector.extract %reduce_sum3A_585[0, 0, 0] : i32 from vector<1x1x1xi32>
    %get3A_587 = arith.constant 0 : index
    %get3A_588 = arith.constant 49 : index
    %get3A_589 = vector.load %arg2[%get3A_587, %get3A_588] : memref<1x64xf32, #tpu.memory_space<vmem>>, vector<1x1xf32>
    %get3A_590 = vector.extract %get3A_589[0, 0] : f32 from vector<1x1xf32>
    %gt3A_591 = vector.broadcast %get3A_590 : f32 to vector<256x2048xf32>
    %gt3A_592 = arith.cmpf ogt, %get3A_1, %gt3A_591 : vector<256x2048xf32>
    %convert_element_type3A_593 = arith.extui %gt3A_592 : vector<256x2048xi1> to vector<256x2048xi32>
    %reduce_sum3A_594 = vector.shape_cast %convert_element_type3A_593 : vector<256x2048xi32> to vector<1x256x2048xi32>
    %reduce_sum3A_595 = arith.constant dense<0> : vector<1xi32>
    %reduce_sum3A_596 = vector.multi_reduction <add>, %reduce_sum3A_594, %reduce_sum3A_595 [1, 2] : vector<1x256x2048xi32> to vector<1xi32>
    %reduce_sum3A_597 = vector.shape_cast %reduce_sum3A_596 : vector<1xi32> to vector<1x1x1xi32>
    %reduce_sum3A_598 = vector.extract %reduce_sum3A_597[0, 0, 0] : i32 from vector<1x1x1xi32>
    %get3A_599 = arith.constant 0 : index
    %get3A_600 = arith.constant 50 : index
    %get3A_601 = vector.load %arg2[%get3A_599, %get3A_600] : memref<1x64xf32, #tpu.memory_space<vmem>>, vector<1x1xf32>
    %get3A_602 = vector.extract %get3A_601[0, 0] : f32 from vector<1x1xf32>
    %gt3A_603 = vector.broadcast %get3A_602 : f32 to vector<256x2048xf32>
    %gt3A_604 = arith.cmpf ogt, %get3A_1, %gt3A_603 : vector<256x2048xf32>
    %convert_element_type3A_605 = arith.extui %gt3A_604 : vector<256x2048xi1> to vector<256x2048xi32>
    %reduce_sum3A_606 = vector.shape_cast %convert_element_type3A_605 : vector<256x2048xi32> to vector<1x256x2048xi32>
    %reduce_sum3A_607 = arith.constant dense<0> : vector<1xi32>
    %reduce_sum3A_608 = vector.multi_reduction <add>, %reduce_sum3A_606, %reduce_sum3A_607 [1, 2] : vector<1x256x2048xi32> to vector<1xi32>
    %reduce_sum3A_609 = vector.shape_cast %reduce_sum3A_608 : vector<1xi32> to vector<1x1x1xi32>
    %reduce_sum3A_610 = vector.extract %reduce_sum3A_609[0, 0, 0] : i32 from vector<1x1x1xi32>
    %get3A_611 = arith.constant 0 : index
    %get3A_612 = arith.constant 51 : index
    %get3A_613 = vector.load %arg2[%get3A_611, %get3A_612] : memref<1x64xf32, #tpu.memory_space<vmem>>, vector<1x1xf32>
    %get3A_614 = vector.extract %get3A_613[0, 0] : f32 from vector<1x1xf32>
    %gt3A_615 = vector.broadcast %get3A_614 : f32 to vector<256x2048xf32>
    %gt3A_616 = arith.cmpf ogt, %get3A_1, %gt3A_615 : vector<256x2048xf32>
    %convert_element_type3A_617 = arith.extui %gt3A_616 : vector<256x2048xi1> to vector<256x2048xi32>
    %reduce_sum3A_618 = vector.shape_cast %convert_element_type3A_617 : vector<256x2048xi32> to vector<1x256x2048xi32>
    %reduce_sum3A_619 = arith.constant dense<0> : vector<1xi32>
    %reduce_sum3A_620 = vector.multi_reduction <add>, %reduce_sum3A_618, %reduce_sum3A_619 [1, 2] : vector<1x256x2048xi32> to vector<1xi32>
    %reduce_sum3A_621 = vector.shape_cast %reduce_sum3A_620 : vector<1xi32> to vector<1x1x1xi32>
    %reduce_sum3A_622 = vector.extract %reduce_sum3A_621[0, 0, 0] : i32 from vector<1x1x1xi32>
    %get3A_623 = arith.constant 0 : index
    %get3A_624 = arith.constant 52 : index
    %get3A_625 = vector.load %arg2[%get3A_623, %get3A_624] : memref<1x64xf32, #tpu.memory_space<vmem>>, vector<1x1xf32>
    %get3A_626 = vector.extract %get3A_625[0, 0] : f32 from vector<1x1xf32>
    %gt3A_627 = vector.broadcast %get3A_626 : f32 to vector<256x2048xf32>
    %gt3A_628 = arith.cmpf ogt, %get3A_1, %gt3A_627 : vector<256x2048xf32>
    %convert_element_type3A_629 = arith.extui %gt3A_628 : vector<256x2048xi1> to vector<256x2048xi32>
    %reduce_sum3A_630 = vector.shape_cast %convert_element_type3A_629 : vector<256x2048xi32> to vector<1x256x2048xi32>
    %reduce_sum3A_631 = arith.constant dense<0> : vector<1xi32>
    %reduce_sum3A_632 = vector.multi_reduction <add>, %reduce_sum3A_630, %reduce_sum3A_631 [1, 2] : vector<1x256x2048xi32> to vector<1xi32>
    %reduce_sum3A_633 = vector.shape_cast %reduce_sum3A_632 : vector<1xi32> to vector<1x1x1xi32>
    %reduce_sum3A_634 = vector.extract %reduce_sum3A_633[0, 0, 0] : i32 from vector<1x1x1xi32>
    %get3A_635 = arith.constant 0 : index
    %get3A_636 = arith.constant 53 : index
    %get3A_637 = vector.load %arg2[%get3A_635, %get3A_636] : memref<1x64xf32, #tpu.memory_space<vmem>>, vector<1x1xf32>
    %get3A_638 = vector.extract %get3A_637[0, 0] : f32 from vector<1x1xf32>
    %gt3A_639 = vector.broadcast %get3A_638 : f32 to vector<256x2048xf32>
    %gt3A_640 = arith.cmpf ogt, %get3A_1, %gt3A_639 : vector<256x2048xf32>
    %convert_element_type3A_641 = arith.extui %gt3A_640 : vector<256x2048xi1> to vector<256x2048xi32>
    %reduce_sum3A_642 = vector.shape_cast %convert_element_type3A_641 : vector<256x2048xi32> to vector<1x256x2048xi32>
    %reduce_sum3A_643 = arith.constant dense<0> : vector<1xi32>
    %reduce_sum3A_644 = vector.multi_reduction <add>, %reduce_sum3A_642, %reduce_sum3A_643 [1, 2] : vector<1x256x2048xi32> to vector<1xi32>
    %reduce_sum3A_645 = vector.shape_cast %reduce_sum3A_644 : vector<1xi32> to vector<1x1x1xi32>
    %reduce_sum3A_646 = vector.extract %reduce_sum3A_645[0, 0, 0] : i32 from vector<1x1x1xi32>
    %get3A_647 = arith.constant 0 : index
    %get3A_648 = arith.constant 54 : index
    %get3A_649 = vector.load %arg2[%get3A_647, %get3A_648] : memref<1x64xf32, #tpu.memory_space<vmem>>, vector<1x1xf32>
    %get3A_650 = vector.extract %get3A_649[0, 0] : f32 from vector<1x1xf32>
    %gt3A_651 = vector.broadcast %get3A_650 : f32 to vector<256x2048xf32>
    %gt3A_652 = arith.cmpf ogt, %get3A_1, %gt3A_651 : vector<256x2048xf32>
    %convert_element_type3A_653 = arith.extui %gt3A_652 : vector<256x2048xi1> to vector<256x2048xi32>
    %reduce_sum3A_654 = vector.shape_cast %convert_element_type3A_653 : vector<256x2048xi32> to vector<1x256x2048xi32>
    %reduce_sum3A_655 = arith.constant dense<0> : vector<1xi32>
    %reduce_sum3A_656 = vector.multi_reduction <add>, %reduce_sum3A_654, %reduce_sum3A_655 [1, 2] : vector<1x256x2048xi32> to vector<1xi32>
    %reduce_sum3A_657 = vector.shape_cast %reduce_sum3A_656 : vector<1xi32> to vector<1x1x1xi32>
    %reduce_sum3A_658 = vector.extract %reduce_sum3A_657[0, 0, 0] : i32 from vector<1x1x1xi32>
    %get3A_659 = arith.constant 0 : index
    %get3A_660 = arith.constant 55 : index
    %get3A_661 = vector.load %arg2[%get3A_659, %get3A_660] : memref<1x64xf32, #tpu.memory_space<vmem>>, vector<1x1xf32>
    %get3A_662 = vector.extract %get3A_661[0, 0] : f32 from vector<1x1xf32>
    %gt3A_663 = vector.broadcast %get3A_662 : f32 to vector<256x2048xf32>
    %gt3A_664 = arith.cmpf ogt, %get3A_1, %gt3A_663 : vector<256x2048xf32>
    %convert_element_type3A_665 = arith.extui %gt3A_664 : vector<256x2048xi1> to vector<256x2048xi32>
    %reduce_sum3A_666 = vector.shape_cast %convert_element_type3A_665 : vector<256x2048xi32> to vector<1x256x2048xi32>
    %reduce_sum3A_667 = arith.constant dense<0> : vector<1xi32>
    %reduce_sum3A_668 = vector.multi_reduction <add>, %reduce_sum3A_666, %reduce_sum3A_667 [1, 2] : vector<1x256x2048xi32> to vector<1xi32>
    %reduce_sum3A_669 = vector.shape_cast %reduce_sum3A_668 : vector<1xi32> to vector<1x1x1xi32>
    %reduce_sum3A_670 = vector.extract %reduce_sum3A_669[0, 0, 0] : i32 from vector<1x1x1xi32>
    %get3A_671 = arith.constant 0 : index
    %get3A_672 = arith.constant 56 : index
    %get3A_673 = vector.load %arg2[%get3A_671, %get3A_672] : memref<1x64xf32, #tpu.memory_space<vmem>>, vector<1x1xf32>
    %get3A_674 = vector.extract %get3A_673[0, 0] : f32 from vector<1x1xf32>
    %gt3A_675 = vector.broadcast %get3A_674 : f32 to vector<256x2048xf32>
    %gt3A_676 = arith.cmpf ogt, %get3A_1, %gt3A_675 : vector<256x2048xf32>
    %convert_element_type3A_677 = arith.extui %gt3A_676 : vector<256x2048xi1> to vector<256x2048xi32>
    %reduce_sum3A_678 = vector.shape_cast %convert_element_type3A_677 : vector<256x2048xi32> to vector<1x256x2048xi32>
    %reduce_sum3A_679 = arith.constant dense<0> : vector<1xi32>
    %reduce_sum3A_680 = vector.multi_reduction <add>, %reduce_sum3A_678, %reduce_sum3A_679 [1, 2] : vector<1x256x2048xi32> to vector<1xi32>
    %reduce_sum3A_681 = vector.shape_cast %reduce_sum3A_680 : vector<1xi32> to vector<1x1x1xi32>
    %reduce_sum3A_682 = vector.extract %reduce_sum3A_681[0, 0, 0] : i32 from vector<1x1x1xi32>
    %get3A_683 = arith.constant 0 : index
    %get3A_684 = arith.constant 57 : index
    %get3A_685 = vector.load %arg2[%get3A_683, %get3A_684] : memref<1x64xf32, #tpu.memory_space<vmem>>, vector<1x1xf32>
    %get3A_686 = vector.extract %get3A_685[0, 0] : f32 from vector<1x1xf32>
    %gt3A_687 = vector.broadcast %get3A_686 : f32 to vector<256x2048xf32>
    %gt3A_688 = arith.cmpf ogt, %get3A_1, %gt3A_687 : vector<256x2048xf32>
    %convert_element_type3A_689 = arith.extui %gt3A_688 : vector<256x2048xi1> to vector<256x2048xi32>
    %reduce_sum3A_690 = vector.shape_cast %convert_element_type3A_689 : vector<256x2048xi32> to vector<1x256x2048xi32>
    %reduce_sum3A_691 = arith.constant dense<0> : vector<1xi32>
    %reduce_sum3A_692 = vector.multi_reduction <add>, %reduce_sum3A_690, %reduce_sum3A_691 [1, 2] : vector<1x256x2048xi32> to vector<1xi32>
    %reduce_sum3A_693 = vector.shape_cast %reduce_sum3A_692 : vector<1xi32> to vector<1x1x1xi32>
    %reduce_sum3A_694 = vector.extract %reduce_sum3A_693[0, 0, 0] : i32 from vector<1x1x1xi32>
    %get3A_695 = arith.constant 0 : index
    %get3A_696 = arith.constant 58 : index
    %get3A_697 = vector.load %arg2[%get3A_695, %get3A_696] : memref<1x64xf32, #tpu.memory_space<vmem>>, vector<1x1xf32>
    %get3A_698 = vector.extract %get3A_697[0, 0] : f32 from vector<1x1xf32>
    %gt3A_699 = vector.broadcast %get3A_698 : f32 to vector<256x2048xf32>
    %gt3A_700 = arith.cmpf ogt, %get3A_1, %gt3A_699 : vector<256x2048xf32>
    %convert_element_type3A_701 = arith.extui %gt3A_700 : vector<256x2048xi1> to vector<256x2048xi32>
    %reduce_sum3A_702 = vector.shape_cast %convert_element_type3A_701 : vector<256x2048xi32> to vector<1x256x2048xi32>
    %reduce_sum3A_703 = arith.constant dense<0> : vector<1xi32>
    %reduce_sum3A_704 = vector.multi_reduction <add>, %reduce_sum3A_702, %reduce_sum3A_703 [1, 2] : vector<1x256x2048xi32> to vector<1xi32>
    %reduce_sum3A_705 = vector.shape_cast %reduce_sum3A_704 : vector<1xi32> to vector<1x1x1xi32>
    %reduce_sum3A_706 = vector.extract %reduce_sum3A_705[0, 0, 0] : i32 from vector<1x1x1xi32>
    %get3A_707 = arith.constant 0 : index
    %get3A_708 = arith.constant 59 : index
    %get3A_709 = vector.load %arg2[%get3A_707, %get3A_708] : memref<1x64xf32, #tpu.memory_space<vmem>>, vector<1x1xf32>
    %get3A_710 = vector.extract %get3A_709[0, 0] : f32 from vector<1x1xf32>
    %gt3A_711 = vector.broadcast %get3A_710 : f32 to vector<256x2048xf32>
    %gt3A_712 = arith.cmpf ogt, %get3A_1, %gt3A_711 : vector<256x2048xf32>
    %convert_element_type3A_713 = arith.extui %gt3A_712 : vector<256x2048xi1> to vector<256x2048xi32>
    %reduce_sum3A_714 = vector.shape_cast %convert_element_type3A_713 : vector<256x2048xi32> to vector<1x256x2048xi32>
    %reduce_sum3A_715 = arith.constant dense<0> : vector<1xi32>
    %reduce_sum3A_716 = vector.multi_reduction <add>, %reduce_sum3A_714, %reduce_sum3A_715 [1, 2] : vector<1x256x2048xi32> to vector<1xi32>
    %reduce_sum3A_717 = vector.shape_cast %reduce_sum3A_716 : vector<1xi32> to vector<1x1x1xi32>
    %reduce_sum3A_718 = vector.extract %reduce_sum3A_717[0, 0, 0] : i32 from vector<1x1x1xi32>
    %get3A_719 = arith.constant 0 : index
    %get3A_720 = arith.constant 60 : index
    %get3A_721 = vector.load %arg2[%get3A_719, %get3A_720] : memref<1x64xf32, #tpu.memory_space<vmem>>, vector<1x1xf32>
    %get3A_722 = vector.extract %get3A_721[0, 0] : f32 from vector<1x1xf32>
    %gt3A_723 = vector.broadcast %get3A_722 : f32 to vector<256x2048xf32>
    %gt3A_724 = arith.cmpf ogt, %get3A_1, %gt3A_723 : vector<256x2048xf32>
    %convert_element_type3A_725 = arith.extui %gt3A_724 : vector<256x2048xi1> to vector<256x2048xi32>
    %reduce_sum3A_726 = vector.shape_cast %convert_element_type3A_725 : vector<256x2048xi32> to vector<1x256x2048xi32>
    %reduce_sum3A_727 = arith.constant dense<0> : vector<1xi32>
    %reduce_sum3A_728 = vector.multi_reduction <add>, %reduce_sum3A_726, %reduce_sum3A_727 [1, 2] : vector<1x256x2048xi32> to vector<1xi32>
    %reduce_sum3A_729 = vector.shape_cast %reduce_sum3A_728 : vector<1xi32> to vector<1x1x1xi32>
    %reduce_sum3A_730 = vector.extract %reduce_sum3A_729[0, 0, 0] : i32 from vector<1x1x1xi32>
    %get3A_731 = arith.constant 0 : index
    %get3A_732 = arith.constant 61 : index
    %get3A_733 = vector.load %arg2[%get3A_731, %get3A_732] : memref<1x64xf32, #tpu.memory_space<vmem>>, vector<1x1xf32>
    %get3A_734 = vector.extract %get3A_733[0, 0] : f32 from vector<1x1xf32>
    %gt3A_735 = vector.broadcast %get3A_734 : f32 to vector<256x2048xf32>
    %gt3A_736 = arith.cmpf ogt, %get3A_1, %gt3A_735 : vector<256x2048xf32>
    %convert_element_type3A_737 = arith.extui %gt3A_736 : vector<256x2048xi1> to vector<256x2048xi32>
    %reduce_sum3A_738 = vector.shape_cast %convert_element_type3A_737 : vector<256x2048xi32> to vector<1x256x2048xi32>
    %reduce_sum3A_739 = arith.constant dense<0> : vector<1xi32>
    %reduce_sum3A_740 = vector.multi_reduction <add>, %reduce_sum3A_738, %reduce_sum3A_739 [1, 2] : vector<1x256x2048xi32> to vector<1xi32>
    %reduce_sum3A_741 = vector.shape_cast %reduce_sum3A_740 : vector<1xi32> to vector<1x1x1xi32>
    %reduce_sum3A_742 = vector.extract %reduce_sum3A_741[0, 0, 0] : i32 from vector<1x1x1xi32>
    %get3A_743 = arith.constant 0 : index
    %get3A_744 = arith.constant 62 : index
    %get3A_745 = vector.load %arg2[%get3A_743, %get3A_744] : memref<1x64xf32, #tpu.memory_space<vmem>>, vector<1x1xf32>
    %get3A_746 = vector.extract %get3A_745[0, 0] : f32 from vector<1x1xf32>
    %gt3A_747 = vector.broadcast %get3A_746 : f32 to vector<256x2048xf32>
    %gt3A_748 = arith.cmpf ogt, %get3A_1, %gt3A_747 : vector<256x2048xf32>
    %convert_element_type3A_749 = arith.extui %gt3A_748 : vector<256x2048xi1> to vector<256x2048xi32>
    %reduce_sum3A_750 = vector.shape_cast %convert_element_type3A_749 : vector<256x2048xi32> to vector<1x256x2048xi32>
    %reduce_sum3A_751 = arith.constant dense<0> : vector<1xi32>
    %reduce_sum3A_752 = vector.multi_reduction <add>, %reduce_sum3A_750, %reduce_sum3A_751 [1, 2] : vector<1x256x2048xi32> to vector<1xi32>
    %reduce_sum3A_753 = vector.shape_cast %reduce_sum3A_752 : vector<1xi32> to vector<1x1x1xi32>
    %reduce_sum3A_754 = vector.extract %reduce_sum3A_753[0, 0, 0] : i32 from vector<1x1x1xi32>
    %get3A_755 = arith.constant 0 : index
    %get3A_756 = arith.constant 63 : index
    %get3A_757 = vector.load %arg2[%get3A_755, %get3A_756] : memref<1x64xf32, #tpu.memory_space<vmem>>, vector<1x1xf32>
    %get3A_758 = vector.extract %get3A_757[0, 0] : f32 from vector<1x1xf32>
    %gt3A_759 = vector.broadcast %get3A_758 : f32 to vector<256x2048xf32>
    %gt3A_760 = arith.cmpf ogt, %get3A_1, %gt3A_759 : vector<256x2048xf32>
    %convert_element_type3A_761 = arith.extui %gt3A_760 : vector<256x2048xi1> to vector<256x2048xi32>
    %reduce_sum3A_762 = vector.shape_cast %convert_element_type3A_761 : vector<256x2048xi32> to vector<1x256x2048xi32>
    %reduce_sum3A_763 = arith.constant dense<0> : vector<1xi32>
    %reduce_sum3A_764 = vector.multi_reduction <add>, %reduce_sum3A_762, %reduce_sum3A_763 [1, 2] : vector<1x256x2048xi32> to vector<1xi32>
    %reduce_sum3A_765 = vector.shape_cast %reduce_sum3A_764 : vector<1xi32> to vector<1x1x1xi32>
    %reduce_sum3A_766 = vector.extract %reduce_sum3A_765[0, 0, 0] : i32 from vector<1x1x1xi32>
    %stack3A = vector.broadcast %reduce_sum3A_10 : i32 to vector<1xi32>
    %stack3A_767 = vector.broadcast %reduce_sum3A_22 : i32 to vector<1xi32>
    %stack3A_768 = vector.broadcast %reduce_sum3A_34 : i32 to vector<1xi32>
    %stack3A_769 = vector.broadcast %reduce_sum3A_46 : i32 to vector<1xi32>
    %stack3A_770 = vector.broadcast %reduce_sum3A_58 : i32 to vector<1xi32>
    %stack3A_771 = vector.broadcast %reduce_sum3A_70 : i32 to vector<1xi32>
    %stack3A_772 = vector.broadcast %reduce_sum3A_82 : i32 to vector<1xi32>
    %stack3A_773 = vector.broadcast %reduce_sum3A_94 : i32 to vector<1xi32>
    %stack3A_774 = vector.broadcast %reduce_sum3A_106 : i32 to vector<1xi32>
    %stack3A_775 = vector.broadcast %reduce_sum3A_118 : i32 to vector<1xi32>
    %stack3A_776 = vector.broadcast %reduce_sum3A_130 : i32 to vector<1xi32>
    %stack3A_777 = vector.broadcast %reduce_sum3A_142 : i32 to vector<1xi32>
    %stack3A_778 = vector.broadcast %reduce_sum3A_154 : i32 to vector<1xi32>
    %stack3A_779 = vector.broadcast %reduce_sum3A_166 : i32 to vector<1xi32>
    %stack3A_780 = vector.broadcast %reduce_sum3A_178 : i32 to vector<1xi32>
    %stack3A_781 = vector.broadcast %reduce_sum3A_190 : i32 to vector<1xi32>
    %stack3A_782 = vector.broadcast %reduce_sum3A_202 : i32 to vector<1xi32>
    %stack3A_783 = vector.broadcast %reduce_sum3A_214 : i32 to vector<1xi32>
    %stack3A_784 = vector.broadcast %reduce_sum3A_226 : i32 to vector<1xi32>
    %stack3A_785 = vector.broadcast %reduce_sum3A_238 : i32 to vector<1xi32>
    %stack3A_786 = vector.broadcast %reduce_sum3A_250 : i32 to vector<1xi32>
    %stack3A_787 = vector.broadcast %reduce_sum3A_262 : i32 to vector<1xi32>
    %stack3A_788 = vector.broadcast %reduce_sum3A_274 : i32 to vector<1xi32>
    %stack3A_789 = vector.broadcast %reduce_sum3A_286 : i32 to vector<1xi32>
    %stack3A_790 = vector.broadcast %reduce_sum3A_298 : i32 to vector<1xi32>
    %stack3A_791 = vector.broadcast %reduce_sum3A_310 : i32 to vector<1xi32>
    %stack3A_792 = vector.broadcast %reduce_sum3A_322 : i32 to vector<1xi32>
    %stack3A_793 = vector.broadcast %reduce_sum3A_334 : i32 to vector<1xi32>
    %stack3A_794 = vector.broadcast %reduce_sum3A_346 : i32 to vector<1xi32>
    %stack3A_795 = vector.broadcast %reduce_sum3A_358 : i32 to vector<1xi32>
    %stack3A_796 = vector.broadcast %reduce_sum3A_370 : i32 to vector<1xi32>
    %stack3A_797 = vector.broadcast %reduce_sum3A_382 : i32 to vector<1xi32>
    %stack3A_798 = vector.broadcast %reduce_sum3A_394 : i32 to vector<1xi32>
    %stack3A_799 = vector.broadcast %reduce_sum3A_406 : i32 to vector<1xi32>
    %stack3A_800 = vector.broadcast %reduce_sum3A_418 : i32 to vector<1xi32>
    %stack3A_801 = vector.broadcast %reduce_sum3A_430 : i32 to vector<1xi32>
    %stack3A_802 = vector.broadcast %reduce_sum3A_442 : i32 to vector<1xi32>
    %stack3A_803 = vector.broadcast %reduce_sum3A_454 : i32 to vector<1xi32>
    %stack3A_804 = vector.broadcast %reduce_sum3A_466 : i32 to vector<1xi32>
    %stack3A_805 = vector.broadcast %reduce_sum3A_478 : i32 to vector<1xi32>
    %stack3A_806 = vector.broadcast %reduce_sum3A_490 : i32 to vector<1xi32>
    %stack3A_807 = vector.broadcast %reduce_sum3A_502 : i32 to vector<1xi32>
    %stack3A_808 = vector.broadcast %reduce_sum3A_514 : i32 to vector<1xi32>
    %stack3A_809 = vector.broadcast %reduce_sum3A_526 : i32 to vector<1xi32>
    %stack3A_810 = vector.broadcast %reduce_sum3A_538 : i32 to vector<1xi32>
    %stack3A_811 = vector.broadcast %reduce_sum3A_550 : i32 to vector<1xi32>
    %stack3A_812 = vector.broadcast %reduce_sum3A_562 : i32 to vector<1xi32>
    %stack3A_813 = vector.broadcast %reduce_sum3A_574 : i32 to vector<1xi32>
    %stack3A_814 = vector.broadcast %reduce_sum3A_586 : i32 to vector<1xi32>
    %stack3A_815 = vector.broadcast %reduce_sum3A_598 : i32 to vector<1xi32>
    %stack3A_816 = vector.broadcast %reduce_sum3A_610 : i32 to vector<1xi32>
    %stack3A_817 = vector.broadcast %reduce_sum3A_622 : i32 to vector<1xi32>
    %stack3A_818 = vector.broadcast %reduce_sum3A_634 : i32 to vector<1xi32>
    %stack3A_819 = vector.broadcast %reduce_sum3A_646 : i32 to vector<1xi32>
    %stack3A_820 = vector.broadcast %reduce_sum3A_658 : i32 to vector<1xi32>
    %stack3A_821 = vector.broadcast %reduce_sum3A_670 : i32 to vector<1xi32>
    %stack3A_822 = vector.broadcast %reduce_sum3A_682 : i32 to vector<1xi32>
    %stack3A_823 = vector.broadcast %reduce_sum3A_694 : i32 to vector<1xi32>
    %stack3A_824 = vector.broadcast %reduce_sum3A_706 : i32 to vector<1xi32>
    %stack3A_825 = vector.broadcast %reduce_sum3A_718 : i32 to vector<1xi32>
    %stack3A_826 = vector.broadcast %reduce_sum3A_730 : i32 to vector<1xi32>
    %stack3A_827 = vector.broadcast %reduce_sum3A_742 : i32 to vector<1xi32>
    %stack3A_828 = vector.broadcast %reduce_sum3A_754 : i32 to vector<1xi32>
    %stack3A_829 = vector.broadcast %reduce_sum3A_766 : i32 to vector<1xi32>
    %stack3A_830 = tpu.concatenate %stack3A, %stack3A_767, %stack3A_768, %stack3A_769, %stack3A_770, %stack3A_771, %stack3A_772, %stack3A_773, %stack3A_774, %stack3A_775, %stack3A_776, %stack3A_777, %stack3A_778, %stack3A_779, %stack3A_780, %stack3A_781, %stack3A_782, %stack3A_783, %stack3A_784, %stack3A_785, %stack3A_786, %stack3A_787, %stack3A_788, %stack3A_789, %stack3A_790, %stack3A_791, %stack3A_792, %stack3A_793, %stack3A_794, %stack3A_795, %stack3A_796, %stack3A_797, %stack3A_798, %stack3A_799, %stack3A_800, %stack3A_801, %stack3A_802, %stack3A_803, %stack3A_804, %stack3A_805, %stack3A_806, %stack3A_807, %stack3A_808, %stack3A_809, %stack3A_810, %stack3A_811, %stack3A_812, %stack3A_813, %stack3A_814, %stack3A_815, %stack3A_816, %stack3A_817, %stack3A_818, %stack3A_819, %stack3A_820, %stack3A_821, %stack3A_822, %stack3A_823, %stack3A_824, %stack3A_825, %stack3A_826, %stack3A_827, %stack3A_828, %stack3A_829 in 0 : vector<1xi32>, vector<1xi32>, vector<1xi32>, vector<1xi32>, vector<1xi32>, vector<1xi32>, vector<1xi32>, vector<1xi32>, vector<1xi32>, vector<1xi32>, vector<1xi32>, vector<1xi32>, vector<1xi32>, vector<1xi32>, vector<1xi32>, vector<1xi32>, vector<1xi32>, vector<1xi32>, vector<1xi32>, vector<1xi32>, vector<1xi32>, vector<1xi32>, vector<1xi32>, vector<1xi32>, vector<1xi32>, vector<1xi32>, vector<1xi32>, vector<1xi32>, vector<1xi32>, vector<1xi32>, vector<1xi32>, vector<1xi32>, vector<1xi32>, vector<1xi32>, vector<1xi32>, vector<1xi32>, vector<1xi32>, vector<1xi32>, vector<1xi32>, vector<1xi32>, vector<1xi32>, vector<1xi32>, vector<1xi32>, vector<1xi32>, vector<1xi32>, vector<1xi32>, vector<1xi32>, vector<1xi32>, vector<1xi32>, vector<1xi32>, vector<1xi32>, vector<1xi32>, vector<1xi32>, vector<1xi32>, vector<1xi32>, vector<1xi32>, vector<1xi32>, vector<1xi32>, vector<1xi32>, vector<1xi32>, vector<1xi32>, vector<1xi32>, vector<1xi32>, vector<1xi32> -> vector<64xi32>
    %reshape3A = vector.shape_cast %stack3A_830 : vector<64xi32> to vector<1x64xi32>
    %eq3A = arith.constant 0 : i32
    %eq3A_831 = arith.cmpi eq, %arg0, %eq3A : i32
    %convert_element_type3A_832 = arith.extui %eq3A_831 : i1 to i32
    %cond3A = arith.constant 0 : i32
    %cond3A_833 = arith.cmpi ne, %convert_element_type3A_832, %cond3A : i32
    scf.if %cond3A_833 {
      %broadcast_in_dim3A = arith.constant 0 : i32
      %broadcast_in_dim3A_839 = vector.broadcast %broadcast_in_dim3A : i32 to vector<1x64xi32>
      %swap3A_840 = arith.constant 0 : index
      %swap3A_841 = arith.constant 0 : index
      %swap3A_842 = vector.load %arg3[%swap3A_840, %swap3A_841] : memref<1x64xi32, #tpu.memory_space<vmem>>, vector<1x64xi32>
      tpu.vector_store %arg3[%swap3A_840, %swap3A_841], %broadcast_in_dim3A_839 {strides = array<i32>} : memref<1x64xi32, #tpu.memory_space<vmem>>, vector<1x64xi32>,
    } else {
    }
    %get3A_834 = arith.constant 0 : index
    %get3A_835 = arith.constant 0 : index
    %get3A_836 = vector.load %arg3[%get3A_834, %get3A_835] : memref<1x64xi32, #tpu.memory_space<vmem>>, vector<1x64xi32>
    %add3A = arith.addi %get3A_836, %reshape3A : vector<1x64xi32>
    %swap3A = arith.constant 0 : index
    %swap3A_837 = arith.constant 0 : index
    %swap3A_838 = vector.load %arg3[%swap3A, %swap3A_837] : memref<1x64xi32, #tpu.memory_space<vmem>>, vector<1x64xi32>
    tpu.vector_store %arg3[%swap3A, %swap3A_837], %add3A {strides = array<i32>} : memref<1x64xi32, #tpu.memory_space<vmem>>, vector<1x64xi32>,
    return
  }
  func.func @transform_0(%arg0: i32) -> (i32, i32) {
    %c0_i32 = arith.constant 0 : i32
    %c0_i32_0 = arith.constant 0 : i32
    return %arg0, %c0_i32 : i32, i32
  }
  func.func @transform_1(%arg0: i32) -> (i32, i32) {
    %c0_i32 = arith.constant 0 : i32
    %c0_i32_0 = arith.constant 0 : i32
    %c0_i32_1 = arith.constant 0 : i32
    return %c0_i32, %c0_i32_0 : i32, i32
  }
  func.func @transform_2(%arg0: i32) -> (i32, i32) {
    %c0_i32 = arith.constant 0 : i32
    %c0_i32_0 = arith.constant 0 : i32
    %c0_i32_1 = arith.constant 0 : i32
    return %c0_i32, %c0_i32_0 : i32, i32
  }
}

module attributes {stable_mosaic.version = 14 : i64} {
  func.func @_out_kernel(%arg0: i32, %arg1: memref<256x2048xf32, #tpu.memory_space<vmem>>, %arg2: memref<1x1xf32, #tpu.memory_space<vmem>>, %arg3: memref<256x2048xf32, #tpu.memory_space<vmem>>, %arg4: memref<256x2048xf32, #tpu.memory_space<vmem>>, %arg5: memref<256x2048xf32, #tpu.memory_space<vmem>>, %arg6: memref<256x2048xf32, #tpu.memory_space<vmem>>) attributes {dimension_semantics = [#tpu.dimension_semantics<arbitrary>], iteration_bounds = array<i64: 32>, scalar_prefetch = 0 : i64, scratch_operands = 0 : i64, tpu.core_type = #tpu.core_type<tc>, window_params = [{transform_indices = @transform_0, window_bounds = array<i64: 256, 2048>}, {pipeline_mode = #tpu.pipeline_mode<synchronous>, transform_indices = @transform_1, window_bounds = array<i64: 1, 1>}, {transform_indices = @transform_2, window_bounds = array<i64: 256, 2048>}, {transform_indices = @transform_3, window_bounds = array<i64: 256, 2048>}, {transform_indices = @transform_4, window_bounds = array<i64: 256, 2048>}, {transform_indices = @transform_5, window_bounds = array<i64: 256, 2048>}]} {
    %get3A = arith.constant 0 : index
    %get3A_0 = arith.constant 0 : index
    %get3A_1 = vector.load %arg2[%get3A, %get3A_0] : memref<1x1xf32, #tpu.memory_space<vmem>>, vector<1x1xf32>
    %get3A_2 = vector.extract %get3A_1[0, 0] : f32 from vector<1x1xf32>
    %get3A_3 = arith.constant 0 : index
    %get3A_4 = arith.constant 0 : index
    %get3A_5 = vector.load %arg3[%get3A_3, %get3A_4] : memref<256x2048xf32, #tpu.memory_space<vmem>>, vector<256x2048xf32>
    %get3A_6 = arith.constant 0 : index
    %get3A_7 = arith.constant 0 : index
    %get3A_8 = vector.load %arg4[%get3A_6, %get3A_7] : memref<256x2048xf32, #tpu.memory_space<vmem>>, vector<256x2048xf32>
    %get3A_9 = arith.constant 0 : index
    %get3A_10 = arith.constant 0 : index
    %get3A_11 = vector.load %arg5[%get3A_9, %get3A_10] : memref<256x2048xf32, #tpu.memory_space<vmem>>, vector<256x2048xf32>
    %get3A_12 = arith.constant 0 : index
    %get3A_13 = arith.constant 0 : index
    %get3A_14 = vector.load %arg1[%get3A_12, %get3A_13] : memref<256x2048xf32, #tpu.memory_space<vmem>>, vector<256x2048xf32>
    %gt3A = vector.broadcast %get3A_2 : f32 to vector<256x2048xf32>
    %gt3A_15 = arith.cmpf ogt, %get3A_14, %gt3A : vector<256x2048xf32>
    %convert_element_type3A = arith.extui %gt3A_15 : vector<256x2048xi1> to vector<256x2048xi32>
    %convert_element_type3A_16 = arith.sitofp %convert_element_type3A : vector<256x2048xi32> to vector<256x2048xf32>
    %add3A = arith.constant 9.99999993E-9 : f32
    %add3A_17 = vector.broadcast %add3A : f32 to vector<256x2048xf32>
    %add3A_18 = arith.addf %get3A_8, %add3A_17 : vector<256x2048xf32>
    %log3A = math.log %add3A_18 : vector<256x2048xf32>
    %sub3A = arith.constant 1.000000e+00 : f32
    %sub3A_19 = vector.broadcast %sub3A : f32 to vector<256x2048xf32>
    %sub3A_20 = arith.subf %sub3A_19, %get3A_8 : vector<256x2048xf32>
    %add3A_21 = arith.constant 9.99999993E-9 : f32
    %add3A_22 = vector.broadcast %add3A_21 : f32 to vector<256x2048xf32>
    %add3A_23 = arith.addf %sub3A_20, %add3A_22 : vector<256x2048xf32>
    %log3A_24 = math.log %add3A_23 : vector<256x2048xf32>
    %sub3A_25 = arith.subf %log3A, %log3A_24 : vector<256x2048xf32>
    %add3A_26 = arith.addf %sub3A_25, %get3A_11 : vector<256x2048xf32>
    %div3A = arith.constant 5.000000e-01 : f32
    %div3A_27 = vector.broadcast %div3A : f32 to vector<256x2048xf32>
    %div3A_28 = arith.divf %add3A_26, %div3A_27 : vector<256x2048xf32>
    %logistic3A = arith.negf %div3A_28 : vector<256x2048xf32>
    %logistic3A_29 = math.exp %logistic3A : vector<256x2048xf32>
    %logistic3A_30 = arith.constant 1.000000e+00 : f32
    %logistic3A_31 = vector.broadcast %logistic3A_30 : f32 to vector<256x2048xf32>
    %logistic3A_32 = arith.addf %logistic3A_31, %logistic3A_29 : vector<256x2048xf32>
    %logistic3A_33 = arith.divf %logistic3A_31, %logistic3A_32 : vector<256x2048xf32>
    %gt3A_34 = arith.constant 5.000000e-01 : f32
    %gt3A_35 = vector.broadcast %gt3A_34 : f32 to vector<256x2048xf32>
    %gt3A_36 = arith.cmpf ogt, %logistic3A_33, %gt3A_35 : vector<256x2048xf32>
    %convert_element_type3A_37 = arith.extui %gt3A_36 : vector<256x2048xi1> to vector<256x2048xi32>
    %convert_element_type3A_38 = arith.sitofp %convert_element_type3A_37 : vector<256x2048xi32> to vector<256x2048xf32>
    %sub3A_39 = arith.subf %convert_element_type3A_38, %logistic3A_33 : vector<256x2048xf32>
    %add3A_40 = arith.addf %sub3A_39, %logistic3A_33 : vector<256x2048xf32>
    %add3A_41 = arith.addf %get3A_5, %convert_element_type3A_16 : vector<256x2048xf32>
    %mul3A = arith.mulf %add3A_41, %add3A_40 : vector<256x2048xf32>
    %swap3A = arith.constant 0 : index
    %swap3A_42 = arith.constant 0 : index
    %swap3A_43 = vector.load %arg6[%swap3A, %swap3A_42] : memref<256x2048xf32, #tpu.memory_space<vmem>>, vector<256x2048xf32>
    tpu.vector_store %arg6[%swap3A, %swap3A_42], %mul3A {strides = array<i32>} : memref<256x2048xf32, #tpu.memory_space<vmem>>, vector<256x2048xf32>,
    return
  }
  func.func @transform_0(%arg0: i32) -> (i32, i32) {
    %c0_i32 = arith.constant 0 : i32
    %c0_i32_0 = arith.constant 0 : i32
    return %arg0, %c0_i32 : i32, i32
  }
  func.func @transform_1(%arg0: i32) -> (i32, i32) {
    %c0_i32 = arith.constant 0 : i32
    %c0_i32_0 = arith.constant 0 : i32
    %c0_i32_1 = arith.constant 0 : i32
    return %c0_i32, %c0_i32_0 : i32, i32
  }
  func.func @transform_2(%arg0: i32) -> (i32, i32) {
    %c0_i32 = arith.constant 0 : i32
    %c0_i32_0 = arith.constant 0 : i32
    return %arg0, %c0_i32 : i32, i32
  }
  func.func @transform_3(%arg0: i32) -> (i32, i32) {
    %c0_i32 = arith.constant 0 : i32
    %c0_i32_0 = arith.constant 0 : i32
    return %arg0, %c0_i32 : i32, i32
  }
  func.func @transform_4(%arg0: i32) -> (i32, i32) {
    %c0_i32 = arith.constant 0 : i32
    %c0_i32_0 = arith.constant 0 : i32
    return %arg0, %c0_i32 : i32, i32
  }
  func.func @transform_5(%arg0: i32) -> (i32, i32) {
    %c0_i32 = arith.constant 0 : i32
    %c0_i32_0 = arith.constant 0 : i32
    return %arg0, %c0_i32 : i32, i32
  }
}

</mosaic_0001>

<sc_bundles>
// kernel: scatter_offload_async_start.1
scs
__scs_entry_jumppad:
0x0: {  	(pc) =	sbr.rel $0x88, $3  }
0x1: {  	(tag) =	ssettag $0x0;
	lr =	simm.s32 $0x1  }
0x2: {  	[smem:$0x3F9B] =	sst lr;
	_ =	strace $0xD0000000  }
0x3: {  	_ = 	snop  }
0x4: {  	_ = 	snop  }
0x5: {  	_ = 	snop  }
0x6: {  	_ = 	snop  }
0x7: {  	_ = 	snop  }
__scs_overlays_trampoline_lowered:
0x8: {  	[smem:$0x3FAA] =	sst s0  }
0x9: {  	[smem:$0x3FAB] =	sst s1  }
0xa: {  	[smem:$0x3FAC] =	sst s2  }
0xb: {  	[smem:$0x3FAD] =	sst s3  }
0xc: {  	[smem:$0x3FAE] =	sst s4  }
0xd: {  	[smem:$0x3FAF] =	sst s5  }
0xe: {  	[smem:$0x3FB0] =	sst s6  }
0xf: {  	[smem:$0x3FB1] =	sst s7  }
0x10: {  	[smem:$0x3FB2] =	sst s8  }
0x11: {  	[smem:$0x3FB3] =	sst s9;
	s0 =	simm.s32 @!p0 $0x0  }
0x12: {  	s1 =	sld [smem:$0x3F99];
	s0 =	simm.s32 @p0 $0x1  }
0x13: {  	[smem:$0x3FB4] =	sst s0;
	s0 =	simm.s32 @!p1 $0x0  }
0x14: {  	s2 =	sld [smem:$0x3F98];
	s0 =	simm.s32 @p1 $0x1  }
0x15: {  	[smem:$0x3FB5] =	sst s0;
	s0 =	simm.s32 @!p2 $0x0  }
0x16: {  	s3 =	sld [smem:$0x3FDB];
	s0 =	simm.s32 @p2 $0x1  }
0x17: {  	s4 =	simm.s32 $0x1BF5;
	[smem:$0x3FB7] =	sst s0  }
0x18: {  	s0 =	sld [smem:$0x3F9A];
	_ =	swait.ge [sflag:s4], $0x0  }
0x19: {  	s7 =	sld [smem:$0x3F9B]  }
0x1a: {  	s8 =	sadd.s32 $0xFFFFE003, lr  }
0x1b: {  	s9 =	sadd.s32 $0xFFFFFEF7, lr;
	s5 =	simm.s32 $0xFFFFFFFF;
	p2 =	slt.u32 s8, $0xFFFFF086  }
0x1c: {  	p1 =	slt.u32 s9, $0xF7A;
	s5 =	simm.s32 @!p2 $0x0  }
0x1d: {  	s5 =	simm.s32 @p1 $0x1;
	p0 =	seq.s32 s7, s2  }
0x1e: {  	s7 =	smul.u32 @!p0 $0xF7A, s2;
	p2 =	seq.s32 @!p0 s5, $0x0  }
0x1f: {  	s9 =	smul.u32 $0xF7A, s1;
	s8 =	simm.s32 @!p0 $0x1BF5;
	p2 =	por !p2, p0  }
0x20: {  	[sflag:s8] =	ssyncset.s32 @!p0 $0xFFFFF086;
	s6 =	sadd.s32 @!p0 s3, s7;
	s7 =	simm.s32 @!p0 $0x108  }
0x21: {  	s3 =	sadd.s32 s3, s9;
	s6 =	sadd.s32 @!p0 $0x88, s6;
	s7 =	simm.s32 @p2 $0x1082  }
0x22: {  	[simem:s7], [sflag:s8] =	dma.local @!p0 [hbm:s6], $0xF7A  }
0x23: {  	s9 =	sor.u32 $0xD0000000, s2;
	s6 =	simm.s32 $0x108;
	_ =	swait.ge @!p0 [sflag:s8], $0x0  }
0x24: {  	s3 =	sadd.s32 $0x88, s3;
	s6 =	simm.s32 @!p1 $0x1082;
	[sflag:s4] =	ssyncset.s32 $0xFFFFF086  }
0x25: {  	[simem:s6], [sflag:s4] =	dma.local [hbm:s3], $0xF7A  }
0x26: {  	[smem:$0x3F9B] =	sst s1;
	(tag) =	ssettag s2;
	_ =	strace s9  }
0x27: {  	s1 =	sld [smem:$0x3FAB]  }
0x28: {  	s2 =	sld [smem:$0x3FAC]  }
0x29: {  	s4 =	sld [smem:$0x3FAE]  }
0x2a: {  	p0 =	seq.s32 s5, $0x0;
	s5 =	sld [smem:$0x3FAF]  }
0x2b: {  	s6 =	sld [smem:$0x3FB0]  }
0x2c: {  	s7 =	sld [smem:$0x3FB1]  }
0x2d: {  	s3 =	simm.s32 $0x108;
	s8 =	sld [smem:$0x3FB2]  }
0x2e: {  	s3 =	simm.s32 @!p0 $0x1082;
	s9 =	sld [smem:$0x3FB3]  }
0x2f: {  	lr =	sadd.s32 s0, s3;
	s0 =	sld [smem:$0x3FAA]  }
0x30: {  	s3 =	sld [smem:$0x3FAD]  }
0x31: {  	[smem:$0x3FB6] =	sst s10  }
0x32: {  	s10 =	sld [smem:$0x3FB4];
	_ =	sdelay $0x3  }
0x33: {  	p0 =	seq.s32 s10, $0x1;
	s10 =	sld [smem:$0x3FB6];
	_ =	sdelay $0x3  }
0x34: {  	[smem:$0x3FB6] =	sst s10  }
0x35: {  	s10 =	sld [smem:$0x3FB5];
	_ =	sdelay $0x3  }
0x36: {  	p1 =	seq.s32 s10, $0x1;
	s10 =	sld [smem:$0x3FB6];
	_ =	sdelay $0x3  }
0x37: {  	[smem:$0x3FB6] =	sst s10  }
0x38: {  	s10 =	sld [smem:$0x3FB7]  }
0x39: {  	_ = 	snop;
	(pc) =	sbr.ind lr, $3  }
0x3a: {  	_ = 	snop  }
0x3b: {  	_ = 	snop  }
0x3c: {  	p2 =	seq.s32 s10, $0x1;
	s10 =	sld [smem:$0x3FB6]  }
0x3d: {  	_ =	shalt  }
0x3e: {  	_ =	shalt  }
0x3f: {  	_ =	shalt  }
0x40: {  	_ =	shalt  }
0x41: {  	_ =	shalt  }
0x42: {  	_ =	shalt  }
0x43: {  	_ =	shalt  }
0x44: {  	_ =	shalt  }
0x45: {  	_ =	shalt  }
0x46: {  	_ =	shalt  }
0x47: {  	_ =	shalt  }
0x48: {  	_ =	shalt  }
0x49: {  	_ =	shalt  }
0x4a: {  	_ =	shalt  }
0x4b: {  	_ =	shalt  }
0x4c: {  	_ =	shalt  }
0x4d: {  	_ =	shalt  }
0x4e: {  	_ =	shalt  }
0x4f: {  	_ =	shalt  }
0x50: {  	_ =	shalt  }
0x51: {  	_ =	shalt  }
0x52: {  	_ =	shalt  }
0x53: {  	_ =	shalt  }
0x54: {  	_ =	shalt  }
0x55: {  	_ =	shalt  }
0x56: {  	_ =	shalt  }
0x57: {  	_ =	shalt  }
0x58: {  	_ =	shalt  }
0x59: {  	_ =	shalt  }
0x5a: {  	_ =	shalt  }
0x5b: {  	_ =	shalt  }
0x5c: {  	_ =	shalt  }
0x5d: {  	_ =	shalt  }
0x5e: {  	_ =	shalt  }
0x5f: {  	_ =	shalt  }
0x60: {  	_ =	shalt  }
0x61: {  	_ =	shalt  }
0x62: {  	_ =	shalt  }
0x63: {  	_ =	shalt  }
0x64: {  	_ =	shalt  }
0x65: {  	_ =	shalt  }
0x66: {  	_ =	shalt  }
0x67: {  	_ =	shalt  }
0x68: {  	_ =	shalt  }
0x69: {  	_ =	shalt  }
0x6a: {  	_ =	shalt  }
0x6b: {  	_ =	shalt  }
0x6c: {  	_ =	shalt  }
0x6d: {  	_ =	shalt  }
0x6e: {  	_ =	shalt  }
0x6f: {  	_ =	shalt  }
0x70: {  	_ =	shalt  }
0x71: {  	_ =	shalt  }
0x72: {  	_ =	shalt  }
0x73: {  	_ =	shalt  }
0x74: {  	_ =	shalt  }
0x75: {  	_ =	shalt  }
0x76: {  	_ =	shalt  }
0x77: {  	_ =	shalt  }
0x78: {  	_ =	shalt  }
0x79: {  	_ =	shalt  }
0x7a: {  	_ =	shalt  }
0x7b: {  	_ =	shalt  }
0x7c: {  	_ =	shalt  }
0x7d: {  	_ =	shalt  }
0x7e: {  	_ =	shalt  }
0x7f: {  	_ =	shalt  }
0x80: {  	_ =	shalt  }
0x81: {  	_ =	shalt  }
0x82: {  	_ =	shalt  }
0x83: {  	_ =	shalt  }
0x84: {  	_ =	shalt  }
0x85: {  	_ =	shalt  }
0x86: {  	_ =	shalt  }
0x87: {  	_ =	shalt  }
.Lfunc_end0:
.L_simem_size_0:
called_computation.1_lowered:
.L_overlay_start_0:
0x88: {  	s0 =	sld [smem:$0x3FD9]  }
0x89: {  	s1 =	sld [smem:$0x3FFE];
	_ =	sdelay $0x3  }
0x8a: {  	s0 =	sadd.s32 s1, s0  }
0x8b: {  	[smem:$0x3FC2] =	sst s0  }
0x8c: {  	_ = 	snop  }
0x8d: {  	(tm) =	ssettm $0x1  }
0x8e: {  	s15 =	sld [smem:$0x3FFB];
	_ =	sdelay $0x3  }
0x8f: {  	_ =	strace s15  }
0x90: {  	s0 =	sld [smem:$0x3FFC];
	_ =	sdelay $0x3  }
0x91: {  	_ =	strace s0  }
0x92: {  	s0 =	sld [smem:$0x3FFD];
	_ =	sdelay $0x3  }
0x93: {  	_ =	strace s0  }
0x94: {  	_ =	strace $0x8FFFFFFF  }
0x95: {  	s16 =	sld [smem:$0x3FDB];
	_ =	sdelay $0x1  }
0x96: {  	s17 =	simm.s32 $_scs_section_size  }
0x97: {  	s2 =	simm.s32 $_size__tile_overlayer_lowered;
	s3 =	simm.s32 $_tile_overlayer_lowered  }
0x98: {  	s20 =	simm.s32 $0x1BFF;
	s19 =	sshll.u32 s3, $0x1;
	s0 =	sadd.s32 s17, s16  }
0x99: {  	s4 =	simm.s32 $0x0;
	s18 =	sshll.u32 s2, $0x1;
	s2 =	sadd.s32 s19, s0  }
0x9a: {  	[timem:s4], [sflag:s20] =	dma.local [hbm:s2], s18  }
0x9b: {  	_ =	swait.ge [sflag:s20], s18  }
0x9c: {  	s1 =	ssub.s32 $0x0, s18;
	[sflag:s20] =	ssyncset.done $0x0  }
0x9d: {  	[sflag:s20] =	ssyncadd.s32 s1;
	_ =	sdelay $0x1  }
0x9e: {  	s21 =	simm.s32 $0x1B8B  }
0x9f: {  	_ =	swait.ge [sflag:s21], $0x1  }
0xa0: {  	[sflag:s21] =	ssyncset.done $0x0  }
0xa1: {  	s23 =	simm.s32 $0x1B8E;
	s22 =	sld [smem:$0x3FFE];
	[sflag:s21] =	ssyncadd.s32 $0xFFFFFFFF  }
0xa2: {  	s24 =	simm.s32 $execute0_lowered;
	[smem:$0x3FD2] =	sst s23  }
0xa3: {  	s2 =	sshll.u32 s24, $0x1;
	_ =	strace $0x80000046;
	[dreg:$0x1] =	wrdreg $0xFFFFFFFF  }
0xa4: {  	s25 =	simm.s32 $_size_execute0_lowered;
	s0 =	sadd.s32 s0, s2;
	[dreg:$0x0] =	wrdreg $0x0  }
0xa5: {  	s2 =	sshll.u32 s25, $0x1;
	[dreg:$0x2] =	wrdreg s0  }
0xa6: {  	[dreg:$0x3] =	wrdreg s2  }
0xa7: {  	[dreg:$0x4] =	wrdreg $0xC0  }
0xa8: {  	_ =	task [dreg:s4], $0x5FFFF  }
0xa9: {  	[dreg:$0x1] =	wrdreg $0xFFFFFFFF  }
0xaa: {  	[dreg:$0x0] =	wrdreg $0x60  }
0xab: {  	[dreg:$0x2] =	wrdreg s22  }
0xac: {  	[dreg:$0x3] =	wrdreg $0xA  }
0xad: {  	_ =	task.clear_ibuf [dreg:s4], $0x4FFFF;
	_ =	strace $0x90000046  }
0xae: {  	s26 =	simm.s32 $0xA;
	_ =	strace $0x80000048  }
0xaf: {  	_ =	swait.ge [sflag:s26], $0x1  }
0xb0: {  	[sflag:s26] =	ssyncadd.s32 $0xFFFFFFFF  }
0xb1: {  	_ =	strace $0x90000048  }
0xb2: {  	_ =	sfence  }
0xb3: {  	s28 =	sld [smem:$0x0];
	_ =	sdelay $0x1  }
0xb4: {  	s29 =	srdreg.scid  }
0xb5: {  	s30 =	sshll.u32 s29, $0xD;
	s31 =	sshrl.u32 s29, $0x2  }
0xb6: {  	s1 =	sand.u32 $0x1, s29;
	s2 =	sand.u32 $0x4000, s30;
	s0 =	sadd.s32 s31, s28  }
0xb7: {  	s1 =	sor.u32 s2, s1;
	s0 =	sshll.u32 s0, $0x11  }
0xb8: {  	s0 =	sor.u32 s0, s1  }
0xb9: {  	s0 =	sadd.s32 $0x8F2B, s0  }
0xba: {  	[sflag:s0] =	ssyncadd.remote.s32 $0x1  }
0xbb: {  	_ =	sfence.sel $0xFFFF  }
0xbc: {  	[dreg:$0x0] =	wrdreg $0xFFFFFFFF;
	(pc) =	sbr.abs _section_cstart, $3  }
0xbd: {  	[dreg:$0x1] =	wrdreg $0xFFFFFFFF  }
0xbe: {  	_ =	task.clear_ibuf [dreg:s4], $0x2FFFF;
	_ =	strace $0x9FFFFFFF  }
0xbf: {  	(tm) =	ssettm $0x7FFFFFFF  }
tec
execute0_lowered:
.L_overlay_start_1:
0x0: {  	(tag) =	ssettag $0x1  }
0x1: {  	s0 =	rddreg [dreg:$0x0];
	_ =	strace $0x80000047;
	s3 =	simm.s32 $0x1  }
0x2: {  	v1 =	vimm.s32 $0xFFFFFFFF;
	[sflag:s3] =	ssyncpa.u1 $0x0  }
0x3: {  	[tilespmem:$0x10] =	vst v1  }
0x4: {  	v0 =	vimm.f32 $0.0e+00;
	[tilespmem:$0x20] =	vst v1  }
0x5: {  	[tilespmem:$0x30] =	vst v0  }
0x6: {  	s2 =	simm.s32 $0x2;
	s6 =	simm.s32 $0x7;
	s26 =	stileid.u32;
	[tilespmem:$0x40] =	vst v0  }
0x7: {  	s7 =	simm.s32 $0x8;
	s31 =	simm.s32 $0x9;
	s14 =	simm.s32 $0x0;
	[tilespmem:$0x50] =	vst v0  }
0x8: {  	s15 =	simm.s32 $0x100;
	s18 =	simm.s32 $0x10;
	s19 =	simm.s32 $0x12100;
	[tilespmem:$0x60] =	vst v1  }
0x9: {  	s20 =	simm.s32 $0xF;
	s21 =	simm.s32 $0x50;
	s22 =	simm.s32 $0x80FF;
	[tilespmem:$0x70] =	vst v1  }
0xa: {  	s23 =	simm.s32 $0x20;
	s24 =	simm.s32 $0x30;
	s25 =	simm.s32 $0x100FF;
	[tilespmem:$0x80] =	vst v1  }
0xb: {  	s30 =	simm.s32 $0x0;
	s29 =	simm.s32 $0x0;
	s1 =	sadd.s32 $0x38000, s0;
	v1 =	vimm.s32 $0x0;
	[tilespmem:$0xB0] =	vst v0  }
.Ltmp0:
0xc: {  	s4 =	sadd.s32 $0xC000, s0;
	s5 =	sadd.s32 $0x10000, s0;
	[tilespmem:$0x90] =	vst v1;
	(pc) =	sbr.rel .LBB2_1-.Ltmp0, $4  }
0xd: {  	s8 =	sshll.u32 s26, $0xD;
	s10 =	sshll.u32 s26, $0x1;
	[tilespmem:$0xA0] =	vst v1;
	[sflag:s2] =	ssyncpa.u1 $0x0  }
0xe: {  	s12 =	sshllo.u32 s26, $0x1;
	s26 =	simm.s32 $0x80;
	[sflag:s6] =	ssyncpa.u1 $0x0  }
0xf: {  	vm0 =	vmmov $0xffff;
	v2 =	vlaneseq.u32;
	s9 =	sadd.s32 $0x2000, s8;
	s11 =	sor.u32 $0x81, s10;
	[sflag:s7] =	ssyncpa.u1 $0x0  }
0x10: {  	vm1 =	vmxor vm1, vm1;
	vm2 =	vmmov $0x1;
	vm3 =	vcmask $0x3F3C;
	s13 =	sor.u32 $0x80, s10;
	s28 =	smov.u32 s8;
	[sflag:s31] =	ssyncpa.u1 $0x0  }
.LBB2_3:
0x11: {  	s0 =	sshrl.u32 s28, $0x3  }
0x12: {  	s2 =	sand.u32 $0x7, s28;
	s0 =	sadd.s32 s4, s0  }
0x13: {  	[tilespmem:s15], [sflag:$0x7] =	stream.linear.gather [hbm4b:s0+s2], $0x2000, $0x38;
	[tilespmem:$0x12120] =	vst v63  }
.LBB2_4:
0x14: {  	s0 =	sadd.s32 $0x2000, s28  }
0x15: {  	s2 =	smov.u32 s8;
	s29 =	sadd.s32 $0x1, s29;
	p0 =	slt.s32 s0, s9  }
0x16: {  	s2 =	smov.u32 @p0 s0;
	p0 =	sne.s32 s29, $0x4  }
.Ltmp1:
0x17: {  	_ = 	snop;
	(pc) =	sbr.rel @!p0 .LBB2_13-.Ltmp1, $2  }
0x18: {  	_ =	sdelay $0x2  }
0x19: {  	s30 =	smov.u32 s28;
	s28 =	smov.u32 s2  }
.LBB2_1:
0x1a: {  	p0 =	sgt.s32 s29, $0x1  }
.Ltmp2:
0x1b: {  	_ = 	snop;
	(pc) =	sbr.rel @p0 .LBB2_11-.Ltmp2, $1  }
0x1c: {  	_ =	sdelay $0x3  }
0x1d: {  	p0 =	seq.s32 s29, $0x0  }
.Ltmp3:
0x1e: {  	_ = 	snop;
	(pc) =	sbr.rel @p0 .LBB2_3-.Ltmp3, $1  }
0x1f: {  	_ =	sdelay $0x3  }
0x20: {  	_ =	swait.ge [sflag:s6], $0x2000  }
0x21: {  	[sflag:s6] =	ssyncset.done $0x0  }
0x22: {  	[sflag:s6] =	ssyncadd.s32 $0xFFFFE000;
	(ifvalue) =	ssetifvalue $0xFFFFFFFF;
	v3 =	vld.msk [tilespmem:s15+$0x0 ss:$0x1], $0xffff;
	_ =	sdelay $0x4  }
0x23: {  	v4 =	vperm.xlane v3, v1  }
0x24: {  	vm4 =	vlt.u32 v3, $0x800  }
0x25: {  	v3 =	vnsel vm4, $0xFFFFFFFE, v3;
	vm4 =	vlt.u32 v4, $0x800  }
0x26: {  	[tilespmem:$0x70] =	vst v3;
	v3 =	vnsel vm4, $0xFFFFFFFE, v4  }
0x27: {  	s17 =	simm.s32 $0x20F0;
	[tilespmem:$0x80] =	vst v3  }
0x28: {  	v3 =	vld.msk [tilespmem:s17+$0x0 ss:$0x1], $0xffff;
	_ =	sdelay $0x4  }
0x29: {  	(xrf1) =	vunique.msk.u32 $0xffff, v3;
	_ =	sdelay $0xd  }
0x2a: {  	v4 =	vimm.s32 $0xFFFFFFFF;
	v5, _, _ =	vpop (xrf1)  }
0x2b: {  	vm5 =	vne.s32 v3, v4;
	vm4 =	veq.s32 v5, v2  }
0x2c: {  	vm6 =	vlt.u32 v3, $0x800;
	vm4 =	vmand vm5, vm4  }
0x2d: {  	vm4 =	vmand vm6, vm4  }
0x2e: {  	v4 =	vnsel vm4, $0xFFFFFFFF, v3;
	_ =	sdelay $0x3  }
0x2f: {  	s0 =	simm.s32 $0x80F0;
	(ifvalue) =	ssetifvalue $0xFFFFFFFF  }
0x30: {  	v3 =	vperm.xlane v3, v1;
	[tilespmem:s0], [sflag:$0x8] =	stream.indirect_vreg.gather [hbm4b:s1+s14], $0x1, v4, vm0, $0x4038;
	v4 =	vnsel vm6, $0xFFFFFFFE, v4;
	[tilespmem:$0x12120] =	vst v63  }
0x31: {  	s2 =	simm.s32 $0x0;
	s16 =	simm.s32 $0x20E0;
	[tilespmem:s17+$0x0] =	vst v4  }
.LBB2_6:
0x32: {  	v4 =	vld.msk [tilespmem:s16+$0x0 ss:$0x1], $0xffff;
	s2 =	sadd.s32 $0x10, s2;
	v5 =	vmov v3;
	s17 =	smov.u32 s16  }
0x33: {  	p0 =	slt.u32 s2, $0x1FF0;
	_ =	sdelay $0x4  }
0x34: {  	v3 =	vperm.xlane v4, v1;
	(xrf1) =	vunique.msk.u32 $0xffff, v4;
	_ =	sdelay $0xd  }
0x35: {  	v6, _, _ =	vpop (xrf1)  }
0x36: {  	vm5 =	vne.s32 v4, v5;
	vm4 =	veq.s32 v6, v2  }
0x37: {  	vm6 =	vlt.u32 v4, $0x800;
	vm4 =	vmand vm5, vm4  }
0x38: {  	vm4 =	vmand vm6, vm4  }
0x39: {  	v4 =	vnsel vm4, $0xFFFFFFFF, v4  }
.Ltmp4:
0x3a: {  	v5 =	vnsel vm6, $0xFFFFFFFE, v4;
	(pc) =	sbr.rel @p0 .LBB2_6-.Ltmp4, $3  }
0x3b: {  	_ =	sdelay $0x1  }
0x3c: {  	s16 =	sadd.s32 $0xFFFFFFF0, s16;
	s0 =	sadd.s32 $0xFFFFFFF0, s0;
	(ifvalue) =	ssetifvalue $0xFFFFFFFF  }
0x3d: {  	[tilespmem:s0], [sflag:$0x8] =	stream.indirect_vreg.gather [hbm4b:s1+s14], $0x1, v4, vm0, $0x4038;
	[tilespmem:s17+$0x0] =	vst v5  }
.Ltmp5:
0x3e: {  	(pc) =	sbr.rel .LBB2_4-.Ltmp5, $4  }
0x3f: {  	_ = 	snop  }
0x40: {  	s0 =	sshrl.u32 s30, $0x3  }
0x41: {  	s2 =	simm.s32 $0xA100;
	s0 =	sadd.s32 s5, s0  }
0x42: {  	[tilespmem:s2], [sflag:$0x8] =	stream.linear.gather [hbm:s0], $0x2000, $0x38;
	[tilespmem:$0x12120] =	vst v63  }
.LBB2_11:
0x43: {  	p0 =	seq.s32 s29, $0x2  }
.Ltmp6:
0x44: {  	_ = 	snop;
	(pc) =	sbr.rel @!p0 .LBB2_12-.Ltmp6, $1  }
0x45: {  	_ =	sdelay $0x3  }
0x46: {  	_ =	swait.ge [sflag:s7], $0x4000  }
0x47: {  	[sflag:s7] =	ssyncset.done $0x0  }
0x48: {  	s0 =	simm.s32 $0x20FF;
	[sflag:s7] =	ssyncadd.s32 $0xFFFFC000  }
0x49: {  	[spmem:s11] =	stream.linear.scatter [tilespmem:s0], [sflag:$0x1], $0x1, $0x38;
	[tilespmem:$0x12120] =	vst v63  }
0x4a: {  	_ =	swait.ge [sflag:s3], $0x1  }
0x4b: {  	[sflag:s3] =	ssyncset.done $0x0  }
0x4c: {  	[sflag:s3] =	ssyncadd.s32 $0xFFFFFFFF  }
0x4d: {  	v4 =	vld [tilespmem:$0x10]  }
0x4e: {  	v5 =	vld [tilespmem:$0x70]  }
0x4f: {  	v3 =	vld [tilespmem:$0x80];
	_ =	sdelay $0x2  }
0x50: {  	(v2sf) =	vpush v4, $0x0  }
0x51: {  	(v2sf) =	vpush v5, $0x0  }
0x52: {  	(v2sf) =	vpush v3, $0x0;
	_ =	sdelay $0xc  }
0x53: {  	s16 =	spop (v2sf)  }
0x54: {  	s2 =	spop (v2sf)  }
0x55: {  	s30 =	spop (v2sf)  }
0x56: {  	p0 =	seq.s32 s16, s2;
	p1 =	seq.s32 s30, s16  }
0x57: {  	p1 =	por p0, p1  }
0x58: {  	v4 =	vpsel p1, $0xFFFFFFFF, v4  }
0x59: {  	[tilespmem:s18+$0x0] =	vst.msk $0x1, v4  }
0x5a: {  	v4 =	vld [tilespmem:$0x30]  }
0x5b: {  	v5 =	vld [tilespmem:$0xA100]  }
0x5c: {  	v6 =	vld [tilespmem:$0x40];
	_ =	sdelay $0x3  }
0x5d: {  	vm4 =	vmmov vm1;
	v5 =	vadd.f32 v5, v4  }
0x5e: {  	vm5 =	vmmov vm2;
	s31 =	simm.s32 $0xA100;
	vm4 =	vmmov @p0 vm2;
	v4 =	vadd.f32 v6, v4  }
0x5f: {  	vm5 =	vmmov @p1 vm1;
	[tilespmem:s31+$0x0] =	vst.msk vm4, v5  }
0x60: {  	[tilespmem:s19+$0x0] =	vst.msk vm5, v4  }
0x61: {  	v4 =	vld [tilespmem:$0x80F0];
	_ =	sdelay $0x3  }
0x62: {  	v5 =	vimm.f32 $0.0e+00  }
0x63: {  	v4 =	vshift.insert v4, v5, s20;
	_ =	sdelay $0x1  }
0x64: {  	[tilespmem:s21+$0x0] =	vst.msk $0x1, v4  }
0x65: {  	[tilespmem:s22+$0x0] =	vst.msk $0x1, v5  }
0x66: {  	v4 =	vld [tilespmem:$0x20F0];
	_ =	sdelay $0x4  }
0x67: {  	v4 =	vshift.insert v4, v1, s20;
	_ =	sdelay $0x1  }
0x68: {  	[tilespmem:s23+$0x0] =	vst.msk $0x1, v4  }
0x69: {  	s17 =	simm.s32 $0x100;
	v6 =	vld [tilespmem:s31+$0x0]  }
0x6a: {  	v7 =	vld [tilespmem:s17+$0x0];
	_ =	sdelay $0x3  }
0x6b: {  	v5 =	vadd.f32 v6, v5  }
0x6c: {  	vm4 =	vne.s32 v7, $0xFFFFFFFF  }
0x6d: {  	(xrf2) =	vadd.seg.scan.f32 vm4, v5;
	_ =	sdelay $0x3  }
0x6e: {  	s0 =	simm.s32 $0x6100;
	v5 =	vperm.xlane v4, v1  }
0x6f: {  	v6 =	vld [tilespmem:s0+$0x0]  }
0x70: {  	vm5 =	veq.s32 v7, v3;
	vm6 =	veq.s32 v7, v5  }
0x71: {  	vm7 =	vgt.u32 v7, $0xFFFFFFFD;
	vm6 =	vmor vm6, vm5  }
0x72: {  	vm6 =	vmor vm6, vm7  }
0x73: {  	v9 =	vld [tilespmem:$0xA0];
	v7 =	vsel vm6, $0xFFFFFFFF, v7  }
0x74: {  	v10 =	vld [tilespmem:$0x90];
	v6 =	vsel vm5, $0x0, v6;
	v8, _, _ =	vpop (xrf2)  }
0x75: {  	v6 =	vadd.f32 v8, v6  }
0x76: {  	s2 =	simm.s32 $0xE100  }
0x77: {  	vm4 =	vmand vm4, vm3;
	[tilespmem:s2+$0x0] =	vst v6;
	(ifvalue) =	ssetifvalue $0xFFFFFFFF  }
0x78: {  	vm6 =	veq.s32 v9, $0x1;
	[hbm4b:s1+s14] =	stream.indirect_vreg.scatter [tilespmem:s2], [sflag:$0x2], $0x1, v7, vm0, $0x4038;
	v7 =	vsel vm4, $0x0, v8;
	[tilespmem:$0x12120] =	vst v63  }
0x79: {  	s16 =	simm.s32 $0x0;
	s17 =	simm.s32 $0x110;
	vm4 =	vmor vm6, vm5;
	v6 =	vsel vm5, v8, v10;
	v7 =	vshift.insert v7, v0, s20  }
.LBB2_9:
0x7a: {  	v8 =	vld [tilespmem:s17+$0x0];
	s31 =	sadd.s32 $0x10, s31  }
0x7b: {  	s0 =	sadd.s32 $0x10, s0;
	v9 =	vld [tilespmem:s31+$0x0]  }
0x7c: {  	s16 =	sadd.s32 $0x10, s16;
	v10 =	vld [tilespmem:s0+$0x0]  }
0x7d: {  	p0 =	slt.u32 s16, $0x1FF0;
	_ =	sdelay $0x2  }
0x7e: {  	v7 =	vadd.f32 v9, v7  }
0x7f: {  	vm5 =	vne.s32 v8, $0xFFFFFFFF  }
0x80: {  	vm6 =	vmand vm5, vm3;
	(xrf2) =	vadd.seg.scan.f32 vm5, v7;
	_ =	sdelay $0x5  }
0x81: {  	vm7 =	veq.s32 v8, v5;
	vm5 =	veq.s32 v8, v3  }
0x82: {  	vm8 =	vgt.u32 v8, $0xFFFFFFFD;
	vm4 =	vmor vm4, vm5;
	vm7 =	vmor vm7, vm5  }
0x83: {  	vm7 =	vmor vm7, vm8  }
0x84: {  	v8 =	vsel vm7, $0xFFFFFFFF, v8  }
.Ltmp7:
0x85: {  	v7 =	vsel vm5, $0x0, v10;
	v9, _, _ =	vpop (xrf2);
	(pc) =	sbr.rel @p0 .LBB2_9-.Ltmp7, $4  }
0x86: {  	v6 =	vsel vm5, v9, v6;
	v10 =	vadd.f32 v9, v7;
	v7 =	vsel vm6, $0x0, v9  }
0x87: {  	s2 =	sadd.s32 $0x10, s2;
	v7 =	vshift.insert v7, v0, s20  }
0x88: {  	s17 =	sadd.s32 $0x10, s17;
	[tilespmem:s2+$0x0] =	vst v10;
	(ifvalue) =	ssetifvalue $0xFFFFFFFF  }
0x89: {  	[hbm4b:s1+s14] =	stream.indirect_vreg.scatter [tilespmem:s2], [sflag:$0x2], $0x1, v8, vm0, $0x4038;
	[tilespmem:$0x12120] =	vst v63  }
0x8a: {  	v3 =	vld [tilespmem:$0x100F0];
	_ =	sdelay $0x4  }
0x8b: {  	v3 =	vshift.insert v3, v0, s20;
	_ =	sdelay $0x1  }
0x8c: {  	[tilespmem:s24+$0x0] =	vst.msk $0x1, v3  }
0x8d: {  	v3 =	vsel vm4, $0x1, v1;
	[tilespmem:$0x90] =	vst v6  }
0x8e: {  	[tilespmem:$0xA0] =	vst v3  }
0x8f: {  	[spmem:s12] =	stream.linear.scatter [tilespmem:s25], [sflag:$0x1], $0x1, $0x38;
	[tilespmem:$0x12120] =	vst v63  }
0x90: {  	v3 =	vmctz.xlane vm4;
	_ =	swait.ge [sflag:s3], $0x1  }
0x91: {  	(v2sf) =	vpush v4, $0x0  }
0x92: {  	(v2sf) =	vpush v3, $0x0;
	_ =	sdelay $0xd  }
0x93: {  	s0 =	spop (v2sf)  }
0x94: {  	s2 =	spop (v2sf)  }
0x95: {  	[sflag:s3] =	ssyncset.done $0x0;
	p0 =	sne.s32 s30, s0;
	p1 =	slt.s32 s2, $0xF  }
0x96: {  	[sflag:s3] =	ssyncadd.s32 $0xFFFFFFFF;
	v3 =	vimm.s32 @!p0 $0xFFFFFFFF;
	s2 =	simm.s32 @!p1 $0xF  }
0x97: {  	[tilespmem:$0x80] =	vst @!p0 v3;
	s31 =	sadd.s32 $0x90, s2  }
0x98: {  	[spmem:s10] =	stream.linear.scatter [tilespmem:s31], [sflag:$0x1], $0x1, $0x38;
	[tilespmem:$0x12120] =	vst v63  }
0x99: {  	_ =	swait.ge [sflag:s3], $0x1  }
0x9a: {  	[sflag:s3] =	ssyncset.done $0x0  }
0x9b: {  	[sflag:s3] =	ssyncadd.s32 $0xFFFFFFFF  }
0x9c: {  	[spmem:s13] =	stream.linear.scatter [tilespmem:s26], [sflag:$0x1], $0x1, $0x38;
	[tilespmem:$0x12120] =	vst v63  }
0x9d: {  	_ =	swait.ge [sflag:s3], $0x1  }
0x9e: {  	[sflag:s3] =	ssyncset.done $0x0  }
0x9f: {  	[sflag:s3] =	ssyncadd.s32 $0xFFFFFFFF;
	(ifvalue) =	ssetifvalue $0xFFFFFFFF;
	v3 =	vld [tilespmem:$0x10];
	_ =	sdelay $0x3  }
.Ltmp8:
0xa0: {  	_ = 	snop;
	(pc) =	sbr.rel .LBB2_4-.Ltmp8, $3  }
0xa1: {  	_ =	sdelay $0x1  }
0xa2: {  	(ifvalue) =	ssetifvalue $0xFFFFFFFF  }
0xa3: {  	[hbm4b:s1+s14] =	stream.indirect_vreg.scatter [tilespmem:s19], [sflag:$0x9], $0x1, v3, vm0, $0x4038;
	[tilespmem:$0x12120] =	vst v63  }
.LBB2_12:
0xa4: {  	s0 =	simm.s32 $0x2  }
0xa5: {  	_ =	swait.ge [sflag:s0], $0x2000  }
0xa6: {  	[sflag:s0] =	ssyncset.done $0x0  }
0xa7: {  	s31 =	simm.s32 $0x9;
	[sflag:s0] =	ssyncadd.s32 $0xFFFFE000  }
0xa8: {  	_ =	swait.ge [sflag:s31], $0x10  }
0xa9: {  	[sflag:s31] =	ssyncset.done $0x0  }
0xaa: {  	[sflag:s31] =	ssyncadd.s32 $0xFFFFFFF0  }
.LBB2_13:
0xab: {  	_ =	sfence.sel $0x180000  }
0xac: {  	s0 =	simm.s32 $0x7;
	[bflag:$0x0] =	sbarrier.arrive $0xFFFF  }
0xad: {  	s26 =	simm.s32 $0x8;
	[sflag:s0] =	ssyncpa.u1 $0x1  }
0xae: {  	s28 =	simm.s32 $0x9;
	[sflag:s26] =	ssyncpa.u1 $0x1  }
0xaf: {  	[sflag:s28] =	ssyncpa.u1 $0x1  }
0xb0: {  	_ =	sfence.stream.spmem  }
0xb1: {  	s29 =	simm.s32 $0x3;
	[bflag:$0x0] =	sbarrier.arrive $0xFFFF  }
0xb2: {  	s30 =	simm.s32 $0x4;
	[sflag:s29] =	ssyncpa.u1 $0x1  }
0xb3: {  	s31 =	simm.s32 $0x3C;
	s2 =	stileid.u32;
	[sflag:s30] =	ssyncpa.u1 $0x1  }
0xb4: {  	p0 =	sne.s32 s2, $0x0;
	[sflag:s31] =	ssyncpa.u1 $0x1  }
0xb5: {  	s0 =	simm.s32 @p0 $0x1;
	_ =	sfence @p0  }
0xb6: {  	[sflag:s0] =	ssyncpa.u1 @p0 $0x1;
	s0 =	simm.s32 @p0 $0x2  }
0xb7: {  	[sflag:s0] =	ssyncpa.u1 @p0 $0x1  }
0xb8: {  	_ =	strace @p0 $0x90000047  }
0xb9: {  	[bflag:$0x2] =	sbarrier.arrive @p0 $0xFFFF  }
0xba: {  	_ =	shalt @p0  }
.LBB2_14:
0xbb: {  	_ =	sfence.stream.spmem;
	s0 =	simm.s32 $0x5  }
0xbc: {  	s2 =	simm.s32 $0x80;
	s3 =	simm.s32 $0xC0;
	[sflag:s0] =	ssyncpa.u1 $0x0  }
0xbd: {  	[tilespmem:s3], [sflag:$0x5] =	stream.linear.gather [spmem:s2], $0x20, $0x38;
	[tilespmem:$0x12120] =	vst v63  }
0xbe: {  	s2 =	simm.s32 $0x0;
	s3 =	simm.s32 $0xE0  }
0xbf: {  	[tilespmem:s3], [sflag:$0x5] =	stream.linear.gather [spmem:s2], $0x20, $0x38;
	[tilespmem:$0x12120] =	vst v63  }
.Ltmp9:
0xc0: {  	_ = 	snop;
	(pc) =	sbr.rel .LBB2_15-.Ltmp9, $4  }
0xc1: {  	_ =	swait.ge [sflag:s0], $0x40  }
0xc2: {  	[sflag:s0] =	ssyncset.done $0x0  }
0xc3: {  	s31 =	simm.s32 $0x6;
	[sflag:s0] =	ssyncadd.s32 $0xFFFFFFC0  }
0xc4: {  	s4 =	simm.s32 $0x0;
	[sflag:s31] =	ssyncpa.u1 $0x0  }
.LBB2_20:
0xc5: {  	p0 =	sgt.u32 s0, $0x7FF  }
0xc6: {  	s5 =	sshrl.u32 @!p0 s0, $0x3  }
0xc7: {  	s0 =	sand.u32 @!p0 $0x7, s0;
	s6 =	simm.s32 @!p0 $0xB0;
	s5 =	sadd.s32 @!p0 s1, s5  }
0xc8: {  	[tilespmem:s6], [sflag:$0x6] =	stream.linear.gather @!p0 [hbm4b:s5+s0], $0x1, $0x38;
	[tilespmem:$0x12120] =	vst v63  }
0xc9: {  	s0 =	simm.s32 @!p0 $0x6  }
0xca: {  	_ =	swait.ge @!p0 [sflag:s0], $0x1  }
0xcb: {  	[sflag:s0] =	ssyncset.done @!p0 $0x0  }
0xcc: {  	[sflag:s0] =	ssyncadd.s32 @!p0 $0xFFFFFFFF  }
0xcd: {  	v2 =	vmov @!p0 s4;
	v1 =	vld.msk @!p0 [tilespmem:$0xB0], $0x1;
	_ =	sdelay $0x3  }
0xce: {  	s0 =	simm.s32 @!p0 $0xE0  }
0xcf: {  	[tilespmem:v2+s0+$0x0], v1 =	vst.idx.ret.add.f32.msk @!p0 $0x1, v1  }
0xd0: {  	[tilespmem:s2+$0xC0] =	vst.msk $0x1, v0  }
0xd1: {  	v0 =	vld.msk [tilespmem:s4+$0xE0], $0x1;
	_ =	sdelay $0x4  }
0xd2: {  	[tilespmem:s2+$0xE0] =	vst.msk $0x1, v0;
	s2 =	sadd.s32 $0x1, s2  }
.LBB2_22:
0xd3: {  	s4 =	sadd.s32 $0x1, s4  }
0xd4: {  	p0 =	sne.s32 s4, $0x20  }
.Ltmp10:
0xd5: {  	_ = 	snop;
	(pc) =	sbr.rel @!p0 .LBB2_23-.Ltmp10, $1  }
0xd6: {  	_ =	sdelay $0x3  }
.LBB2_15:
0xd7: {  	v0 =	vld.msk [tilespmem:s4+$0xC0], $0x1;
	_ =	sdelay $0x4  }
0xd8: {  	(v2sf) =	vpush v0, $0x0;
	_ =	sdelay $0xe  }
0xd9: {  	s0 =	spop (v2sf)  }
0xda: {  	p0 =	seq.s32 s0, $0xFFFFFFFF  }
.Ltmp11:
0xdb: {  	_ = 	snop;
	(pc) =	sbr.rel @p0 .LBB2_22-.Ltmp11, $1  }
0xdc: {  	_ =	sdelay $0x3  }
0xdd: {  	p0 =	slt.s32 s2, $0x1  }
.Ltmp12:
0xde: {  	_ = 	snop;
	(pc) =	sbr.rel @p0 .LBB2_20-.Ltmp12, $1  }
0xdf: {  	_ =	sdelay $0x3  }
0xe0: {  	s5 =	simm.s32 $0xC0;
	p0 =	por $0x0, $0x0  }
0xe1: {  	v1 =	vld.msk @!p0 [tilespmem:s5+$0x0], $0x1;
	_ =	sdelay $0x4  }
0xe2: {  	(v2sf) =	vpush @!p0 v1, $0x0;
	_ =	sdelay $0xd  }
0xe3: {  	p2 =	sne.s32 s2, $0x1  }
.Ltmp13:
0xe4: {  	s6 =	spop @!p0 (v2sf);
	(pc) =	sbr.rel @!p2 .LBB2_19-.Ltmp13, $4  }
0xe5: {  	p1 =	seq.s32 @!p0 s0, s6  }
0xe6: {  	s6 =	simm.s32 $0x0;
	p1 =	por !p1, p0  }
0xe7: {  	s8 =	simm.s32 $0xFFFFFFFF;
	s6 =	simm.s32 @p1 $0xFFFFFFFF  }
0xe8: {  	s7 =	simm.s32 $0x1;
	s6 =	smov.u32 @p0 s8  }
.LBB2_18:
0xe9: {  	s8 =	smov.u32 s6;
	p0 =	sne.s32 s6, $0xFFFFFFFF  }
0xea: {  	s5 =	sadd.s32 $0x1, s5;
	s6 =	smov.u32 s7;
	s7 =	sadd.s32 $0x1, s7  }
0xeb: {  	p1 =	sne.s32 s2, s7;
	v1 =	vld.msk @!p0 [tilespmem:s5+$0x0], $0x1;
	_ =	sdelay $0x4  }
0xec: {  	(v2sf) =	vpush @!p0 v1, $0x0;
	_ =	sdelay $0xe  }
.Ltmp14:
0xed: {  	s9 =	spop @!p0 (v2sf);
	(pc) =	sbr.rel @p1 .LBB2_18-.Ltmp14, $4  }
0xee: {  	p2 =	seq.s32 @!p0 s0, s9  }
0xef: {  	p2 =	por !p2, p0  }
0xf0: {  	s6 =	simm.s32 @p2 $0xFFFFFFFF  }
0xf1: {  	s6 =	smov.u32 @p0 s8  }
.LBB2_19:
0xf2: {  	p0 =	sne.s32 s6, $0xFFFFFFFF  }
.Ltmp15:
0xf3: {  	_ = 	snop;
	(pc) =	sbr.rel @!p0 .LBB2_20-.Ltmp15, $1  }
0xf4: {  	_ =	sdelay $0x3  }
0xf5: {  	v0 =	vld.msk [tilespmem:s4+$0xE0], $0x1;
	v1 =	vmov s6  }
.Ltmp16:
0xf6: {  	_ = 	snop;
	(pc) =	sbr.rel .LBB2_22-.Ltmp16, $2  }
0xf7: {  	_ =	sdelay $0x2  }
0xf8: {  	[tilespmem:v1+s3+$0x0], v0 =	vst.idx.ret.add.f32.msk $0x1, v0  }
.LBB2_23:
0xf9: {  	p0 =	slt.s32 s2, $0x1  }
.Ltmp17:
0xfa: {  	_ = 	snop;
	(pc) =	sbr.rel @p0 .LBB2_27-.Ltmp17, $3  }
0xfb: {  	_ =	sdelay $0x1  }
0xfc: {  	s0 =	simm.s32 $0x6  }
0xfd: {  	[sflag:s0] =	ssyncpa.u1 $0x1;
	s0 =	simm.s32 $0x0  }
0xfe: {  	s3 =	simm.s32 $0xC0  }
0xff: {  	v0 =	vld.msk [tilespmem:s3+$0x0], $0x1;
	_ =	sdelay $0x4  }
0x100: {  	(v2sf) =	vpush v0, $0x0;
	_ =	sdelay $0xe  }
0x101: {  	s2 =	sadd.s32 $0xFFFFFFFF, s2;
	s4 =	spop (v2sf)  }
0x102: {  	p1 =	sne.s32 s2, $0x0;
	p0 =	sgt.u32 s4, $0x7FF  }
.Ltmp18:
0x103: {  	s5 =	sshrl.u32 @!p0 s4, $0x3;
	(pc) =	sbr.rel @!p1 .LBB2_26-.Ltmp18, $4  }
0x104: {  	s3 =	simm.s32 $0xE0;
	s4 =	sand.u32 @!p0 $0x7, s4;
	s5 =	sadd.s32 @!p0 s1, s5  }
0x105: {  	[hbm4b:s5+s4] =	stream.linear.scatter @!p0 [tilespmem:s3], [sflag:$0x5], $0x1, $0x38;
	[tilespmem:$0x12120] =	vst v63  }
0x106: {  	s5 =	simm.s32 $0x0  }
0x107: {  	s4 =	simm.s32 $0xC1;
	s5 =	simm.s32 @!p0 $0x4  }
.LBB2_25:
0x108: {  	v0 =	vld.msk [tilespmem:s4+$0x0], $0x1;
	s2 =	sadd.s32 $0xFFFFFFFF, s2;
	s0 =	sadd.s32 s0, s5  }
0x109: {  	p0 =	sne.s32 s2, $0x0;
	_ =	sdelay $0x3  }
0x10a: {  	(v2sf) =	vpush v0, $0x0;
	_ =	sdelay $0xe  }
.Ltmp19:
0x10b: {  	s6 =	spop (v2sf);
	(pc) =	sbr.rel @p0 .LBB2_25-.Ltmp19, $4  }
0x10c: {  	s5 =	simm.s32 $0x0;
	p1 =	sgt.u32 s6, $0x7FF  }
0x10d: {  	s3 =	sadd.s32 $0x1, s3;
	s5 =	simm.s32 @!p1 $0x4;
	s7 =	sshrl.u32 @!p1 s6, $0x3  }
0x10e: {  	s4 =	sadd.s32 $0x1, s4;
	s6 =	sand.u32 @!p1 $0x7, s6;
	s7 =	sadd.s32 @!p1 s1, s7  }
0x10f: {  	[hbm4b:s7+s6] =	stream.linear.scatter @!p1 [tilespmem:s3], [sflag:$0x5], $0x1, $0x38;
	[tilespmem:$0x12120] =	vst v63  }
.LBB2_26:
0x110: {  	s0 =	sadd.s32 s0, s5  }
0x111: {  	s0 =	sshrl.u32 s0, $0x2  }
.LBB2_27:
0x112: {  	s1 =	simm.s32 $0x5  }
0x113: {  	_ =	swait.ge [sflag:s1], s0  }
0x114: {  	s28 =	ssub.s32 $0x0, s0;
	[sflag:s1] =	ssyncset.done $0x0  }
0x115: {  	[sflag:s1] =	ssyncadd.s32 s28  }
0x116: {  	[sflag:s1] =	ssyncpa.u1 $0x1  }
0x117: {  	s29 =	simm.s32 $0x1;
	_ =	sfence  }
0x118: {  	s30 =	simm.s32 $0x2;
	[sflag:s29] =	ssyncpa.u1 $0x1  }
0x119: {  	[sflag:s30] =	ssyncpa.u1 $0x1  }
0x11a: {  	_ =	strace $0x90000047  }
0x11b: {  	[bflag:$0x2] =	sbarrier.arrive $0xFFFF  }
0x11c: {  	s31 =	rddreg [dreg:$0x1]  }
0x11d: {  	s0 =	sadd.s32 $0x100000, s31  }
0x11e: {  	[sflag:s0] =	ssyncadd.tile.s32 $0x1;
	_ =	shalt  }
.Lfunc_end2:
_tile_overlayer_lowered:
.L_overlay_start_2:
0x11f: {  	(tag) =	ssettag $0x2  }
0x120: {  	s0 =	rddreg [dreg:$0x0];
	s2 =	stileid.u32  }
0x121: {  	s1 =	rddreg [dreg:$0x1];
	p0 =	sne.s32 s2, $0x0  }
0x122: {  	s3 =	rddreg [dreg:$0x2];
	[bflag:$0x3] =	sbarrier.arrive $0xFFFF;
	s2 =	simm.s32 @!p0 $0x1C01  }
0x123: {  	[timem:s3], [sflag:s2] =	dma.local @!p0 [hbm:s0], s1  }
0x124: {  	s0 =	simm.s32 @!p0 $0x1  }
0x125: {  	_ =	swait.ge @!p0 [sflag:s0], s1  }
0x126: {  	s1 =	ssub.s32 @!p0 $0x0, s1;
	[sflag:s0] =	ssyncset.done @!p0 $0x0  }
0x127: {  	[sflag:s0] =	ssyncadd.s32 @!p0 s1  }
0x128: {  	[bflag:$0x3] =	sbarrier.arrive $0xFFFF  }
0x129: {  	_ =	shalt  }

// kernel: scatter_offload_async_start
scs
__scs_entry_jumppad:
0x0: {  	(pc) =	sbr.rel $0x88, $3  }
0x1: {  	(tag) =	ssettag $0x0;
	lr =	simm.s32 $0x1  }
0x2: {  	[smem:$0x3F9B] =	sst lr;
	_ =	strace $0xD0000000  }
0x3: {  	_ = 	snop  }
0x4: {  	_ = 	snop  }
0x5: {  	_ = 	snop  }
0x6: {  	_ = 	snop  }
0x7: {  	_ = 	snop  }
__scs_overlays_trampoline_lowered:
0x8: {  	[smem:$0x3FAA] =	sst s0  }
0x9: {  	[smem:$0x3FAB] =	sst s1  }
0xa: {  	[smem:$0x3FAC] =	sst s2  }
0xb: {  	[smem:$0x3FAD] =	sst s3  }
0xc: {  	[smem:$0x3FAE] =	sst s4  }
0xd: {  	[smem:$0x3FAF] =	sst s5  }
0xe: {  	[smem:$0x3FB0] =	sst s6  }
0xf: {  	[smem:$0x3FB1] =	sst s7  }
0x10: {  	[smem:$0x3FB2] =	sst s8  }
0x11: {  	[smem:$0x3FB3] =	sst s9;
	s0 =	simm.s32 @!p0 $0x0  }
0x12: {  	s1 =	sld [smem:$0x3F99];
	s0 =	simm.s32 @p0 $0x1  }
0x13: {  	[smem:$0x3FB4] =	sst s0;
	s0 =	simm.s32 @!p1 $0x0  }
0x14: {  	s2 =	sld [smem:$0x3F98];
	s0 =	simm.s32 @p1 $0x1  }
0x15: {  	[smem:$0x3FB5] =	sst s0;
	s0 =	simm.s32 @!p2 $0x0  }
0x16: {  	s3 =	sld [smem:$0x3FDB];
	s0 =	simm.s32 @p2 $0x1  }
0x17: {  	s4 =	simm.s32 $0x1BF5;
	[smem:$0x3FB7] =	sst s0  }
0x18: {  	s0 =	sld [smem:$0x3F9A];
	_ =	swait.ge [sflag:s4], $0x0  }
0x19: {  	s7 =	sld [smem:$0x3F9B]  }
0x1a: {  	s8 =	sadd.s32 $0xFFFFE003, lr  }
0x1b: {  	s9 =	sadd.s32 $0xFFFFFEF7, lr;
	s5 =	simm.s32 $0xFFFFFFFF;
	p2 =	slt.u32 s8, $0xFFFFF086  }
0x1c: {  	p1 =	slt.u32 s9, $0xF7A;
	s5 =	simm.s32 @!p2 $0x0  }
0x1d: {  	s5 =	simm.s32 @p1 $0x1;
	p0 =	seq.s32 s7, s2  }
0x1e: {  	s7 =	smul.u32 @!p0 $0xF7A, s2;
	p2 =	seq.s32 @!p0 s5, $0x0  }
0x1f: {  	s9 =	smul.u32 $0xF7A, s1;
	s8 =	simm.s32 @!p0 $0x1BF5;
	p2 =	por !p2, p0  }
0x20: {  	[sflag:s8] =	ssyncset.s32 @!p0 $0xFFFFF086;
	s6 =	sadd.s32 @!p0 s3, s7;
	s7 =	simm.s32 @!p0 $0x108  }
0x21: {  	s3 =	sadd.s32 s3, s9;
	s6 =	sadd.s32 @!p0 $0x88, s6;
	s7 =	simm.s32 @p2 $0x1082  }
0x22: {  	[simem:s7], [sflag:s8] =	dma.local @!p0 [hbm:s6], $0xF7A  }
0x23: {  	s9 =	sor.u32 $0xD0000000, s2;
	s6 =	simm.s32 $0x108;
	_ =	swait.ge @!p0 [sflag:s8], $0x0  }
0x24: {  	s3 =	sadd.s32 $0x88, s3;
	s6 =	simm.s32 @!p1 $0x1082;
	[sflag:s4] =	ssyncset.s32 $0xFFFFF086  }
0x25: {  	[simem:s6], [sflag:s4] =	dma.local [hbm:s3], $0xF7A  }
0x26: {  	[smem:$0x3F9B] =	sst s1;
	(tag) =	ssettag s2;
	_ =	strace s9  }
0x27: {  	s1 =	sld [smem:$0x3FAB]  }
0x28: {  	s2 =	sld [smem:$0x3FAC]  }
0x29: {  	s4 =	sld [smem:$0x3FAE]  }
0x2a: {  	p0 =	seq.s32 s5, $0x0;
	s5 =	sld [smem:$0x3FAF]  }
0x2b: {  	s6 =	sld [smem:$0x3FB0]  }
0x2c: {  	s7 =	sld [smem:$0x3FB1]  }
0x2d: {  	s3 =	simm.s32 $0x108;
	s8 =	sld [smem:$0x3FB2]  }
0x2e: {  	s3 =	simm.s32 @!p0 $0x1082;
	s9 =	sld [smem:$0x3FB3]  }
0x2f: {  	lr =	sadd.s32 s0, s3;
	s0 =	sld [smem:$0x3FAA]  }
0x30: {  	s3 =	sld [smem:$0x3FAD]  }
0x31: {  	[smem:$0x3FB6] =	sst s10  }
0x32: {  	s10 =	sld [smem:$0x3FB4];
	_ =	sdelay $0x3  }
0x33: {  	p0 =	seq.s32 s10, $0x1;
	s10 =	sld [smem:$0x3FB6];
	_ =	sdelay $0x3  }
0x34: {  	[smem:$0x3FB6] =	sst s10  }
0x35: {  	s10 =	sld [smem:$0x3FB5];
	_ =	sdelay $0x3  }
0x36: {  	p1 =	seq.s32 s10, $0x1;
	s10 =	sld [smem:$0x3FB6];
	_ =	sdelay $0x3  }
0x37: {  	[smem:$0x3FB6] =	sst s10  }
0x38: {  	s10 =	sld [smem:$0x3FB7]  }
0x39: {  	_ = 	snop;
	(pc) =	sbr.ind lr, $3  }
0x3a: {  	_ = 	snop  }
0x3b: {  	_ = 	snop  }
0x3c: {  	p2 =	seq.s32 s10, $0x1;
	s10 =	sld [smem:$0x3FB6]  }
0x3d: {  	_ =	shalt  }
0x3e: {  	_ =	shalt  }
0x3f: {  	_ =	shalt  }
0x40: {  	_ =	shalt  }
0x41: {  	_ =	shalt  }
0x42: {  	_ =	shalt  }
0x43: {  	_ =	shalt  }
0x44: {  	_ =	shalt  }
0x45: {  	_ =	shalt  }
0x46: {  	_ =	shalt  }
0x47: {  	_ =	shalt  }
0x48: {  	_ =	shalt  }
0x49: {  	_ =	shalt  }
0x4a: {  	_ =	shalt  }
0x4b: {  	_ =	shalt  }
0x4c: {  	_ =	shalt  }
0x4d: {  	_ =	shalt  }
0x4e: {  	_ =	shalt  }
0x4f: {  	_ =	shalt  }
0x50: {  	_ =	shalt  }
0x51: {  	_ =	shalt  }
0x52: {  	_ =	shalt  }
0x53: {  	_ =	shalt  }
0x54: {  	_ =	shalt  }
0x55: {  	_ =	shalt  }
0x56: {  	_ =	shalt  }
0x57: {  	_ =	shalt  }
0x58: {  	_ =	shalt  }
0x59: {  	_ =	shalt  }
0x5a: {  	_ =	shalt  }
0x5b: {  	_ =	shalt  }
0x5c: {  	_ =	shalt  }
0x5d: {  	_ =	shalt  }
0x5e: {  	_ =	shalt  }
0x5f: {  	_ =	shalt  }
0x60: {  	_ =	shalt  }
0x61: {  	_ =	shalt  }
0x62: {  	_ =	shalt  }
0x63: {  	_ =	shalt  }
0x64: {  	_ =	shalt  }
0x65: {  	_ =	shalt  }
0x66: {  	_ =	shalt  }
0x67: {  	_ =	shalt  }
0x68: {  	_ =	shalt  }
0x69: {  	_ =	shalt  }
0x6a: {  	_ =	shalt  }
0x6b: {  	_ =	shalt  }
0x6c: {  	_ =	shalt  }
0x6d: {  	_ =	shalt  }
0x6e: {  	_ =	shalt  }
0x6f: {  	_ =	shalt  }
0x70: {  	_ =	shalt  }
0x71: {  	_ =	shalt  }
0x72: {  	_ =	shalt  }
0x73: {  	_ =	shalt  }
0x74: {  	_ =	shalt  }
0x75: {  	_ =	shalt  }
0x76: {  	_ =	shalt  }
0x77: {  	_ =	shalt  }
0x78: {  	_ =	shalt  }
0x79: {  	_ =	shalt  }
0x7a: {  	_ =	shalt  }
0x7b: {  	_ =	shalt  }
0x7c: {  	_ =	shalt  }
0x7d: {  	_ =	shalt  }
0x7e: {  	_ =	shalt  }
0x7f: {  	_ =	shalt  }
0x80: {  	_ =	shalt  }
0x81: {  	_ =	shalt  }
0x82: {  	_ =	shalt  }
0x83: {  	_ =	shalt  }
0x84: {  	_ =	shalt  }
0x85: {  	_ =	shalt  }
0x86: {  	_ =	shalt  }
0x87: {  	_ =	shalt  }
.Lfunc_end0:
.L_simem_size_0:
called_computation_lowered:
.L_overlay_start_0:
0x88: {  	s2 =	sld [smem:$0x3FD9]  }
0x89: {  	s3 =	sld [smem:$0x3FFE];
	_ =	sdelay $0x1  }
0x8a: {  	s1 =	srdreg.scid  }
0x8b: {  	s0 =	sand.u32 $0x1, s1  }
0x8c: {  	s17 =	sshll.u32 s0, $0xA;
	s2 =	sadd.s32 s3, s2  }
0x8d: {  	s2 =	sadd.s32 s2, s17  }
0x8e: {  	[smem:$0x3FC2] =	sst s2  }
0x8f: {  	_ = 	snop  }
0x90: {  	s18 =	sld [smem:$0x3FD0];
	(tm) =	ssettm $0x1  }
0x91: {  	s19 =	sld [smem:$0x3FFB];
	_ =	sdelay $0x3  }
0x92: {  	_ =	strace s19  }
0x93: {  	s2 =	sld [smem:$0x3FFC];
	_ =	sdelay $0x3  }
0x94: {  	_ =	strace s2  }
0x95: {  	s2 =	sld [smem:$0x3FFD];
	_ =	sdelay $0x3  }
0x96: {  	_ =	strace s2  }
0x97: {  	_ =	strace $0x8FFFFFFF  }
0x98: {  	s20 =	sld [smem:$0x3FDB];
	_ =	sdelay $0x1  }
0x99: {  	s4 =	simm.s32 $_scs_section_size  }
0x9a: {  	s5 =	simm.s32 $_size__tile_overlayer_lowered;
	s6 =	simm.s32 $_tile_overlayer_lowered  }
0x9b: {  	s7 =	simm.s32 $0x1BFF;
	s21 =	sshll.u32 s6, $0x1;
	s4 =	sadd.s32 s4, s20  }
0x9c: {  	s22 =	simm.s32 $0x0;
	s5 =	sshll.u32 s5, $0x1;
	s6 =	sadd.s32 s21, s4  }
0x9d: {  	[timem:s22], [sflag:s7] =	dma.local [hbm:s6], s5  }
0x9e: {  	_ =	swait.ge [sflag:s7], s5  }
0x9f: {  	s5 =	ssub.s32 $0x0, s5;
	[sflag:s7] =	ssyncset.done $0x0  }
0xa0: {  	[sflag:s7] =	ssyncadd.s32 s5;
	_ =	sdelay $0x1  }
0xa1: {  	s23 =	simm.s32 $0x1B8B  }
0xa2: {  	_ =	swait.ge [sflag:s23], $0x1  }
0xa3: {  	[sflag:s23] =	ssyncset.done $0x0  }
0xa4: {  	[sflag:s23] =	ssyncadd.s32 $0xFFFFFFFF  }
0xa5: {  	s5 =	sld [smem:$0x0]  }
0xa6: {  	s6 =	sand.u32 $0xFFFFFFFE, s1  }
0xa7: {  	p0 =	sne.s32 s1, s6  }
0xa8: {  	s6 =	sshll.u32 @p0 s6, $0xE  }
0xa9: {  	s6 =	sadd.s32 @p0 $0x11B8D, s6;
	s7 =	sshll.u32 @p0 s5, $0x11  }
0xaa: {  	s6 =	sor.u32 @p0 s7, s6  }
0xab: {  	[sflag:s6] =	ssyncadd.remote.s32 @p0 $0x1;
	_ =	sdelay $0x1  }
0xac: {  	s6 =	simm.s32 @p0 $0x1B8D  }
0xad: {  	_ =	swait.eq @p0 [sflag:s6], $0x1  }
0xae: {  	[sflag:s6] =	ssyncadd.s32 @p0 $0xFFFFFFFF  }
0xaf: {  	s7 =	sshll.u32 @!p0 s1, $0xE  }
0xb0: {  	s7 =	sor.u32 @!p0 $0x4000, s7;
	s6 =	simm.s32 @!p0 $0x1B8D  }
0xb1: {  	s8 =	sshll.u32 @!p0 s5, $0x11;
	s7 =	sadd.s32 @!p0 $0x11B8D, s7;
	_ =	swait.eq @!p0 [sflag:s6], $0x1  }
0xb2: {  	[sflag:s6] =	ssyncadd.s32 @!p0 $0xFFFFFFFF;
	s6 =	sor.u32 @!p0 s8, s7  }
0xb3: {  	s25 =	simm.s32 $0x1B8E;
	s24 =	sld [smem:$0x3FFE];
	[sflag:s6] =	ssyncadd.remote.s32 @!p0 $0x1  }
0xb4: {  	s26 =	simm.s32 $execute0_lowered;
	[smem:$0x3FD2] =	sst s25  }
0xb5: {  	s7 =	sshll.u32 s26, $0x1;
	_ =	strace $0x80000049;
	[dreg:$0x1] =	wrdreg $0xFFFFFFFF  }
0xb6: {  	s28 =	simm.s32 $_size_execute0_lowered;
	s4 =	sadd.s32 s4, s7;
	[dreg:$0x0] =	wrdreg $0x0  }
0xb7: {  	s7 =	sshll.u32 s28, $0x1;
	[dreg:$0x2] =	wrdreg s4  }
0xb8: {  	[dreg:$0x3] =	wrdreg s7  }
0xb9: {  	[dreg:$0x4] =	wrdreg $0xC0  }
0xba: {  	_ =	task [dreg:s22], $0x5FFFF  }
0xbb: {  	[dreg:$0x1] =	wrdreg $0xFFFFFFFF  }
0xbc: {  	[dreg:$0x0] =	wrdreg $0x60  }
0xbd: {  	[dreg:$0x2] =	wrdreg s24  }
0xbe: {  	[dreg:$0x3] =	wrdreg s18  }
0xbf: {  	[dreg:$0x4] =	wrdreg s1  }
0xc0: {  	[dreg:$0x5] =	wrdreg s5  }
0xc1: {  	[dreg:$0x6] =	wrdreg $0x9  }
0xc2: {  	_ =	task.clear_ibuf [dreg:s22], $0x7FFFF;
	_ =	strace $0x90000049  }
0xc3: {  	s29 =	simm.s32 $0x9;
	_ =	strace $0x8000004B  }
0xc4: {  	_ =	swait.ge [sflag:s29], $0x1  }
0xc5: {  	[sflag:s29] =	ssyncadd.s32 $0xFFFFFFFF  }
0xc6: {  	_ =	strace $0x9000004B  }
0xc7: {  	_ =	sfence  }
0xc8: {  	s30 =	sld [smem:$0x0];
	_ =	sdelay $0x2  }
0xc9: {  	s31 =	sshll.u32 s1, $0xD;
	s1 =	sshrl.u32 s1, $0x2  }
0xca: {  	s4 =	sand.u32 $0x4000, s31;
	s1 =	sadd.s32 s1, s30  }
0xcb: {  	s0 =	sor.u32 s4, s0;
	s1 =	sshll.u32 s1, $0x11  }
0xcc: {  	s0 =	sor.u32 s1, s0  }
0xcd: {  	s0 =	sadd.s32 $0x8F2B, s0  }
0xce: {  	[sflag:s0] =	ssyncadd.remote.s32 $0x1  }
0xcf: {  	_ =	sfence.sel $0xFFFF  }
0xd0: {  	[dreg:$0x0] =	wrdreg $0xFFFFFFFF;
	(pc) =	sbr.abs _section_cstart, $3  }
0xd1: {  	[dreg:$0x1] =	wrdreg $0xFFFFFFFF  }
0xd2: {  	_ =	task.clear_ibuf [dreg:s22], $0x2FFFF;
	_ =	strace $0x9FFFFFFF  }
0xd3: {  	(tm) =	ssettm $0x7FFFFFFF  }
tec
execute0_lowered:
.L_overlay_start_1:
0x0: {  	(tag) =	ssettag $0x1  }
0x1: {  	s8 =	rddreg [dreg:$0x0]  }
0x2: {  	s3 =	rddreg [dreg:$0x1]  }
0x3: {  	s2 =	rddreg [dreg:$0x2];
	_ =	strace $0x8000004A;
	s4 =	simm.s32 $0x1  }
0x4: {  	v0 =	vimm.s32 $0x0;
	[sflag:s4] =	ssyncpa.u1 $0x0  }
0x5: {  	[tilespmem:$0x48] =	vst v0  }
0x6: {  	[tilespmem:$0x58] =	vst v0  }
0x7: {  	[tilespmem:$0x68] =	vst v0  }
0x8: {  	[tilespmem:$0x78] =	vst v0  }
0x9: {  	[tilespmem:$0x88] =	vst v0  }
0xa: {  	[tilespmem:$0x98] =	vst v0  }
0xb: {  	[tilespmem:$0xA8] =	vst v0  }
0xc: {  	[tilespmem:$0xB8] =	vst v0  }
0xd: {  	[tilespmem:$0xC8] =	vst v0  }
0xe: {  	[tilespmem:$0xD8] =	vst v0  }
0xf: {  	[tilespmem:$0xE8] =	vst v0  }
0x10: {  	[tilespmem:$0xF8] =	vst v0  }
0x11: {  	[tilespmem:$0x108] =	vst v0  }
0x12: {  	[tilespmem:$0x118] =	vst v0  }
0x13: {  	[tilespmem:$0x128] =	vst v0  }
0x14: {  	[tilespmem:$0x138] =	vst v0  }
0x15: {  	[tilespmem:$0x148] =	vst v0  }
0x16: {  	[tilespmem:$0x158] =	vst v0  }
0x17: {  	[tilespmem:$0x168] =	vst v0  }
0x18: {  	[tilespmem:$0x178] =	vst v0  }
0x19: {  	[tilespmem:$0x188] =	vst v0  }
0x1a: {  	[tilespmem:$0x198] =	vst v0  }
0x1b: {  	[tilespmem:$0x1A8] =	vst v0  }
0x1c: {  	[tilespmem:$0x1B8] =	vst v0  }
0x1d: {  	[tilespmem:$0x1C8] =	vst v0  }
0x1e: {  	[tilespmem:$0x1D8] =	vst v0  }
0x1f: {  	[tilespmem:$0x1E8] =	vst v0  }
0x20: {  	[tilespmem:$0x1F8] =	vst v0  }
0x21: {  	[tilespmem:$0x208] =	vst v0  }
0x22: {  	[tilespmem:$0x218] =	vst v0  }
0x23: {  	[tilespmem:$0x228] =	vst v0  }
0x24: {  	[tilespmem:$0x238] =	vst v0  }
0x25: {  	[tilespmem:$0x248] =	vst v0  }
0x26: {  	[tilespmem:$0x258] =	vst v0  }
0x27: {  	[tilespmem:$0x268] =	vst v0  }
0x28: {  	[tilespmem:$0x278] =	vst v0  }
0x29: {  	[tilespmem:$0x288] =	vst v0  }
0x2a: {  	[tilespmem:$0x298] =	vst v0  }
0x2b: {  	[tilespmem:$0x2A8] =	vst v0  }
0x2c: {  	[tilespmem:$0x2B8] =	vst v0  }
0x2d: {  	[tilespmem:$0x2C8] =	vst v0  }
0x2e: {  	[tilespmem:$0x2D8] =	vst v0  }
0x2f: {  	[tilespmem:$0x2E8] =	vst v0  }
0x30: {  	[tilespmem:$0x2F8] =	vst v0  }
0x31: {  	[tilespmem:$0x308] =	vst v0  }
0x32: {  	[tilespmem:$0x318] =	vst v0  }
0x33: {  	[tilespmem:$0x328] =	vst v0  }
0x34: {  	[tilespmem:$0x338] =	vst v0  }
0x35: {  	[tilespmem:$0x348] =	vst v0  }
0x36: {  	[tilespmem:$0x358] =	vst v0  }
0x37: {  	[tilespmem:$0x368] =	vst v0  }
0x38: {  	[tilespmem:$0x378] =	vst v0  }
0x39: {  	[tilespmem:$0x388] =	vst v0  }
0x3a: {  	[tilespmem:$0x398] =	vst v0  }
0x3b: {  	[tilespmem:$0x3A8] =	vst v0  }
0x3c: {  	[tilespmem:$0x3B8] =	vst v0  }
0x3d: {  	[tilespmem:$0x3C8] =	vst v0  }
0x3e: {  	[tilespmem:$0x3D8] =	vst v0  }
0x3f: {  	[tilespmem:$0x3E8] =	vst v0  }
0x40: {  	[tilespmem:$0x3F8] =	vst v0  }
0x41: {  	[tilespmem:$0x408] =	vst v0  }
0x42: {  	[tilespmem:$0x418] =	vst v0  }
0x43: {  	[tilespmem:$0x428] =	vst v0  }
0x44: {  	[tilespmem:$0x438] =	vst v0  }
0x45: {  	[tilespmem:$0x448] =	vst v0  }
0x46: {  	[tilespmem:$0x458] =	vst v0  }
0x47: {  	[tilespmem:$0x468] =	vst v0  }
0x48: {  	[tilespmem:$0x478] =	vst v0  }
0x49: {  	[tilespmem:$0x488] =	vst v0  }
0x4a: {  	[tilespmem:$0x498] =	vst v0  }
0x4b: {  	[tilespmem:$0x4A8] =	vst v0  }
0x4c: {  	[tilespmem:$0x4B8] =	vst v0  }
0x4d: {  	[tilespmem:$0x4C8] =	vst v0  }
0x4e: {  	[tilespmem:$0x4D8] =	vst v0  }
0x4f: {  	[tilespmem:$0x4E8] =	vst v0  }
0x50: {  	[tilespmem:$0x4F8] =	vst v0  }
0x51: {  	[tilespmem:$0x508] =	vst v0  }
0x52: {  	[tilespmem:$0x518] =	vst v0  }
0x53: {  	[tilespmem:$0x528] =	vst v0  }
0x54: {  	[tilespmem:$0x538] =	vst v0  }
0x55: {  	[tilespmem:$0x548] =	vst v0  }
0x56: {  	[tilespmem:$0x558] =	vst v0  }
0x57: {  	[tilespmem:$0x568] =	vst v0  }
0x58: {  	[tilespmem:$0x578] =	vst v0  }
0x59: {  	[tilespmem:$0x588] =	vst v0  }
0x5a: {  	[tilespmem:$0x598] =	vst v0  }
0x5b: {  	[tilespmem:$0x5A8] =	vst v0  }
0x5c: {  	[tilespmem:$0x5B8] =	vst v0  }
0x5d: {  	[tilespmem:$0x5C8] =	vst v0  }
0x5e: {  	[tilespmem:$0x5D8] =	vst v0  }
0x5f: {  	[tilespmem:$0x5E8] =	vst v0  }
0x60: {  	[tilespmem:$0x5F8] =	vst v0  }
0x61: {  	[tilespmem:$0x608] =	vst v0  }
0x62: {  	[tilespmem:$0x618] =	vst v0  }
0x63: {  	[tilespmem:$0x628] =	vst v0  }
0x64: {  	[tilespmem:$0x638] =	vst v0  }
0x65: {  	[tilespmem:$0x648] =	vst v0  }
0x66: {  	[tilespmem:$0x658] =	vst v0  }
0x67: {  	[tilespmem:$0x668] =	vst v0  }
0x68: {  	[tilespmem:$0x678] =	vst v0  }
0x69: {  	[tilespmem:$0x688] =	vst v0  }
0x6a: {  	[tilespmem:$0x698] =	vst v0  }
0x6b: {  	[tilespmem:$0x6A8] =	vst v0  }
0x6c: {  	[tilespmem:$0x6B8] =	vst v0  }
0x6d: {  	[tilespmem:$0x6C8] =	vst v0  }
0x6e: {  	[tilespmem:$0x6D8] =	vst v0  }
0x6f: {  	[tilespmem:$0x6E8] =	vst v0  }
0x70: {  	[tilespmem:$0x6F8] =	vst v0  }
0x71: {  	[tilespmem:$0x708] =	vst v0  }
0x72: {  	[tilespmem:$0x718] =	vst v0  }
0x73: {  	[tilespmem:$0x728] =	vst v0  }
0x74: {  	[tilespmem:$0x738] =	vst v0  }
0x75: {  	[tilespmem:$0x748] =	vst v0  }
0x76: {  	[tilespmem:$0x758] =	vst v0  }
0x77: {  	[tilespmem:$0x768] =	vst v0  }
0x78: {  	[tilespmem:$0x778] =	vst v0  }
0x79: {  	[tilespmem:$0x788] =	vst v0  }
0x7a: {  	[tilespmem:$0x798] =	vst v0  }
0x7b: {  	[tilespmem:$0x7A8] =	vst v0  }
0x7c: {  	[tilespmem:$0x7B8] =	vst v0  }
0x7d: {  	[tilespmem:$0x7C8] =	vst v0  }
0x7e: {  	[tilespmem:$0x7D8] =	vst v0  }
0x7f: {  	[tilespmem:$0x7E8] =	vst v0  }
0x80: {  	[tilespmem:$0x7F8] =	vst v0  }
0x81: {  	[tilespmem:$0x808] =	vst v0  }
0x82: {  	[tilespmem:$0x818] =	vst v0  }
0x83: {  	[tilespmem:$0x828] =	vst v0  }
0x84: {  	[tilespmem:$0x838] =	vst v0  }
0x85: {  	[tilespmem:$0x848] =	vst v0  }
0x86: {  	[tilespmem:$0x858] =	vst v0  }
0x87: {  	[tilespmem:$0x868] =	vst v0  }
0x88: {  	[tilespmem:$0x878] =	vst v0  }
0x89: {  	[tilespmem:$0x888] =	vst v0  }
0x8a: {  	[tilespmem:$0x898] =	vst v0  }
0x8b: {  	[tilespmem:$0x8A8] =	vst v0  }
0x8c: {  	[tilespmem:$0x8B8] =	vst v0  }
0x8d: {  	[tilespmem:$0x8C8] =	vst v0  }
0x8e: {  	[tilespmem:$0x8D8] =	vst v0  }
0x8f: {  	[tilespmem:$0x8E8] =	vst v0  }
0x90: {  	[tilespmem:$0x8F8] =	vst v0  }
0x91: {  	[tilespmem:$0x908] =	vst v0  }
0x92: {  	[tilespmem:$0x918] =	vst v0  }
0x93: {  	[tilespmem:$0x928] =	vst v0  }
0x94: {  	[tilespmem:$0x938] =	vst v0  }
0x95: {  	[tilespmem:$0x948] =	vst v0  }
0x96: {  	[tilespmem:$0x958] =	vst v0  }
0x97: {  	[tilespmem:$0x968] =	vst v0  }
0x98: {  	[tilespmem:$0x978] =	vst v0  }
0x99: {  	[tilespmem:$0x988] =	vst v0  }
0x9a: {  	[tilespmem:$0x998] =	vst v0  }
0x9b: {  	[tilespmem:$0x9A8] =	vst v0  }
0x9c: {  	[tilespmem:$0x9B8] =	vst v0  }
0x9d: {  	[tilespmem:$0x9C8] =	vst v0  }
0x9e: {  	[tilespmem:$0x9D8] =	vst v0  }
0x9f: {  	[tilespmem:$0x9E8] =	vst v0  }
0xa0: {  	[tilespmem:$0x9F8] =	vst v0  }
0xa1: {  	[tilespmem:$0xA08] =	vst v0  }
0xa2: {  	[tilespmem:$0xA18] =	vst v0  }
0xa3: {  	[tilespmem:$0xA28] =	vst v0  }
0xa4: {  	[tilespmem:$0xA38] =	vst v0  }
0xa5: {  	[tilespmem:$0xA48] =	vst v0  }
0xa6: {  	[tilespmem:$0xA58] =	vst v0  }
0xa7: {  	[tilespmem:$0xA68] =	vst v0  }
0xa8: {  	[tilespmem:$0xA78] =	vst v0  }
0xa9: {  	[tilespmem:$0xA88] =	vst v0  }
0xaa: {  	[tilespmem:$0xA98] =	vst v0  }
0xab: {  	[tilespmem:$0xAA8] =	vst v0  }
0xac: {  	[tilespmem:$0xAB8] =	vst v0  }
0xad: {  	[tilespmem:$0xAC8] =	vst v0  }
0xae: {  	[tilespmem:$0xAD8] =	vst v0  }
0xaf: {  	[tilespmem:$0xAE8] =	vst v0  }
0xb0: {  	[tilespmem:$0xAF8] =	vst v0  }
0xb1: {  	[tilespmem:$0xB08] =	vst v0  }
0xb2: {  	[tilespmem:$0xB18] =	vst v0  }
0xb3: {  	[tilespmem:$0xB28] =	vst v0  }
0xb4: {  	[tilespmem:$0xB38] =	vst v0  }
0xb5: {  	[tilespmem:$0xB48] =	vst v0  }
0xb6: {  	[tilespmem:$0xB58] =	vst v0  }
0xb7: {  	[tilespmem:$0xB68] =	vst v0  }
0xb8: {  	[tilespmem:$0xB78] =	vst v0  }
0xb9: {  	[tilespmem:$0xB88] =	vst v0  }
0xba: {  	[tilespmem:$0xB98] =	vst v0  }
0xbb: {  	[tilespmem:$0xBA8] =	vst v0  }
0xbc: {  	[tilespmem:$0xBB8] =	vst v0  }
0xbd: {  	[tilespmem:$0xBC8] =	vst v0  }
0xbe: {  	[tilespmem:$0xBD8] =	vst v0  }
0xbf: {  	[tilespmem:$0xBE8] =	vst v0  }
0xc0: {  	[tilespmem:$0xBF8] =	vst v0  }
0xc1: {  	[tilespmem:$0xC08] =	vst v0  }
0xc2: {  	[tilespmem:$0xC18] =	vst v0  }
0xc3: {  	[tilespmem:$0xC28] =	vst v0  }
0xc4: {  	[tilespmem:$0xC38] =	vst v0  }
0xc5: {  	[tilespmem:$0xC48] =	vst v0  }
0xc6: {  	[tilespmem:$0xC58] =	vst v0  }
0xc7: {  	[tilespmem:$0xC68] =	vst v0  }
0xc8: {  	[tilespmem:$0xC78] =	vst v0  }
0xc9: {  	[tilespmem:$0xC88] =	vst v0  }
0xca: {  	[tilespmem:$0xC98] =	vst v0  }
0xcb: {  	[tilespmem:$0xCA8] =	vst v0  }
0xcc: {  	[tilespmem:$0xCB8] =	vst v0  }
0xcd: {  	[tilespmem:$0xCC8] =	vst v0  }
0xce: {  	[tilespmem:$0xCD8] =	vst v0  }
0xcf: {  	[tilespmem:$0xCE8] =	vst v0  }
0xd0: {  	[tilespmem:$0xCF8] =	vst v0  }
0xd1: {  	[tilespmem:$0xD08] =	vst v0  }
0xd2: {  	[tilespmem:$0xD18] =	vst v0  }
0xd3: {  	[tilespmem:$0xD28] =	vst v0  }
0xd4: {  	[tilespmem:$0xD38] =	vst v0  }
0xd5: {  	[tilespmem:$0xD48] =	vst v0  }
0xd6: {  	[tilespmem:$0xD58] =	vst v0  }
0xd7: {  	[tilespmem:$0xD68] =	vst v0  }
0xd8: {  	[tilespmem:$0xD78] =	vst v0  }
0xd9: {  	[tilespmem:$0xD88] =	vst v0  }
0xda: {  	[tilespmem:$0xD98] =	vst v0  }
0xdb: {  	[tilespmem:$0xDA8] =	vst v0  }
0xdc: {  	[tilespmem:$0xDB8] =	vst v0  }
0xdd: {  	[tilespmem:$0xDC8] =	vst v0  }
0xde: {  	[tilespmem:$0xDD8] =	vst v0  }
0xdf: {  	[tilespmem:$0xDE8] =	vst v0  }
0xe0: {  	[tilespmem:$0xDF8] =	vst v0  }
0xe1: {  	[tilespmem:$0xE08] =	vst v0  }
0xe2: {  	[tilespmem:$0xE18] =	vst v0  }
0xe3: {  	[tilespmem:$0xE28] =	vst v0  }
0xe4: {  	[tilespmem:$0xE38] =	vst v0  }
0xe5: {  	[tilespmem:$0xE48] =	vst v0  }
0xe6: {  	[tilespmem:$0xE58] =	vst v0  }
0xe7: {  	[tilespmem:$0xE68] =	vst v0  }
0xe8: {  	[tilespmem:$0xE78] =	vst v0  }
0xe9: {  	[tilespmem:$0xE88] =	vst v0  }
0xea: {  	[tilespmem:$0xE98] =	vst v0  }
0xeb: {  	[tilespmem:$0xEA8] =	vst v0  }
0xec: {  	[tilespmem:$0xEB8] =	vst v0  }
0xed: {  	[tilespmem:$0xEC8] =	vst v0  }
0xee: {  	[tilespmem:$0xED8] =	vst v0  }
0xef: {  	[tilespmem:$0xEE8] =	vst v0  }
0xf0: {  	[tilespmem:$0xEF8] =	vst v0  }
0xf1: {  	[tilespmem:$0xF08] =	vst v0  }
0xf2: {  	[tilespmem:$0xF18] =	vst v0  }
0xf3: {  	[tilespmem:$0xF28] =	vst v0  }
0xf4: {  	[tilespmem:$0xF38] =	vst v0  }
0xf5: {  	[tilespmem:$0xF48] =	vst v0  }
0xf6: {  	[tilespmem:$0xF58] =	vst v0  }
0xf7: {  	[tilespmem:$0xF68] =	vst v0  }
0xf8: {  	[tilespmem:$0xF78] =	vst v0  }
0xf9: {  	[tilespmem:$0xF88] =	vst v0  }
0xfa: {  	[tilespmem:$0xF98] =	vst v0  }
0xfb: {  	[tilespmem:$0xFA8] =	vst v0  }
0xfc: {  	[tilespmem:$0xFB8] =	vst v0  }
0xfd: {  	[tilespmem:$0xFC8] =	vst v0  }
0xfe: {  	[tilespmem:$0xFD8] =	vst v0  }
0xff: {  	[tilespmem:$0xFE8] =	vst v0  }
0x100: {  	[tilespmem:$0xFF8] =	vst v0  }
0x101: {  	[tilespmem:$0x1008] =	vst v0  }
0x102: {  	[tilespmem:$0x1018] =	vst v0  }
0x103: {  	[tilespmem:$0x1028] =	vst v0  }
0x104: {  	[tilespmem:$0x1168] =	vst v0  }
0x105: {  	[tilespmem:$0x1038] =	vst v0  }
0x106: {  	[tilespmem:$0x1048] =	vst v0  }
0x107: {  	[tilespmem:$0x1058] =	vst v0  }
0x108: {  	[tilespmem:$0x1068] =	vst v0  }
0x109: {  	[tilespmem:$0x1078] =	vst v0  }
0x10a: {  	[tilespmem:$0x1088] =	vst v0  }
0x10b: {  	[tilespmem:$0x1098] =	vst v0  }
0x10c: {  	[tilespmem:$0x10A8] =	vst v0  }
0x10d: {  	[tilespmem:$0x10B8] =	vst v0  }
0x10e: {  	[tilespmem:$0x10C8] =	vst v0  }
0x10f: {  	[tilespmem:$0x10D8] =	vst v0  }
0x110: {  	[tilespmem:$0x10E8] =	vst v0  }
0x111: {  	[tilespmem:$0x10F8] =	vst v0  }
0x112: {  	[tilespmem:$0x1108] =	vst v0  }
0x113: {  	[tilespmem:$0x1118] =	vst v0  }
0x114: {  	[tilespmem:$0x1128] =	vst v0  }
0x115: {  	[tilespmem:$0x1138] =	vst v0  }
0x116: {  	[tilespmem:$0x1148] =	vst v0  }
0x117: {  	[tilespmem:$0x1158] =	vst v0  }
0x118: {  	[tilespmem:$0x1178] =	vst v0  }
0x119: {  	[tilespmem:$0x1188] =	vst v0  }
0x11a: {  	[tilespmem:$0x1198] =	vst v0  }
0x11b: {  	[tilespmem:$0x11A8] =	vst v0  }
0x11c: {  	[tilespmem:$0x11B8] =	vst v0  }
0x11d: {  	[tilespmem:$0x11C8] =	vst v0  }
0x11e: {  	[tilespmem:$0x11D8] =	vst v0  }
0x11f: {  	[tilespmem:$0x11E8] =	vst v0  }
0x120: {  	[tilespmem:$0x11F8] =	vst v0  }
0x121: {  	[tilespmem:$0x1208] =	vst v0  }
0x122: {  	[tilespmem:$0x1218] =	vst v0  }
0x123: {  	[tilespmem:$0x1228] =	vst v0  }
0x124: {  	[tilespmem:$0x1238] =	vst v0  }
0x125: {  	[tilespmem:$0x1248] =	vst v0  }
0x126: {  	[tilespmem:$0x1258] =	vst v0  }
0x127: {  	[tilespmem:$0x1268] =	vst v0  }
0x128: {  	[tilespmem:$0x1278] =	vst v0  }
0x129: {  	[tilespmem:$0x1288] =	vst v0  }
0x12a: {  	[tilespmem:$0x1298] =	vst v0  }
0x12b: {  	[tilespmem:$0x12A8] =	vst v0  }
0x12c: {  	[tilespmem:$0x12B8] =	vst v0  }
0x12d: {  	[tilespmem:$0x12C8] =	vst v0  }
0x12e: {  	[tilespmem:$0x12D8] =	vst v0  }
0x12f: {  	[tilespmem:$0x12E8] =	vst v0  }
0x130: {  	[tilespmem:$0x12F8] =	vst v0  }
0x131: {  	[tilespmem:$0x1308] =	vst v0  }
0x132: {  	[tilespmem:$0x1318] =	vst v0  }
0x133: {  	[tilespmem:$0x1328] =	vst v0  }
0x134: {  	[tilespmem:$0x1338] =	vst v0  }
0x135: {  	[tilespmem:$0x1348] =	vst v0  }
0x136: {  	[tilespmem:$0x1358] =	vst v0  }
0x137: {  	[tilespmem:$0x1368] =	vst v0  }
0x138: {  	[tilespmem:$0x1378] =	vst v0  }
0x139: {  	[tilespmem:$0x1388] =	vst v0  }
0x13a: {  	[tilespmem:$0x1398] =	vst v0  }
0x13b: {  	[tilespmem:$0x13A8] =	vst v0  }
0x13c: {  	[tilespmem:$0x13B8] =	vst v0  }
0x13d: {  	[tilespmem:$0x13C8] =	vst v0  }
0x13e: {  	[tilespmem:$0x13D8] =	vst v0  }
0x13f: {  	[tilespmem:$0x13E8] =	vst v0  }
0x140: {  	[tilespmem:$0x13F8] =	vst v0  }
0x141: {  	[tilespmem:$0x1408] =	vst v0  }
0x142: {  	[tilespmem:$0x1418] =	vst v0  }
0x143: {  	[tilespmem:$0x1428] =	vst v0  }
0x144: {  	[tilespmem:$0x1438] =	vst v0  }
0x145: {  	[tilespmem:$0x1448] =	vst v0  }
0x146: {  	[tilespmem:$0x1458] =	vst v0  }
0x147: {  	[tilespmem:$0x1468] =	vst v0  }
0x148: {  	[tilespmem:$0x1478] =	vst v0  }
0x149: {  	[tilespmem:$0x1488] =	vst v0  }
0x14a: {  	[tilespmem:$0x1498] =	vst v0  }
0x14b: {  	[tilespmem:$0x14A8] =	vst v0  }
0x14c: {  	[tilespmem:$0x14B8] =	vst v0  }
0x14d: {  	[tilespmem:$0x14C8] =	vst v0  }
0x14e: {  	[tilespmem:$0x14D8] =	vst v0  }
0x14f: {  	[tilespmem:$0x14E8] =	vst v0  }
0x150: {  	[tilespmem:$0x14F8] =	vst v0  }
0x151: {  	[tilespmem:$0x1508] =	vst v0  }
0x152: {  	[tilespmem:$0x1518] =	vst v0  }
0x153: {  	[tilespmem:$0x1528] =	vst v0  }
0x154: {  	[tilespmem:$0x1538] =	vst v0  }
0x155: {  	[tilespmem:$0x1548] =	vst v0  }
0x156: {  	[tilespmem:$0x1558] =	vst v0  }
0x157: {  	[tilespmem:$0x1568] =	vst v0  }
0x158: {  	[tilespmem:$0x1578] =	vst v0  }
0x159: {  	[tilespmem:$0x1588] =	vst v0  }
0x15a: {  	[tilespmem:$0x1598] =	vst v0  }
0x15b: {  	[tilespmem:$0x15A8] =	vst v0  }
0x15c: {  	[tilespmem:$0x15B8] =	vst v0  }
0x15d: {  	[tilespmem:$0x15C8] =	vst v0  }
0x15e: {  	[tilespmem:$0x15D8] =	vst v0  }
0x15f: {  	[tilespmem:$0x15E8] =	vst v0  }
0x160: {  	[tilespmem:$0x15F8] =	vst v0  }
0x161: {  	[tilespmem:$0x1608] =	vst v0  }
0x162: {  	[tilespmem:$0x1618] =	vst v0  }
0x163: {  	[tilespmem:$0x1628] =	vst v0  }
0x164: {  	[tilespmem:$0x1638] =	vst v0  }
0x165: {  	[tilespmem:$0x1648] =	vst v0  }
0x166: {  	[tilespmem:$0x1658] =	vst v0  }
0x167: {  	[tilespmem:$0x1668] =	vst v0  }
0x168: {  	[tilespmem:$0x1678] =	vst v0  }
0x169: {  	[tilespmem:$0x1688] =	vst v0  }
0x16a: {  	[tilespmem:$0x1698] =	vst v0  }
0x16b: {  	[tilespmem:$0x16A8] =	vst v0  }
0x16c: {  	[tilespmem:$0x16B8] =	vst v0  }
0x16d: {  	[tilespmem:$0x16C8] =	vst v0  }
0x16e: {  	[tilespmem:$0x16D8] =	vst v0  }
0x16f: {  	[tilespmem:$0x16E8] =	vst v0  }
0x170: {  	[tilespmem:$0x16F8] =	vst v0  }
0x171: {  	[tilespmem:$0x1708] =	vst v0  }
0x172: {  	[tilespmem:$0x1718] =	vst v0  }
0x173: {  	[tilespmem:$0x1728] =	vst v0  }
0x174: {  	[tilespmem:$0x1738] =	vst v0  }
0x175: {  	[tilespmem:$0x1748] =	vst v0  }
0x176: {  	[tilespmem:$0x1758] =	vst v0  }
0x177: {  	[tilespmem:$0x1768] =	vst v0  }
0x178: {  	[tilespmem:$0x1778] =	vst v0  }
0x179: {  	[tilespmem:$0x1788] =	vst v0  }
0x17a: {  	[tilespmem:$0x1798] =	vst v0  }
0x17b: {  	[tilespmem:$0x17A8] =	vst v0  }
0x17c: {  	[tilespmem:$0x17B8] =	vst v0  }
0x17d: {  	[tilespmem:$0x17C8] =	vst v0  }
0x17e: {  	[tilespmem:$0x17D8] =	vst v0  }
0x17f: {  	[tilespmem:$0x17E8] =	vst v0  }
0x180: {  	[tilespmem:$0x17F8] =	vst v0  }
0x181: {  	[tilespmem:$0x1808] =	vst v0  }
0x182: {  	[tilespmem:$0x1818] =	vst v0  }
0x183: {  	[tilespmem:$0x1828] =	vst v0  }
0x184: {  	[tilespmem:$0x1838] =	vst v0  }
0x185: {  	[tilespmem:$0x1848] =	vst v0  }
0x186: {  	[tilespmem:$0x1858] =	vst v0  }
0x187: {  	[tilespmem:$0x1868] =	vst v0  }
0x188: {  	[tilespmem:$0x1878] =	vst v0  }
0x189: {  	[tilespmem:$0x1888] =	vst v0  }
0x18a: {  	[tilespmem:$0x1898] =	vst v0  }
0x18b: {  	[tilespmem:$0x18A8] =	vst v0  }
0x18c: {  	[tilespmem:$0x18B8] =	vst v0  }
0x18d: {  	[tilespmem:$0x18C8] =	vst v0  }
0x18e: {  	[tilespmem:$0x18D8] =	vst v0  }
0x18f: {  	[tilespmem:$0x18E8] =	vst v0  }
0x190: {  	[tilespmem:$0x18F8] =	vst v0  }
0x191: {  	[tilespmem:$0x1908] =	vst v0  }
0x192: {  	[tilespmem:$0x1918] =	vst v0  }
0x193: {  	[tilespmem:$0x1928] =	vst v0  }
0x194: {  	[tilespmem:$0x1938] =	vst v0  }
0x195: {  	[tilespmem:$0x1948] =	vst v0  }
0x196: {  	[tilespmem:$0x1958] =	vst v0  }
0x197: {  	[tilespmem:$0x1968] =	vst v0  }
0x198: {  	[tilespmem:$0x1978] =	vst v0  }
0x199: {  	[tilespmem:$0x1988] =	vst v0  }
0x19a: {  	[tilespmem:$0x1998] =	vst v0  }
0x19b: {  	[tilespmem:$0x19A8] =	vst v0  }
0x19c: {  	[tilespmem:$0x19B8] =	vst v0  }
0x19d: {  	[tilespmem:$0x19C8] =	vst v0  }
0x19e: {  	[tilespmem:$0x19D8] =	vst v0  }
0x19f: {  	[tilespmem:$0x19E8] =	vst v0  }
0x1a0: {  	[tilespmem:$0x19F8] =	vst v0  }
0x1a1: {  	[tilespmem:$0x1A08] =	vst v0  }
0x1a2: {  	[tilespmem:$0x1A18] =	vst v0  }
0x1a3: {  	[tilespmem:$0x1A28] =	vst v0  }
0x1a4: {  	[tilespmem:$0x1A38] =	vst v0  }
0x1a5: {  	[tilespmem:$0x1A48] =	vst v0  }
0x1a6: {  	[tilespmem:$0x1A58] =	vst v0  }
0x1a7: {  	[tilespmem:$0x1A68] =	vst v0  }
0x1a8: {  	[tilespmem:$0x1A78] =	vst v0  }
0x1a9: {  	[tilespmem:$0x1A88] =	vst v0  }
0x1aa: {  	[tilespmem:$0x1A98] =	vst v0  }
0x1ab: {  	[tilespmem:$0x1AA8] =	vst v0  }
0x1ac: {  	[tilespmem:$0x1AB8] =	vst v0  }
0x1ad: {  	[tilespmem:$0x1AC8] =	vst v0  }
0x1ae: {  	[tilespmem:$0x1AD8] =	vst v0  }
0x1af: {  	[tilespmem:$0x1AE8] =	vst v0  }
0x1b0: {  	[tilespmem:$0x1AF8] =	vst v0  }
0x1b1: {  	[tilespmem:$0x1B08] =	vst v0  }
0x1b2: {  	[tilespmem:$0x1B18] =	vst v0  }
0x1b3: {  	[tilespmem:$0x1B28] =	vst v0  }
0x1b4: {  	[tilespmem:$0x1B38] =	vst v0  }
0x1b5: {  	[tilespmem:$0x1B48] =	vst v0  }
0x1b6: {  	[tilespmem:$0x1B58] =	vst v0  }
0x1b7: {  	[tilespmem:$0x1B68] =	vst v0  }
0x1b8: {  	[tilespmem:$0x1B78] =	vst v0  }
0x1b9: {  	[tilespmem:$0x1B88] =	vst v0  }
0x1ba: {  	[tilespmem:$0x1B98] =	vst v0  }
0x1bb: {  	[tilespmem:$0x1BA8] =	vst v0  }
0x1bc: {  	[tilespmem:$0x1BB8] =	vst v0  }
0x1bd: {  	[tilespmem:$0x1BC8] =	vst v0  }
0x1be: {  	[tilespmem:$0x1BD8] =	vst v0  }
0x1bf: {  	[tilespmem:$0x1BE8] =	vst v0  }
0x1c0: {  	[tilespmem:$0x1BF8] =	vst v0  }
0x1c1: {  	[tilespmem:$0x1C08] =	vst v0  }
0x1c2: {  	[tilespmem:$0x1C18] =	vst v0  }
0x1c3: {  	[tilespmem:$0x1C28] =	vst v0  }
0x1c4: {  	[tilespmem:$0x1C38] =	vst v0  }
0x1c5: {  	[tilespmem:$0x1C48] =	vst v0  }
0x1c6: {  	[tilespmem:$0x1C58] =	vst v0  }
0x1c7: {  	[tilespmem:$0x1C68] =	vst v0  }
0x1c8: {  	[tilespmem:$0x1C78] =	vst v0  }
0x1c9: {  	[tilespmem:$0x1C88] =	vst v0  }
0x1ca: {  	[tilespmem:$0x1C98] =	vst v0  }
0x1cb: {  	[tilespmem:$0x1CA8] =	vst v0  }
0x1cc: {  	[tilespmem:$0x1CB8] =	vst v0  }
0x1cd: {  	[tilespmem:$0x1CC8] =	vst v0  }
0x1ce: {  	[tilespmem:$0x1CD8] =	vst v0  }
0x1cf: {  	[tilespmem:$0x1CE8] =	vst v0  }
0x1d0: {  	[tilespmem:$0x1CF8] =	vst v0  }
0x1d1: {  	[tilespmem:$0x1D08] =	vst v0  }
0x1d2: {  	[tilespmem:$0x1D18] =	vst v0  }
0x1d3: {  	[tilespmem:$0x1D28] =	vst v0  }
0x1d4: {  	[tilespmem:$0x1D38] =	vst v0  }
0x1d5: {  	[tilespmem:$0x1D48] =	vst v0  }
0x1d6: {  	[tilespmem:$0x1D58] =	vst v0  }
0x1d7: {  	[tilespmem:$0x1D68] =	vst v0  }
0x1d8: {  	[tilespmem:$0x1D78] =	vst v0  }
0x1d9: {  	[tilespmem:$0x1D88] =	vst v0  }
0x1da: {  	[tilespmem:$0x1D98] =	vst v0  }
0x1db: {  	[tilespmem:$0x1DA8] =	vst v0  }
0x1dc: {  	[tilespmem:$0x1DB8] =	vst v0  }
0x1dd: {  	[tilespmem:$0x1DC8] =	vst v0  }
0x1de: {  	[tilespmem:$0x1DD8] =	vst v0  }
0x1df: {  	[tilespmem:$0x1DE8] =	vst v0  }
0x1e0: {  	[tilespmem:$0x1DF8] =	vst v0  }
0x1e1: {  	[tilespmem:$0x1E08] =	vst v0  }
0x1e2: {  	[tilespmem:$0x1E18] =	vst v0  }
0x1e3: {  	[tilespmem:$0x1E28] =	vst v0  }
0x1e4: {  	[tilespmem:$0x1E38] =	vst v0  }
0x1e5: {  	[tilespmem:$0x1E48] =	vst v0  }
0x1e6: {  	[tilespmem:$0x1E58] =	vst v0  }
0x1e7: {  	[tilespmem:$0x1E68] =	vst v0  }
0x1e8: {  	[tilespmem:$0x1E78] =	vst v0  }
0x1e9: {  	[tilespmem:$0x1E88] =	vst v0  }
0x1ea: {  	[tilespmem:$0x1E98] =	vst v0  }
0x1eb: {  	[tilespmem:$0x1EA8] =	vst v0  }
0x1ec: {  	[tilespmem:$0x1EB8] =	vst v0  }
0x1ed: {  	[tilespmem:$0x1EC8] =	vst v0  }
0x1ee: {  	[tilespmem:$0x1ED8] =	vst v0  }
0x1ef: {  	[tilespmem:$0x1EE8] =	vst v0  }
0x1f0: {  	[tilespmem:$0x1EF8] =	vst v0  }
0x1f1: {  	[tilespmem:$0x1F08] =	vst v0  }
0x1f2: {  	[tilespmem:$0x1F18] =	vst v0  }
0x1f3: {  	[tilespmem:$0x1F28] =	vst v0  }
0x1f4: {  	[tilespmem:$0x1F38] =	vst v0  }
0x1f5: {  	[tilespmem:$0x1F48] =	vst v0  }
0x1f6: {  	[tilespmem:$0x1F58] =	vst v0  }
0x1f7: {  	[tilespmem:$0x1F68] =	vst v0  }
0x1f8: {  	[tilespmem:$0x1F78] =	vst v0  }
0x1f9: {  	[tilespmem:$0x1F88] =	vst v0  }
0x1fa: {  	[tilespmem:$0x1F98] =	vst v0  }
0x1fb: {  	[tilespmem:$0x1FA8] =	vst v0  }
0x1fc: {  	[tilespmem:$0x1FB8] =	vst v0  }
0x1fd: {  	[tilespmem:$0x1FC8] =	vst v0  }
0x1fe: {  	[tilespmem:$0x1FD8] =	vst v0  }
0x1ff: {  	[tilespmem:$0x1FE8] =	vst v0  }
0x200: {  	[tilespmem:$0x1FF8] =	vst v0  }
0x201: {  	[tilespmem:$0x2008] =	vst v0  }
0x202: {  	[tilespmem:$0x2018] =	vst v0  }
0x203: {  	[tilespmem:$0x2028] =	vst v0  }
0x204: {  	[tilespmem:$0x2038] =	vst v0  }
0x205: {  	[tilespmem:$0x2048] =	vst v0  }
0x206: {  	[tilespmem:$0x2058] =	vst v0  }
0x207: {  	[tilespmem:$0x2068] =	vst v0  }
0x208: {  	[tilespmem:$0x2078] =	vst v0  }
0x209: {  	[tilespmem:$0x2088] =	vst v0  }
0x20a: {  	[tilespmem:$0x2098] =	vst v0  }
0x20b: {  	[tilespmem:$0x20A8] =	vst v0  }
0x20c: {  	[tilespmem:$0x20B8] =	vst v0  }
0x20d: {  	[tilespmem:$0x20C8] =	vst v0  }
0x20e: {  	[tilespmem:$0x20D8] =	vst v0  }
0x20f: {  	[tilespmem:$0x20E8] =	vst v0  }
0x210: {  	[tilespmem:$0x20F8] =	vst v0  }
0x211: {  	[tilespmem:$0x2108] =	vst v0  }
0x212: {  	[tilespmem:$0x2118] =	vst v0  }
0x213: {  	[tilespmem:$0x2128] =	vst v0  }
0x214: {  	[tilespmem:$0x2138] =	vst v0  }
0x215: {  	[tilespmem:$0x2148] =	vst v0  }
0x216: {  	[tilespmem:$0x2158] =	vst v0  }
0x217: {  	[tilespmem:$0x2168] =	vst v0  }
0x218: {  	[tilespmem:$0x2228] =	vst v0  }
0x219: {  	[tilespmem:$0x3058] =	vst v0  }
0x21a: {  	[tilespmem:$0x3048] =	vst v0  }
0x21b: {  	[tilespmem:$0x3038] =	vst v0  }
0x21c: {  	[tilespmem:$0x3028] =	vst v0  }
0x21d: {  	[tilespmem:$0x3018] =	vst v0  }
0x21e: {  	[tilespmem:$0x3008] =	vst v0  }
0x21f: {  	[tilespmem:$0x2FF8] =	vst v0  }
0x220: {  	[tilespmem:$0x2FE8] =	vst v0  }
0x221: {  	[tilespmem:$0x2FD8] =	vst v0  }
0x222: {  	[tilespmem:$0x2FC8] =	vst v0  }
0x223: {  	[tilespmem:$0x2FB8] =	vst v0  }
0x224: {  	[tilespmem:$0x2FA8] =	vst v0  }
0x225: {  	[tilespmem:$0x2F98] =	vst v0  }
0x226: {  	[tilespmem:$0x2F88] =	vst v0  }
0x227: {  	[tilespmem:$0x2F78] =	vst v0  }
0x228: {  	[tilespmem:$0x2F68] =	vst v0  }
0x229: {  	[tilespmem:$0x2F58] =	vst v0  }
0x22a: {  	[tilespmem:$0x2F48] =	vst v0  }
0x22b: {  	[tilespmem:$0x2F38] =	vst v0  }
0x22c: {  	[tilespmem:$0x2F28] =	vst v0  }
0x22d: {  	[tilespmem:$0x2F18] =	vst v0  }
0x22e: {  	[tilespmem:$0x2F08] =	vst v0  }
0x22f: {  	[tilespmem:$0x2EF8] =	vst v0  }
0x230: {  	[tilespmem:$0x2EE8] =	vst v0  }
0x231: {  	[tilespmem:$0x2ED8] =	vst v0  }
0x232: {  	[tilespmem:$0x2EC8] =	vst v0  }
0x233: {  	[tilespmem:$0x2EB8] =	vst v0  }
0x234: {  	[tilespmem:$0x2EA8] =	vst v0  }
0x235: {  	[tilespmem:$0x2E98] =	vst v0  }
0x236: {  	[tilespmem:$0x2E88] =	vst v0  }
0x237: {  	[tilespmem:$0x2E78] =	vst v0  }
0x238: {  	[tilespmem:$0x2E68] =	vst v0  }
0x239: {  	[tilespmem:$0x2E58] =	vst v0  }
0x23a: {  	[tilespmem:$0x2E48] =	vst v0  }
0x23b: {  	[tilespmem:$0x2E38] =	vst v0  }
0x23c: {  	[tilespmem:$0x2E28] =	vst v0  }
0x23d: {  	[tilespmem:$0x2E18] =	vst v0  }
0x23e: {  	[tilespmem:$0x2E08] =	vst v0  }
0x23f: {  	[tilespmem:$0x2DF8] =	vst v0  }
0x240: {  	[tilespmem:$0x2DE8] =	vst v0  }
0x241: {  	[tilespmem:$0x2DD8] =	vst v0  }
0x242: {  	[tilespmem:$0x2DC8] =	vst v0  }
0x243: {  	[tilespmem:$0x2DB8] =	vst v0  }
0x244: {  	[tilespmem:$0x2DA8] =	vst v0  }
0x245: {  	[tilespmem:$0x2D98] =	vst v0  }
0x246: {  	[tilespmem:$0x2D88] =	vst v0  }
0x247: {  	[tilespmem:$0x2D78] =	vst v0  }
0x248: {  	[tilespmem:$0x2D68] =	vst v0  }
0x249: {  	[tilespmem:$0x2D58] =	vst v0  }
0x24a: {  	[tilespmem:$0x2D48] =	vst v0  }
0x24b: {  	[tilespmem:$0x2D38] =	vst v0  }
0x24c: {  	[tilespmem:$0x2D28] =	vst v0  }
0x24d: {  	[tilespmem:$0x2D18] =	vst v0  }
0x24e: {  	[tilespmem:$0x2D08] =	vst v0  }
0x24f: {  	[tilespmem:$0x2CF8] =	vst v0  }
0x250: {  	[tilespmem:$0x2CE8] =	vst v0  }
0x251: {  	[tilespmem:$0x2CD8] =	vst v0  }
0x252: {  	[tilespmem:$0x2CC8] =	vst v0  }
0x253: {  	[tilespmem:$0x2CB8] =	vst v0  }
0x254: {  	[tilespmem:$0x2CA8] =	vst v0  }
0x255: {  	[tilespmem:$0x2C98] =	vst v0  }
0x256: {  	[tilespmem:$0x2C88] =	vst v0  }
0x257: {  	[tilespmem:$0x2C78] =	vst v0  }
0x258: {  	[tilespmem:$0x2C68] =	vst v0  }
0x259: {  	[tilespmem:$0x2C58] =	vst v0  }
0x25a: {  	[tilespmem:$0x2C48] =	vst v0  }
0x25b: {  	[tilespmem:$0x2C38] =	vst v0  }
0x25c: {  	[tilespmem:$0x2C28] =	vst v0  }
0x25d: {  	[tilespmem:$0x2C18] =	vst v0  }
0x25e: {  	[tilespmem:$0x2C08] =	vst v0  }
0x25f: {  	[tilespmem:$0x2BF8] =	vst v0  }
0x260: {  	[tilespmem:$0x2BE8] =	vst v0  }
0x261: {  	[tilespmem:$0x2BD8] =	vst v0  }
0x262: {  	[tilespmem:$0x2BC8] =	vst v0  }
0x263: {  	[tilespmem:$0x2BB8] =	vst v0  }
0x264: {  	[tilespmem:$0x2BA8] =	vst v0  }
0x265: {  	[tilespmem:$0x2B98] =	vst v0  }
0x266: {  	[tilespmem:$0x2B88] =	vst v0  }
0x267: {  	[tilespmem:$0x2B78] =	vst v0  }
0x268: {  	[tilespmem:$0x2B68] =	vst v0  }
0x269: {  	[tilespmem:$0x2B58] =	vst v0  }
0x26a: {  	[tilespmem:$0x2B48] =	vst v0  }
0x26b: {  	[tilespmem:$0x2B38] =	vst v0  }
0x26c: {  	[tilespmem:$0x2B28] =	vst v0  }
0x26d: {  	[tilespmem:$0x2B18] =	vst v0  }
0x26e: {  	[tilespmem:$0x2B08] =	vst v0  }
0x26f: {  	[tilespmem:$0x2AF8] =	vst v0  }
0x270: {  	[tilespmem:$0x2AE8] =	vst v0  }
0x271: {  	[tilespmem:$0x2AD8] =	vst v0  }
0x272: {  	[tilespmem:$0x2AC8] =	vst v0  }
0x273: {  	[tilespmem:$0x2AB8] =	vst v0  }
0x274: {  	[tilespmem:$0x2AA8] =	vst v0  }
0x275: {  	[tilespmem:$0x2A98] =	vst v0  }
0x276: {  	[tilespmem:$0x2A88] =	vst v0  }
0x277: {  	[tilespmem:$0x2A78] =	vst v0  }
0x278: {  	[tilespmem:$0x2A68] =	vst v0  }
0x279: {  	[tilespmem:$0x2A58] =	vst v0  }
0x27a: {  	[tilespmem:$0x2A48] =	vst v0  }
0x27b: {  	[tilespmem:$0x2A38] =	vst v0  }
0x27c: {  	[tilespmem:$0x2A28] =	vst v0  }
0x27d: {  	[tilespmem:$0x2A18] =	vst v0  }
0x27e: {  	[tilespmem:$0x2A08] =	vst v0  }
0x27f: {  	[tilespmem:$0x29F8] =	vst v0  }
0x280: {  	[tilespmem:$0x29E8] =	vst v0  }
0x281: {  	[tilespmem:$0x29D8] =	vst v0  }
0x282: {  	[tilespmem:$0x29C8] =	vst v0  }
0x283: {  	[tilespmem:$0x29B8] =	vst v0  }
0x284: {  	[tilespmem:$0x29A8] =	vst v0  }
0x285: {  	[tilespmem:$0x2998] =	vst v0  }
0x286: {  	[tilespmem:$0x2988] =	vst v0  }
0x287: {  	[tilespmem:$0x2978] =	vst v0  }
0x288: {  	[tilespmem:$0x2968] =	vst v0  }
0x289: {  	[tilespmem:$0x2958] =	vst v0  }
0x28a: {  	[tilespmem:$0x2948] =	vst v0  }
0x28b: {  	[tilespmem:$0x2938] =	vst v0  }
0x28c: {  	[tilespmem:$0x2928] =	vst v0  }
0x28d: {  	[tilespmem:$0x2918] =	vst v0  }
0x28e: {  	[tilespmem:$0x2908] =	vst v0  }
0x28f: {  	[tilespmem:$0x28F8] =	vst v0  }
0x290: {  	[tilespmem:$0x28E8] =	vst v0  }
0x291: {  	[tilespmem:$0x28D8] =	vst v0  }
0x292: {  	[tilespmem:$0x28C8] =	vst v0  }
0x293: {  	[tilespmem:$0x28B8] =	vst v0  }
0x294: {  	[tilespmem:$0x28A8] =	vst v0  }
0x295: {  	[tilespmem:$0x2898] =	vst v0  }
0x296: {  	[tilespmem:$0x2888] =	vst v0  }
0x297: {  	[tilespmem:$0x2878] =	vst v0  }
0x298: {  	[tilespmem:$0x2868] =	vst v0  }
0x299: {  	[tilespmem:$0x2858] =	vst v0  }
0x29a: {  	[tilespmem:$0x2848] =	vst v0  }
0x29b: {  	[tilespmem:$0x2838] =	vst v0  }
0x29c: {  	[tilespmem:$0x2828] =	vst v0  }
0x29d: {  	[tilespmem:$0x2818] =	vst v0  }
0x29e: {  	[tilespmem:$0x2808] =	vst v0  }
0x29f: {  	[tilespmem:$0x27F8] =	vst v0  }
0x2a0: {  	[tilespmem:$0x27E8] =	vst v0  }
0x2a1: {  	[tilespmem:$0x27D8] =	vst v0  }
0x2a2: {  	[tilespmem:$0x27C8] =	vst v0  }
0x2a3: {  	[tilespmem:$0x27B8] =	vst v0  }
0x2a4: {  	[tilespmem:$0x27A8] =	vst v0  }
0x2a5: {  	[tilespmem:$0x2798] =	vst v0  }
0x2a6: {  	[tilespmem:$0x2788] =	vst v0  }
0x2a7: {  	[tilespmem:$0x2778] =	vst v0  }
0x2a8: {  	[tilespmem:$0x2768] =	vst v0  }
0x2a9: {  	[tilespmem:$0x2758] =	vst v0  }
0x2aa: {  	[tilespmem:$0x2748] =	vst v0  }
0x2ab: {  	[tilespmem:$0x2738] =	vst v0  }
0x2ac: {  	[tilespmem:$0x2728] =	vst v0  }
0x2ad: {  	[tilespmem:$0x2718] =	vst v0  }
0x2ae: {  	[tilespmem:$0x2708] =	vst v0  }
0x2af: {  	[tilespmem:$0x26F8] =	vst v0  }
0x2b0: {  	[tilespmem:$0x26E8] =	vst v0  }
0x2b1: {  	[tilespmem:$0x26D8] =	vst v0  }
0x2b2: {  	[tilespmem:$0x26C8] =	vst v0  }
0x2b3: {  	[tilespmem:$0x26B8] =	vst v0  }
0x2b4: {  	[tilespmem:$0x26A8] =	vst v0  }
0x2b5: {  	[tilespmem:$0x2698] =	vst v0  }
0x2b6: {  	[tilespmem:$0x2688] =	vst v0  }
0x2b7: {  	[tilespmem:$0x2678] =	vst v0  }
0x2b8: {  	[tilespmem:$0x2668] =	vst v0  }
0x2b9: {  	[tilespmem:$0x2658] =	vst v0  }
0x2ba: {  	[tilespmem:$0x2648] =	vst v0  }
0x2bb: {  	[tilespmem:$0x2638] =	vst v0  }
0x2bc: {  	[tilespmem:$0x2628] =	vst v0  }
0x2bd: {  	[tilespmem:$0x2618] =	vst v0  }
0x2be: {  	[tilespmem:$0x2608] =	vst v0  }
0x2bf: {  	[tilespmem:$0x25F8] =	vst v0  }
0x2c0: {  	[tilespmem:$0x25E8] =	vst v0  }
0x2c1: {  	[tilespmem:$0x25D8] =	vst v0  }
0x2c2: {  	[tilespmem:$0x25C8] =	vst v0  }
0x2c3: {  	[tilespmem:$0x25B8] =	vst v0  }
0x2c4: {  	[tilespmem:$0x25A8] =	vst v0  }
0x2c5: {  	[tilespmem:$0x2598] =	vst v0  }
0x2c6: {  	[tilespmem:$0x2588] =	vst v0  }
0x2c7: {  	[tilespmem:$0x2578] =	vst v0  }
0x2c8: {  	[tilespmem:$0x2568] =	vst v0  }
0x2c9: {  	[tilespmem:$0x2558] =	vst v0  }
0x2ca: {  	[tilespmem:$0x2548] =	vst v0  }
0x2cb: {  	[tilespmem:$0x2538] =	vst v0  }
0x2cc: {  	[tilespmem:$0x2528] =	vst v0  }
0x2cd: {  	[tilespmem:$0x2518] =	vst v0  }
0x2ce: {  	[tilespmem:$0x2508] =	vst v0  }
0x2cf: {  	[tilespmem:$0x24F8] =	vst v0  }
0x2d0: {  	[tilespmem:$0x24E8] =	vst v0  }
0x2d1: {  	[tilespmem:$0x24D8] =	vst v0  }
0x2d2: {  	[tilespmem:$0x24C8] =	vst v0  }
0x2d3: {  	[tilespmem:$0x24B8] =	vst v0  }
0x2d4: {  	[tilespmem:$0x24A8] =	vst v0  }
0x2d5: {  	[tilespmem:$0x2498] =	vst v0  }
0x2d6: {  	[tilespmem:$0x2488] =	vst v0  }
0x2d7: {  	[tilespmem:$0x2478] =	vst v0  }
0x2d8: {  	[tilespmem:$0x2468] =	vst v0  }
0x2d9: {  	[tilespmem:$0x2458] =	vst v0  }
0x2da: {  	[tilespmem:$0x2448] =	vst v0  }
0x2db: {  	[tilespmem:$0x2438] =	vst v0  }
0x2dc: {  	[tilespmem:$0x2428] =	vst v0  }
0x2dd: {  	[tilespmem:$0x2418] =	vst v0  }
0x2de: {  	[tilespmem:$0x2408] =	vst v0  }
0x2df: {  	[tilespmem:$0x23F8] =	vst v0  }
0x2e0: {  	[tilespmem:$0x23E8] =	vst v0  }
0x2e1: {  	[tilespmem:$0x23D8] =	vst v0  }
0x2e2: {  	[tilespmem:$0x23C8] =	vst v0  }
0x2e3: {  	[tilespmem:$0x23B8] =	vst v0  }
0x2e4: {  	[tilespmem:$0x23A8] =	vst v0  }
0x2e5: {  	[tilespmem:$0x2398] =	vst v0  }
0x2e6: {  	[tilespmem:$0x2388] =	vst v0  }
0x2e7: {  	[tilespmem:$0x2378] =	vst v0  }
0x2e8: {  	[tilespmem:$0x2368] =	vst v0  }
0x2e9: {  	[tilespmem:$0x2358] =	vst v0  }
0x2ea: {  	[tilespmem:$0x2348] =	vst v0  }
0x2eb: {  	[tilespmem:$0x2338] =	vst v0  }
0x2ec: {  	[tilespmem:$0x2328] =	vst v0  }
0x2ed: {  	[tilespmem:$0x2318] =	vst v0  }
0x2ee: {  	[tilespmem:$0x2308] =	vst v0  }
0x2ef: {  	[tilespmem:$0x22F8] =	vst v0  }
0x2f0: {  	[tilespmem:$0x22E8] =	vst v0  }
0x2f1: {  	[tilespmem:$0x22D8] =	vst v0  }
0x2f2: {  	[tilespmem:$0x22C8] =	vst v0  }
0x2f3: {  	[tilespmem:$0x22B8] =	vst v0  }
0x2f4: {  	[tilespmem:$0x22A8] =	vst v0  }
0x2f5: {  	[tilespmem:$0x2298] =	vst v0  }
0x2f6: {  	[tilespmem:$0x2288] =	vst v0  }
0x2f7: {  	[tilespmem:$0x2278] =	vst v0  }
0x2f8: {  	s11 =	stileid.u32;
	[tilespmem:$0x2268] =	vst v0  }
0x2f9: {  	s0 =	smul.u32 $0xA, s11;
	[tilespmem:$0x2258] =	vst v0  }
0x2fa: {  	s1 =	smin.u32 s11, $0xB;
	[tilespmem:$0x2248] =	vst v0  }
0x2fb: {  	[tilespmem:$0x2238] =	vst v0;
	s0 =	sadd.s32 s1, s0  }
0x2fc: {  	p0 =	slt.u32 s11, $0xB;
	[tilespmem:$0x2208] =	vst v0;
	s1 =	simm.s32 $0x1080;
	s9 =	smul.u32 $0x180, s0  }
0x2fd: {  	s1 =	simm.s32 @!p0 $0xF00;
	[tilespmem:$0x2218] =	vst v0  }
0x2fe: {  	[tilespmem:$0x21F8] =	vst v0;
	s0 =	sadd.s32 s1, s9  }
0x2ff: {  	[tilespmem:$0x2188] =	vst v0;
	s10 =	smin.u32 s0, $0x10000  }
0x300: {  	s6 =	simm.s32 $0x2;
	[tilespmem:$0x21E8] =	vst v0;
	s0 =	ssub.s32 s10, s9  }
0x301: {  	s7 =	simm.s32 $0x9;
	s31 =	simm.s32 $0xA;
	[tilespmem:$0x21D8] =	vst v0;
	p0 =	sgt.s32 s0, $0x0  }
0x302: {  	s13 =	simm.s32 $0xB;
	s18 =	simm.s32 $0x0;
	[tilespmem:$0x21C8] =	vst v0;
	s0 =	simm.s32 @!p0 $0x0  }
0x303: {  	p1 =	por $0x0, $0x0;
	s19 =	simm.s32 $0xC;
	[tilespmem:$0x21B8] =	vst v0;
	s28 =	smulhi.u32 $0x2AAAAAAB, s0  }
0x304: {  	s23 =	simm.s32 $0x0;
	s20 =	simm.s32 $0x0;
	s22 =	simm.s32 $0x0;
	[tilespmem:$0x21A8] =	vst v0  }
0x305: {  	s5 =	sadd.s32 $0x38200, s8;
	s29 =	sand.u32 $0x1, s2;
	[tilespmem:$0x2198] =	vst v0;
	s1 =	sshrl.u32 s28, $0x6  }
0x306: {  	s16 =	sshll.u32 s11, $0x6;
	[tilespmem:$0x2178] =	vst v0;
	[sflag:s6] =	ssyncpa.u1 $0x0;
	s30 =	smul.u32 $0x180, s1  }
.Ltmp0:
0x307: {  	v0 =	vimm.s32 $0xFFFFFFFF;
	[dreg:$0x5] =	wrdreg s29;
	s6 =	sshll.u32 s29, $0xD;
	(pc) =	sbr.rel .LBB2_1-.Ltmp0, $4  }
0x308: {  	[tilespmem:$0x6088] =	vst v0;
	[sflag:s7] =	ssyncpa.u1 $0x0;
	p0 =	sne.s32 s0, s30;
	s0 =	simm.s32 $0x1  }
0x309: {  	s8 =	sadd.s32 s6, s8;
	[sflag:s31] =	ssyncpa.u1 $0x0;
	s0 =	simm.s32 @!p0 $0x0  }
0x30a: {  	s15 =	sadd.s32 $0x4000, s8;
	[sflag:s13] =	ssyncpa.u1 $0x0;
	s14 =	sadd.s32 s0, s1  }
0x30b: {  	v0 =	vlaneseq.u32;
	s21 =	smov.u32 s9;
	p0 =	por $0x1, $0x1;
	s17 =	sadd.s32 $0x1, s14  }
.LBB2_22:
0x30c: {  	s0 =	sshrl.u32 s0, $0x2  }
.LBB2_24:
0x30d: {  	_ =	swait.ge [sflag:s19], s0  }
0x30e: {  	s30 =	ssub.s32 $0x0, s0;
	v1 =	vmov s25;
	vm0 =	veq.s32 v0, $0x0;
	[sflag:s19] =	ssyncset.done $0x0  }
0x30f: {  	vm15 =	veq.s32 v0, $0x2;
	v1 =	vsel vm0, s31, v1;
	[sflag:s19] =	ssyncadd.s32 s30  }
0x310: {  	v1 =	vsel vm15, s23, v1;
	[sflag:s19] =	ssyncpa.u1 $0x1  }
0x311: {  	[tilespmem:$0x6088] =	vst v1  }
.LBB2_25:
0x312: {  	s0 =	sadd.s32 $0x180, s21  }
0x313: {  	s1 =	smov.u32 s9;
	p2 =	slt.s32 s0, s10  }
0x314: {  	s1 =	smov.u32 @p2 s0;
	p2 =	sne.s32 s22, s17  }
.Ltmp1:
0x315: {  	_ = 	snop;
	(pc) =	sbr.rel @!p2 .LBB2_26-.Ltmp1, $4  }
0x316: {  	_ = 	snop  }
0x317: {  	s23 =	smov.u32 s20  }
0x318: {  	s31 =	sadd.s32 $0x1, s22;
	s20 =	smov.u32 s21;
	p0 =	por !p0, !p0  }
0x319: {  	p1 =	por !p1, !p1;
	s22 =	smov.u32 s31;
	s21 =	smov.u32 s1  }
.LBB2_1:
0x31a: {  	p2 =	sge.u32 s22, s14  }
0x31b: {  	s0 =	smulhi.u32 @!p2 $0xAAAAAAAB, s22  }
0x31c: {  	s1 =	smov.u32 s21;
	p3 =	sgt.s32 @!p2 s21, $0xFE80  }
0x31d: {  	s2 =	sshra.s32 @!p2 s21, $0x1F;
	p3 =	por !p3, p2;
	s0 =	sshrl.u32 @!p2 s0, $0x1  }
0x31e: {  	s2 =	sand.u32 @!p2 s2, s21;
	s1 =	simm.s32 @p3 $0xFE80;
	s0 =	smul.u32 @!p2 $0x3, s0  }
0x31f: {  	s1 =	ssub.s32 @!p2 s1, s2  }
0x320: {  	s1 =	sadd.s32 @!p2 $0xFFFF0180, s1;
	s0 =	ssub.s32 @!p2 s22, s0  }
0x321: {  	s2 =	sshll.u32 @!p2 s1, $0x2;
	p3 =	sgt.s32 @!p2 s1, $0x17F;
	s0 =	smul.u32 @!p2 $0x600, s0  }
0x322: {  	s6 =	sand.u32 @!p2 $0x7, s21;
	s1 =	ssub.s32 @!p2 $0x600, s2;
	p3 =	por !p3, p2  }
0x323: {  	s2 =	sshrl.u32 @!p2 s21, $0x3;
	s1 =	sshrl.u32 @!p2 s1, $0x2;
	s0 =	sshrl.u32 @!p2 s0, $0x2  }
0x324: {  	s2 =	sadd.s32 @!p2 s2, s15;
	s1 =	simm.s32 @!p3 $0x0;
	s0 =	sadd.s32 @!p2 $0x64C8, s0  }
0x325: {  	[tilespmem:s0], [sflag:$0xA] =	stream.linear.gather @!p2 [hbm4b:s2+s6], s1, $0x38;
	[tilespmem:$0x1EC48] =	vst v63  }
0x326: {  	s1 =	sadd.s32 $0xFFFFFFFF, s22  }
0x327: {  	p2 =	sge.u32 s1, s14  }
0x328: {  	p3 =	sgt.s32 @!p2 s20, $0xFE80  }
0x329: {  	s0 =	smov.u32 s20;
	s2 =	sshra.s32 @!p2 s20, $0x1F;
	p3 =	por !p3, p2  }
0x32a: {  	s2 =	sand.u32 @!p2 s2, s20;
	s0 =	simm.s32 @p3 $0xFE80  }
0x32b: {  	s0 =	ssub.s32 @!p2 s0, s2  }
0x32c: {  	s0 =	sadd.s32 @!p2 $0xFFFF0180, s0  }
0x32d: {  	s2 =	sshll.u32 @!p2 s0, $0x2  }
0x32e: {  	p3 =	sgt.s32 @!p2 s0, $0x17F;
	s0 =	ssub.s32 @!p2 $0x600, s2  }
0x32f: {  	p3 =	por !p3, p2;
	s0 =	sshrl.u32 @!p2 s0, $0x2  }
0x330: {  	s6 =	simm.s32 @!p2 $0xA;
	s2 =	sand.u32 @!p2 $0x1, s1;
	s0 =	simm.s32 @!p3 $0x0  }
0x331: {  	s2 =	smul.u32 @!p2 $0x600, s2;
	_ =	swait.ge @!p2 [sflag:s6], s0  }
0x332: {  	s7 =	ssub.s32 @!p2 $0x0, s0;
	[sflag:s6] =	ssyncset.done @!p2 $0x0  }
0x333: {  	s2 =	sshrl.u32 @!p2 s2, $0x2;
	[sflag:s6] =	ssyncadd.s32 @!p2 s7;
	s6 =	sshrl.u32 @!p2 s20, $0x3  }
0x334: {  	s2 =	sadd.s32 @!p2 $0x6948, s2;
	s7 =	sand.u32 @!p2 $0x7, s20;
	s6 =	sadd.s32 @!p2 s6, s8  }
0x335: {  	[tilespmem:s2], [sflag:$0xB] =	stream.linear.gather @!p2 [hbm4b:s6+s7], s0, $0x38;
	[tilespmem:$0x1EC48] =	vst v63  }
0x336: {  	s0 =	ssub.s32 @!p2 $0x10000, s20  }
0x337: {  	p3 =	slt.s32 @!p2 s0, $0x1  }
0x338: {  	p3 =	por p2, p3  }
.Ltmp2:
0x339: {  	_ = 	snop;
	(pc) =	sbr.rel @p3 .LBB2_7-.Ltmp2, $1  }
0x33a: {  	_ =	sdelay $0x3  }
0x33b: {  	s2 =	smulhi.u32 $0xAAAAAAAB, s1;
	_ =	sdelay $0x1  }
0x33c: {  	s2 =	sshrl.u32 s2, $0x1  }
0x33d: {  	s2 =	smul.u32 $0x3, s2;
	_ =	sdelay $0x1  }
0x33e: {  	s29 =	ssub.s32 s1, s2  }
0x33f: {  	s6 =	simm.s32 $0x1;
	s1 =	smul.u32 $0x600, s29  }
.Ltmp3:
0x340: {  	s6 =	simm.s32 @!p0 $0x0;
	(pc) =	sbr.rel .LBB2_4-.Ltmp3, $4  }
0x341: {  	s30 =	smul.u32 $0x30000, s6  }
0x342: {  	p3 =	slt.s32 @!p2 s0, $0x180;
	s1 =	sshrl.u32 s1, $0x2  }
0x343: {  	p2 =	por !p3, p2;
	s2 =	sshrl.u32 s30, $0x2;
	s31 =	sadd.s32 $0x64C8, s1  }
0x344: {  	s24 =	simm.s32 $0x0;
	s0 =	simm.s32 @p2 $0x180;
	s1 =	sadd.s32 $0x6C48, s2;
	v1 =	vmov s31  }
.LBB2_3:
0x345: {  	p2 =	sge.s32 s24, s0  }
.Ltmp4:
0x346: {  	_ = 	snop;
	(pc) =	sbr.rel @p2 .LBB2_7-.Ltmp4, $2  }
0x347: {  	_ =	sdelay $0x2  }
0x348: {  	s1 =	sadd.s32 $0x800, s1  }
.LBB2_4:
0x349: {  	p2 =	sle.s32 s0, s24  }
.Ltmp5:
0x34a: {  	_ = 	snop;
	(pc) =	sbr.rel @p2 .LBB2_3-.Ltmp5, $2  }
0x34b: {  	_ =	sdelay $0x2  }
0x34c: {  	s2 =	smov.u32 s24;
	s24 =	sadd.s32 $0x10, s24  }
0x34d: {  	s6 =	ssub.s32 s0, s2  }
0x34e: {  	p2 =	slt.s32 s6, $0x10  }
0x34f: {  	s6 =	simm.s32 @!p2 $0x10  }
0x350: {  	v2 =	vmov s6  }
0x351: {  	vm0 =	vgt.s32 v2, v0;
	_ =	sdelay $0x5  }
0x352: {  	v2 =	vld.idx.msk [tilespmem:v1+s2+$0x0 ss:$0x1], vm0;
	_ =	sdelay $0x2  }
0x353: {  	s7 =	smov.u32 s0;
	p2 =	slt.s32 s24, s0  }
0x354: {  	s25 =	simm.s32 $0x0;
	s7 =	smov.u32 @p2 s24;
	s6 =	smov.u32 s1  }
.LBB2_6:
0x355: {  	(v2sf) =	vpush v2, s25;
	_ =	sdelay $0xc  }
0x356: {  	s25 =	sadd.s32 $0x1, s25  }
0x357: {  	s31 =	sadd.s32 s25, s2  }
0x358: {  	p2 =	slt.s32 s31, s7;
	s11 =	spop (v2sf)  }
.Ltmp6:
0x359: {  	s11 =	sshll.u32 s11, $0x4;
	(pc) =	sbr.rel @p2 .LBB2_6-.Ltmp6, $4  }
0x35a: {  	s11 =	sand.u32 $0x1FFFFFF0, s11  }
0x35b: {  	s11 =	sadd.s32 s3, s11  }
0x35c: {  	[tilespmem:s6], [sflag:$0x9] =	stream.linear.gather [hbm4b:s11+s18], $0x20, $0x38;
	[tilespmem:$0x1EC48] =	vst v63  }
0x35d: {  	s6 =	sadd.s32 $0x80, s6  }
.Ltmp7:
0x35e: {  	_ = 	snop;
	(pc) =	sbr.rel .LBB2_3-.Ltmp7, $1  }
0x35f: {  	_ =	sdelay $0x3  }
.LBB2_7:
0x360: {  	p2 =	slt.u32 s22, $0x2  }
.Ltmp8:
0x361: {  	_ = 	snop;
	(pc) =	sbr.rel @p2 .LBB2_25-.Ltmp8, $1  }
0x362: {  	_ =	sdelay $0x3  }
0x363: {  	p2 =	sgt.s32 s23, $0xFE80  }
0x364: {  	s0 =	smov.u32 s23;
	s1 =	sshra.s32 s23, $0x1F;
	s2 =	ssub.s32 $0x10000, s23  }
0x365: {  	s0 =	simm.s32 @!p2 $0xFE80;
	s1 =	sand.u32 s1, s23;
	p2 =	slt.s32 s2, $0x180  }
0x366: {  	s0 =	ssub.s32 s0, s1;
	s2 =	simm.s32 @!p2 $0x180  }
0x367: {  	s0 =	sadd.s32 $0xFFFF0180, s0;
	s12 =	sshll.u32 s2, $0x5  }
0x368: {  	s26 =	simm.s32 $0x9;
	s24 =	sshll.u32 s0, $0x2;
	s1 =	sand.u32 $0x3FFFFFE0, s12  }
0x369: {  	p2 =	sgt.s32 s0, $0x17F;
	s25 =	ssub.s32 $0x600, s24;
	_ =	swait.ge [sflag:s26], s1  }
0x36a: {  	s1 =	ssub.s32 $0x0, s1;
	[sflag:s26] =	ssyncset.done $0x0;
	s0 =	sshrl.u32 s25, $0x2  }
0x36b: {  	[sflag:s26] =	ssyncadd.s32 s1;
	s0 =	simm.s32 @p2 $0x0  }
0x36c: {  	_ =	swait.ge [sflag:s13], s0  }
0x36d: {  	s0 =	ssub.s32 $0x0, s0;
	[sflag:s13] =	ssyncset.done $0x0  }
0x36e: {  	[sflag:s13] =	ssyncadd.s32 s0  }
0x36f: {  	v1 =	vld [tilespmem:$0x6088];
	_ =	sdelay $0x4  }
0x370: {  	(v2sf) =	vpush v1, $0x0  }
0x371: {  	(v2sf) =	vpush v1, $0x1  }
0x372: {  	(v2sf) =	vpush v1, $0x2;
	_ =	sdelay $0x3  }
0x373: {  	s0 =	sadd.s32 $0x180, s23  }
0x374: {  	s1 =	ssub.s32 $0x20000, s23;
	p2 =	slt.s32 s10, s0  }
0x375: {  	s0 =	smov.u32 @p2 s10;
	p2 =	sgt.s32 s1, $0x0  }
0x376: {  	s28 =	ssub.s32 s0, s23;
	s1 =	simm.s32 @!p2 $0x0  }
0x377: {  	p2 =	slt.s32 s1, s28  }
0x378: {  	s28 =	smov.u32 @p2 s1  }
0x379: {  	s26 =	simm.s32 $0x1;
	p2 =	slt.s32 s28, $0x1  }
.Ltmp9:
0x37a: {  	s26 =	simm.s32 @!p1 $0x0;
	(pc) =	sbr.rel @p2 .LBB2_12-.Ltmp9, $4  }
0x37b: {  	s30 =	smul.u32 $0x600, s26  }
0x37c: {  	s0 =	spop (v2sf)  }
0x37d: {  	s31 =	sshrl.u32 s30, $0x2;
	s29 =	spop (v2sf)  }
0x37e: {  	s24 =	sadd.s32 $0x6948, s31;
	s23 =	spop (v2sf)  }
0x37f: {  	s1 =	smin.u32 s28, $0x10  }
0x380: {  	v1 =	vmov s1  }
0x381: {  	p3 =	sgt.s32 s28, $0x10;
	vm1 =	vgt.u32 v1, v0  }
.Ltmp10:
0x382: {  	_ = 	snop;
	(pc) =	sbr.rel @!p3 .LBB2_11-.Ltmp10, $2  }
0x383: {  	_ =	sdelay $0x2  }
0x384: {  	s2 =	simm.s32 $0x10;
	s25 =	sadd.s32 $0xFFFFFFF0, s28;
	s1 =	smov.u32 s24;
	vm0 =	vmmov vm1  }
.LBB2_10:
0x385: {  	s6 =	smin.u32 s25, $0x10;
	s2 =	sadd.s32 $0x10, s2;
	v1 =	vld.msk [tilespmem:s1+$0x0 ss:$0x1], vm1  }
0x386: {  	v2 =	vmov s6;
	p3 =	slt.s32 s2, s28  }
0x387: {  	vm1 =	vgt.u32 v2, v0  }
.Ltmp11:
0x388: {  	(pc) =	sbr.rel @p3 .LBB2_10-.Ltmp11, $3  }
0x389: {  	_ =	sdelay $0x1  }
0x38a: {  	v1 =	vshll.u32 v1, $0x4  }
0x38b: {  	s25 =	sadd.s32 $0xFFFFFFF0, s25;
	[tilespmem:s1+$0x0] =	vst.msk vm0, v1;
	s1 =	sadd.s32 $0x10, s1;
	vm0 =	vmmov vm1  }
.LBB2_11:
0x38c: {  	_ =	sdelay $0x4  }
0x38d: {  	v1 =	vld.msk [tilespmem:s1+$0x0 ss:$0x1], vm1;
	_ =	sdelay $0x4  }
0x38e: {  	v1 =	vshll.u32 v1, $0x4  }
0x38f: {  	[tilespmem:s1+$0x0] =	vst.msk vm0, v1  }
.LBB2_12:
0x390: {  	s1 =	sand.u32 $0x1, s22  }
0x391: {  	s1 =	smul.u32 $0x180, s1  }
0x392: {  	p3 =	sne.s32 s29, $0xFFFFFFFF  }
0x393: {  	v1 =	vld.msk @!p3 [tilespmem:s1+$0x6948], $0x1;
	_ =	sdelay $0x4  }
0x394: {  	(v2sf) =	vpush @!p3 v1, $0x0;
	_ =	sdelay $0xc  }
.Ltmp12:
0x395: {  	_ = 	snop;
	(pc) =	sbr.rel @p2 .LBB2_23-.Ltmp12, $4  }
0x396: {  	_ = 	snop  }
0x397: {  	s30 =	spop @!p3 (v2sf)  }
0x398: {  	s23 =	simm.s32 @!p3 $0x0;
	s25 =	smov.u32 s30  }
0x399: {  	[sflag:s19] =	ssyncpa.u1 $0x0;
	s30 =	smov.u32 @p3 s0;
	s25 =	smov.u32 @p3 s29  }
0x39a: {  	v1 =	vld.msk [tilespmem:s24+$0x0], $0x1;
	_ =	sdelay $0x4  }
0x39b: {  	(v2sf) =	vpush v1, $0x0;
	_ =	sdelay $0xe  }
0x39c: {  	s0 =	smul.u32 $0x30000, s26;
	s1 =	spop (v2sf)  }
0x39d: {  	s28 =	ssub.s32 $0x0, s28;
	p2 =	seq.s32 s30, s1  }
0x39e: {  	s31 =	sadd.s32 $0x1, s28;
	s0 =	sshrl.u32 s0, $0x2;
	p3 =	sgt.s32 @!p2 s30, $0x0  }
0x39f: {  	s26 =	sadd.s32 $0x6C58, s0;
	s0 =	smov.u32 s30;
	p3 =	por !p3, p2  }
0x3a0: {  	s0 =	simm.s32 @p3 $0x0;
	p3 =	seq.s32 s31, $0x0  }
.Ltmp13:
0x3a1: {  	_ = 	snop;
	(pc) =	sbr.rel @p3 .LBB2_15-.Ltmp13, $4  }
0x3a2: {  	_ = 	snop  }
0x3a3: {  	s29 =	simm.s32 $0x0;
	s2 =	simm.s32 @!p2 $0x1;
	s0 =	smin.u32 @!p2 s0, $0x7FFC  }
0x3a4: {  	s7 =	simm.s32 @!p2 $0x3068;
	s2 =	smov.u32 @p2 s29;
	s11 =	sand.u32 @!p2 $0x7FF8, s0  }
0x3a5: {  	s6 =	sand.u32 @!p2 $0x7, s0;
	s0 =	sadd.s32 $0x1, s24;
	s11 =	sadd.s32 @!p2 s5, s11  }
.LBB2_14:
0x3a6: {  	s12 =	smov.u32 s2  }
0x3a7: {  	[tilespmem:s7], [sflag:$0x2] =	stream.linear.gather @!p2 [hbm4b:s11+s6], $0x20, $0x38;
	[tilespmem:$0x1EC48] =	vst v63  }
0x3a8: {  	s31 =	sadd.s32 $0x1, s31;
	s6 =	smov.u32 s1;
	v1 =	vld.msk [tilespmem:s0+$0x0], $0x1  }
0x3a9: {  	p3 =	seq.s32 s31, $0x0;
	_ =	sdelay $0x3  }
0x3aa: {  	(v2sf) =	vpush v1, $0x0;
	_ =	sdelay $0xe  }
0x3ab: {  	s1 =	spop (v2sf)  }
0x3ac: {  	p2 =	seq.s32 s6, s1  }
0x3ad: {  	p4 =	sgt.s32 @!p2 s6, $0x0;
	s7 =	sshll.u32 @!p2 s2, $0x7;
	s2 =	sadd.s32 @!p2 $0x1, s2  }
.Ltmp14:
0x3ae: {  	p4 =	por !p4, p2;
	s7 =	sshra.s32 @!p2 s7, $0x2;
	(pc) =	sbr.rel @!p3 .LBB2_14-.Ltmp14, $4  }
0x3af: {  	s2 =	smov.u32 @p2 s12;
	s6 =	simm.s32 @p4 $0x0;
	s7 =	sadd.s32 @!p2 $0x3068, s7  }
0x3b0: {  	s6 =	smin.u32 @!p2 s6, $0x7FFC  }
0x3b1: {  	s11 =	sand.u32 @!p2 $0x7FF8, s6;
	s6 =	sand.u32 @!p2 $0x7, s6  }
0x3b2: {  	s0 =	sadd.s32 $0x1, s0;
	s11 =	sadd.s32 @!p2 s5, s11  }
.LBB2_15:
0x3b3: {  	[tilespmem:s7], [sflag:$0x2] =	stream.linear.gather @!p2 [hbm4b:s11+s6], $0x20, $0x38;
	[tilespmem:$0x1EC48] =	vst v63  }
.Ltmp15:
0x3b4: {  	s0 =	sshll.u32 s2, $0x5;
	(pc) =	sbr.rel .LBB2_16-.Ltmp15, $4  }
0x3b5: {  	s1 =	simm.s32 $0x2;
	s0 =	sand.u32 $0x3FFFFFE0, s0  }
0x3b6: {  	_ =	swait.ge [sflag:s1], s0  }
0x3b7: {  	s0 =	ssub.s32 $0x0, s0;
	[sflag:s1] =	ssyncset.done $0x0  }
0x3b8: {  	[sflag:s1] =	ssyncadd.s32 s0;
	s0 =	simm.s32 $0x0  }
.LBB2_17:
0x3b9: {  	v1 =	vld [tilespmem:s26+$0xFFFFFFF0];
	_ =	sdelay $0x4  }
0x3ba: {  	[tilespmem:s1+$0x48] =	vst.add.f32.msk $0xffff, v1  }
0x3bb: {  	v1 =	vld [tilespmem:s26+$0x0];
	_ =	sdelay $0x4  }
0x3bc: {  	[tilespmem:s1+$0x58] =	vst.add.f32.msk $0xffff, v1  }
.LBB2_21:
0x3bd: {  	s28 =	sadd.s32 $0x1, s28  }
0x3be: {  	p2 =	seq.s32 s28, $0x0  }
.Ltmp16:
0x3bf: {  	_ = 	snop;
	(pc) =	sbr.rel @p2 .LBB2_22-.Ltmp16, $2  }
0x3c0: {  	_ =	sdelay $0x2  }
0x3c1: {  	s26 =	sadd.s32 $0x80, s26;
	s24 =	sadd.s32 $0x1, s24;
	s30 =	smov.u32 s31  }
.LBB2_16:
0x3c2: {  	v1 =	vld.msk [tilespmem:s24+$0x0], $0x1;
	_ =	sdelay $0x4  }
0x3c3: {  	(v2sf) =	vpush v1, $0x0;
	_ =	sdelay $0xe  }
0x3c4: {  	s31 =	spop (v2sf)  }
0x3c5: {  	p2 =	sne.s32 s30, s31  }
.Ltmp17:
0x3c6: {  	_ = 	snop;
	(pc) =	sbr.rel @!p2 .LBB2_17-.Ltmp17, $3  }
0x3c7: {  	_ =	sdelay $0x1  }
0x3c8: {  	s1 =	sshll.u32 s23, $0x7  }
0x3c9: {  	s1 =	sshra.s32 s1, $0x2  }
0x3ca: {  	p2 =	seq.s32 s30, s25  }
.Ltmp18:
0x3cb: {  	_ = 	snop;
	(pc) =	sbr.rel @!p2 .LBB2_19-.Ltmp18, $1  }
0x3cc: {  	_ =	sdelay $0x3  }
.Ltmp19:
0x3cd: {  	s1 =	sadd.s32 $0x48, s1;
	(pc) =	sbr.rel .LBB2_20-.Ltmp19, $4  }
0x3ce: {  	[spmem:s16] =	stream.linear.scatter [tilespmem:s1], [sflag:$0x1], $0x20, $0x38;
	[tilespmem:$0x1EC48] =	vst v63  }
0x3cf: {  	_ =	swait.ge [sflag:s4], $0x20  }
0x3d0: {  	[sflag:s4] =	ssyncset.done $0x0  }
0x3d1: {  	[sflag:s4] =	ssyncadd.s32 $0xFFFFFFE0  }
.LBB2_19:
0x3d2: {  	s2 =	sshll.u32 s29, $0x7  }
0x3d3: {  	s2 =	sshra.s32 s2, $0x2  }
0x3d4: {  	v1 =	vld [tilespmem:s2+$0x3068];
	_ =	sdelay $0x4  }
0x3d5: {  	[tilespmem:s1+$0x48] =	vst.add.f32.msk $0xffff, v1  }
0x3d6: {  	v1 =	vld [tilespmem:s2+$0x3078];
	_ =	sdelay $0x2  }
0x3d7: {  	p2 =	sgt.u32 s30, $0x7FFC  }
0x3d8: {  	s2 =	sand.u32 @!p2 $0x7FF8, s30  }
0x3d9: {  	s6 =	sadd.s32 $0x48, s1;
	[tilespmem:s1+$0x58] =	vst.add.f32.msk $0xffff, v1;
	s1 =	sadd.s32 @!p2 s5, s2;
	s2 =	sand.u32 @!p2 $0x7, s30  }
0x3da: {  	[hbm4b:s1+s2] =	stream.linear.scatter @!p2 [tilespmem:s6], [sflag:$0xC], $0x20, $0x38;
	[tilespmem:$0x1EC48] =	vst v63  }
0x3db: {  	s1 =	simm.s32 $0x0  }
0x3dc: {  	s1 =	simm.s32 @!p2 $0x80  }
0x3dd: {  	s0 =	sadd.s32 s1, s0  }
.LBB2_20:
0x3de: {  	s1 =	sadd.s32 $0x1, s23  }
0x3df: {  	s2 =	smulhi.u32 $0xAAAAAAAB, s1;
	_ =	sdelay $0x1  }
0x3e0: {  	v1 =	vld [tilespmem:s26+$0xFFFFFFF0];
	s2 =	sshrl.u32 s2, $0x8  }
0x3e1: {  	s2 =	smul.u32 $0x180, s2;
	_ =	sdelay $0x1  }
0x3e2: {  	s23 =	ssub.s32 s1, s2  }
0x3e3: {  	s1 =	sshll.u32 s23, $0x5  }
0x3e4: {  	[tilespmem:s1+$0x48] =	vst v1  }
0x3e5: {  	v1 =	vld [tilespmem:s26+$0x0]  }
.Ltmp20:
0x3e6: {  	_ = 	snop;
	(pc) =	sbr.rel .LBB2_21-.Ltmp20, $2  }
0x3e7: {  	_ =	sdelay $0x2  }
0x3e8: {  	s29 =	sadd.s32 $0x1, s29;
	[tilespmem:s1+$0x58] =	vst v1  }
.LBB2_23:
.Ltmp21:
0x3e9: {  	(pc) =	sbr.rel .LBB2_24-.Ltmp21, $4  }
0x3ea: {  	_ = 	snop  }
0x3eb: {  	s0 =	simm.s32 $0x2  }
0x3ec: {  	_ =	swait.ge [sflag:s0], $0x0  }
0x3ed: {  	s31 =	smov.u32 s30;
	[sflag:s0] =	ssyncset.done $0x0;
	s0 =	simm.s32 $0x0  }
.LBB2_26:
0x3ee: {  	_ =	sfence.sel $0x180000  }
0x3ef: {  	s0 =	simm.s32 $0x9;
	[bflag:$0x0] =	sbarrier.arrive $0xFFFF  }
0x3f0: {  	s24 =	simm.s32 $0xA;
	[sflag:s0] =	ssyncpa.u1 $0x1  }
0x3f1: {  	s25 =	simm.s32 $0xB;
	[sflag:s24] =	ssyncpa.u1 $0x1  }
0x3f2: {  	s26 =	simm.s32 $0x2;
	[sflag:s25] =	ssyncpa.u1 $0x1  }
0x3f3: {  	[sflag:s26] =	ssyncpa.u1 $0x1  }
0x3f4: {  	v0 =	vld [tilespmem:$0x6088];
	_ =	sdelay $0x4  }
0x3f5: {  	(v2sf) =	vpush v0, $0x0  }
0x3f6: {  	(v2sf) =	vpush v0, $0x1;
	_ =	sdelay $0x1  }
0x3f7: {  	(v2sf) =	vpush v0, $0x2;
	_ =	sdelay $0xb  }
0x3f8: {  	s0 =	spop (v2sf)  }
0x3f9: {  	s1 =	spop (v2sf)  }
0x3fa: {  	s2 =	smov.u32 s0;
	p0 =	sne.s32 s0, s1  }
0x3fb: {  	s3 =	spop (v2sf);
	s2 =	simm.s32 @!p0 $0xFFFFFFFF  }
0x3fc: {  	v2 =	vimm.s32 $0x1;
	v3 =	vlaneseq.u32;
	p0 =	seq.s32 s3, $0xFFFFFFFF;
	v1 =	vmov s2  }
0x3fd: {  	s14 =	stileid.u32;
	v0 =	vperm.xlane v0, v2;
	p1 =	sne.s32 @!p0 s0, s1;
	v1 =	vperm.xlane v1, v3  }
0x3fe: {  	vm0 =	vcmask $0x3F04;
	s6 =	simm.s32 $0x6088;
	s0 =	simm.s32 @!p0 $0x1;
	p1 =	por !p1, p0  }
0x3ff: {  	s2 =	sshll.u32 s14, $0x1;
	s1 =	sshll.u32 @!p0 s3, $0x7;
	s0 =	simm.s32 @p1 $0x0;
	v0 =	vsel vm0, v1, v0  }
0x400: {  	s4 =	sor.u32 $0x400, s2;
	s1 =	sshra.s32 @!p0 s1, $0x2;
	s0 =	sor.u32 @!p0 s0, s2;
	[tilespmem:$0x6088] =	vst v0  }
0x401: {  	[spmem:s4] =	stream.linear.scatter [tilespmem:s6], [sflag:$0x1], $0x2, $0x38;
	[tilespmem:$0x1EC48] =	vst v63  }
0x402: {  	s1 =	sadd.s32 @!p0 $0x48, s1;
	s0 =	sshll.u32 @!p0 s0, $0x5  }
0x403: {  	[spmem:s0] =	stream.linear.scatter @!p0 [tilespmem:s1], [sflag:$0x1], $0x20, $0x38;
	[tilespmem:$0x1EC48] =	vst v63  }
0x404: {  	s0 =	simm.s32 @!p0 $0x22  }
0x405: {  	s28 =	simm.s32 $0x1;
	s0 =	simm.s32 @p0 $0x2  }
0x406: {  	_ =	swait.ge [sflag:s28], s0  }
0x407: {  	s0 =	ssub.s32 $0x0, s0;
	[sflag:s28] =	ssyncset.done $0x0  }
0x408: {  	p0 =	sne.s32 s14, $0x0;
	[sflag:s28] =	ssyncadd.s32 s0  }
.Ltmp22:
0x409: {  	_ =	sfence.stream.spmem;
	(pc) =	sbr.rel @p0 .LBB2_43-.Ltmp22, $4  }
0x40a: {  	s29 =	simm.s32 $0x3;
	[bflag:$0x0] =	sbarrier.arrive $0xFFFF  }
0x40b: {  	s30 =	simm.s32 $0x4;
	[sflag:s29] =	ssyncpa.u1 $0x1  }
0x40c: {  	s31 =	simm.s32 $0x3C;
	[sflag:s30] =	ssyncpa.u1 $0x1  }
0x40d: {  	s15 =	rddreg [dreg:$0x5];
	[sflag:s31] =	ssyncpa.u1 $0x1  }
0x40e: {  	_ =	sfence.stream.spmem;
	s0 =	simm.s32 $0x5  }
0x40f: {  	s1 =	simm.s32 $0x400;
	s2 =	simm.s32 $0x6098;
	[sflag:s0] =	ssyncpa.u1 $0x0  }
0x410: {  	[tilespmem:s2], [sflag:$0x5] =	stream.linear.gather [spmem:s1], $0x20, $0x38;
	[tilespmem:$0x1EC48] =	vst v63  }
0x411: {  	s26 =	simm.s32 $0x0;
	s28 =	simm.s32 $0x60B8  }
0x412: {  	[tilespmem:s28], [sflag:$0x5] =	stream.linear.gather [spmem:s26], $0x400, $0x38;
	[tilespmem:$0x1EC48] =	vst v63  }
0x413: {  	_ =	swait.ge [sflag:s0], $0x420  }
0x414: {  	[sflag:s0] =	ssyncset.done $0x0  }
0x415: {  	s29 =	simm.s32 $0x0;
	[sflag:s0] =	ssyncadd.s32 $0xFFFFFBE0  }
0x416: {  	v0 =	vld.msk [tilespmem:s29+$0x6098], $0x1;
	_ =	sdelay $0x1  }
0x417: {  	s30 =	simm.s32 $0x1  }
0x418: {  	v1 =	vld.msk [tilespmem:s30+$0x6098], $0x1;
	_ =	sdelay $0x1  }
0x419: {  	(v2sf) =	vpush v0, $0x0;
	_ =	sdelay $0x2  }
0x41a: {  	(v2sf) =	vpush v1, $0x0;
	_ =	sdelay $0x2  }
0x41b: {  	s31 =	simm.s32 $0x2  }
0x41c: {  	v0 =	vld.msk [tilespmem:s31+$0x6098], $0x1;
	_ =	sdelay $0x2  }
0x41d: {  	s1 =	simm.s32 $0xFFFFFFFF;
	s2 =	simm.s32 $0xFFFFFFFF;
	s0 =	simm.s32 $0xC  }
.LBB2_28:
0x41e: {  	s3 =	smov.u32 s2;
	s4 =	smov.u32 s1  }
0x41f: {  	s1 =	sshra.s32 s0, $0x2;
	p1 =	sne.s32 s0, $0x7C;
	s0 =	sadd.s32 $0x4, s0;
	(v2sf) =	vpush v0, $0x0  }
0x420: {  	v0 =	vld.msk [tilespmem:s1+$0x6098], $0x1  }
.Ltmp23:
0x421: {  	(pc) =	sbr.rel @p1 .LBB2_28-.Ltmp23, $4  }
0x422: {  	s2 =	spop (v2sf)  }
0x423: {  	p2 =	sne.s32 s4, $0xFFFFFFFF;
	s1 =	smov.u32 s2  }
0x424: {  	p3 =	seq.s32 s2, $0xFFFFFFFF;
	s1 =	smov.u32 @p2 s4  }
0x425: {  	s2 =	smov.u32 @p3 s3;
	s1 =	smov.u32 @p3 s4  }
0x426: {  	(v2sf) =	vpush v0, $0x0;
	_ =	sdelay $0x8  }
0x427: {  	s0 =	spop (v2sf)  }
0x428: {  	p1 =	sne.s32 s1, $0xFFFFFFFF;
	s3 =	smov.u32 s0  }
0x429: {  	s9 =	simm.s32 $0x6;
	p2 =	seq.s32 s0, $0xFFFFFFFF;
	s3 =	smov.u32 @p1 s1  }
0x42a: {  	s10 =	simm.s32 $0x6068;
	s3 =	smov.u32 @p2 s1;
	s1 =	spop (v2sf)  }
0x42b: {  	s0 =	smov.u32 @p2 s2;
	p1 =	sne.s32 s3, $0xFFFFFFFF;
	s6 =	smov.u32 s1  }
.Ltmp24:
0x42c: {  	p2 =	seq.s32 s1, $0xFFFFFFFF;
	s6 =	smov.u32 @p1 s3;
	(pc) =	sbr.rel .LBB2_30-.Ltmp24, $4  }
0x42d: {  	s11 =	simm.s32 $0x0;
	s6 =	smov.u32 @p2 s3;
	s4 =	spop (v2sf)  }
0x42e: {  	[sflag:s9] =	ssyncpa.u1 $0x0;
	p1 =	sne.s32 s6, $0xFFFFFFFF;
	s8 =	smov.u32 s4  }
0x42f: {  	s1 =	smov.u32 @p2 s0;
	p2 =	seq.s32 s4, $0xFFFFFFFF;
	s8 =	smov.u32 @p1 s6  }
0x430: {  	s3 =	simm.s32 $0x0;
	s4 =	smov.u32 @p2 s1;
	s8 =	smov.u32 @p2 s6  }
.LBB2_36:
0x431: {  	p1 =	sgt.u32 s12, $0x7FFC  }
0x432: {  	p2 =	seq.s32 @!p1 s12, s8  }
0x433: {  	p1 =	por p1, p2  }
0x434: {  	p2 =	sne.s32 @!p1 s12, s4  }
0x435: {  	p1 =	por p1, !p2  }
0x436: {  	s0 =	sshll.u32 @p1 s11, $0x7  }
0x437: {  	s0 =	sand.u32 @!p1 $0x7FF8, s12  }
0x438: {  	s1 =	sand.u32 @!p1 $0x7, s12;
	s0 =	sadd.s32 @!p1 s5, s0  }
0x439: {  	[tilespmem:s10], [sflag:$0x6] =	stream.linear.gather @!p1 [hbm4b:s0+s1], $0x20, $0x38;
	[tilespmem:$0x1EC48] =	vst v63  }
0x43a: {  	_ =	swait.ge @!p1 [sflag:s9], $0x20  }
0x43b: {  	[sflag:s9] =	ssyncset.done @!p1 $0x0  }
0x43c: {  	[sflag:s9] =	ssyncadd.s32 @!p1 $0xFFFFFFE0  }
0x43d: {  	v1 =	vld @!p1 [tilespmem:$0x6068];
	_ =	sdelay $0x2  }
0x43e: {  	s0 =	sshll.u32 @!p1 s11, $0x7  }
0x43f: {  	s1 =	sshrl.u32 @!p1 s0, $0x2  }
0x440: {  	[tilespmem:s1+$0x60B8] =	vst.add.f32.msk @!p1 $0xffff, v1  }
0x441: {  	v1 =	vld @!p1 [tilespmem:$0x6078];
	_ =	sdelay $0x4  }
0x442: {  	[tilespmem:s1+$0x60C8] =	vst.add.f32.msk @!p1 $0xffff, v1  }
0x443: {  	s0 =	sshrl.u32 s0, $0x2;
	[tilespmem:s3+$0x6098] =	vst.msk $0x1, v0  }
0x444: {  	v0 =	vld [tilespmem:s0+$0x60B8];
	_ =	sdelay $0x2  }
0x445: {  	s31 =	sshll.u32 s3, $0x7  }
0x446: {  	s1 =	sshra.s32 s31, $0x2  }
0x447: {  	[tilespmem:s1+$0x60B8] =	vst v0  }
0x448: {  	v0 =	vld [tilespmem:s0+$0x60C8];
	_ =	sdelay $0x4  }
0x449: {  	s3 =	sadd.s32 $0x1, s3;
	[tilespmem:s1+$0x60C8] =	vst v0  }
.LBB2_37:
0x44a: {  	s11 =	sadd.s32 $0x1, s11  }
0x44b: {  	p1 =	sne.s32 s11, $0x20  }
.Ltmp25:
0x44c: {  	_ = 	snop;
	(pc) =	sbr.rel @!p1 .LBB2_38-.Ltmp25, $1  }
0x44d: {  	_ =	sdelay $0x3  }
.LBB2_30:
0x44e: {  	v0 =	vld.msk [tilespmem:s11+$0x6098], $0x1;
	_ =	sdelay $0x4  }
0x44f: {  	(v2sf) =	vpush v0, $0x0;
	_ =	sdelay $0xe  }
0x450: {  	s12 =	spop (v2sf)  }
0x451: {  	p1 =	seq.s32 s12, $0xFFFFFFFF  }
.Ltmp26:
0x452: {  	_ = 	snop;
	(pc) =	sbr.rel @p1 .LBB2_37-.Ltmp26, $1  }
0x453: {  	_ =	sdelay $0x3  }
0x454: {  	p1 =	slt.s32 s3, $0x1  }
.Ltmp27:
0x455: {  	_ = 	snop;
	(pc) =	sbr.rel @p1 .LBB2_36-.Ltmp27, $1  }
0x456: {  	_ =	sdelay $0x3  }
0x457: {  	s0 =	simm.s32 $0x6098;
	p1 =	por $0x0, $0x0  }
0x458: {  	v1 =	vld.msk @!p1 [tilespmem:s0+$0x0], $0x1;
	_ =	sdelay $0x4  }
0x459: {  	(v2sf) =	vpush @!p1 v1, $0x0;
	_ =	sdelay $0xd  }
0x45a: {  	p3 =	sne.s32 s3, $0x1  }
.Ltmp28:
0x45b: {  	s1 =	spop @!p1 (v2sf);
	(pc) =	sbr.rel @!p3 .LBB2_34-.Ltmp28, $4  }
0x45c: {  	p2 =	seq.s32 @!p1 s12, s1  }
0x45d: {  	s13 =	simm.s32 $0x0;
	p2 =	por !p2, p1  }
0x45e: {  	s2 =	simm.s32 $0xFFFFFFFF;
	s13 =	simm.s32 @p2 $0xFFFFFFFF  }
0x45f: {  	s1 =	simm.s32 $0x1;
	s13 =	smov.u32 @p1 s2  }
.LBB2_33:
0x460: {  	s2 =	smov.u32 s13;
	p1 =	sne.s32 s13, $0xFFFFFFFF  }
0x461: {  	s0 =	sadd.s32 $0x1, s0;
	s13 =	smov.u32 s1;
	s1 =	sadd.s32 $0x1, s1  }
0x462: {  	p2 =	sne.s32 s3, s1;
	v1 =	vld.msk @!p1 [tilespmem:s0+$0x0], $0x1;
	_ =	sdelay $0x4  }
0x463: {  	(v2sf) =	vpush @!p1 v1, $0x0;
	_ =	sdelay $0xe  }
.Ltmp29:
0x464: {  	s6 =	spop @!p1 (v2sf);
	(pc) =	sbr.rel @p2 .LBB2_33-.Ltmp29, $4  }
0x465: {  	p3 =	seq.s32 @!p1 s12, s6  }
0x466: {  	p3 =	por !p3, p1  }
0x467: {  	s13 =	simm.s32 @p3 $0xFFFFFFFF  }
0x468: {  	s13 =	smov.u32 @p1 s2  }
.LBB2_34:
0x469: {  	p1 =	seq.s32 s13, $0xFFFFFFFF  }
.Ltmp30:
0x46a: {  	_ = 	snop;
	(pc) =	sbr.rel @p1 .LBB2_36-.Ltmp30, $1  }
0x46b: {  	_ =	sdelay $0x3  }
0x46c: {  	s0 =	sshll.u32 s11, $0x5  }
0x46d: {  	s0 =	sand.u32 $0x3FFFFFE0, s0  }
0x46e: {  	v0 =	vld [tilespmem:s0+$0x60B8];
	_ =	sdelay $0x2  }
0x46f: {  	s1 =	sshll.u32 s13, $0x7  }
0x470: {  	s1 =	sshra.s32 s1, $0x2  }
0x471: {  	[tilespmem:s1+$0x60B8] =	vst.add.f32.msk $0xffff, v0  }
0x472: {  	v0 =	vld [tilespmem:s0+$0x60C8]  }
.Ltmp31:
0x473: {  	_ = 	snop;
	(pc) =	sbr.rel .LBB2_37-.Ltmp31, $2  }
0x474: {  	_ =	sdelay $0x2  }
0x475: {  	[tilespmem:s1+$0x60C8] =	vst.add.f32.msk $0xffff, v0  }
.LBB2_38:
0x476: {  	s0 =	simm.s32 $0x6;
	p1 =	seq.s32 s3, $0x0  }
0x477: {  	[sflag:s0] =	ssyncpa.u1 $0x1;
	v0 =	vimm.s32 @p1 $0xFFFFFFFF  }
0x478: {  	s9 =	sadd.s32 $0xFFFFFFFF, s3;
	[tilespmem:$0x64B8] =	vst @p1 v0  }
0x479: {  	v0 =	vld.msk @!p1 [tilespmem:s9+$0x6098], $0x1;
	_ =	sdelay $0x1  }
0x47a: {  	v1 =	vld.msk @!p1 [tilespmem:$0x6098], $0x1;
	_ =	sdelay $0x2  }
0x47b: {  	p2 =	seq.s32 @!p1 s9, $0x0;
	v0 =	vbroadcast @!p1 v0, $0x0  }
0x47c: {  	vm0 =	vmmov @!p1 $0x1;
	p2 =	por !p2, p1  }
0x47d: {  	v1 =	vnsel @!p1 vm0, $0xFFFFFFFF, v1;
	vm0 =	vcmask @!p1 $0x308;
	v0 =	vpsel !p2, $0xFFFFFFFF, v0  }
0x47e: {  	p2 =	sne.s32 @!p1 s8, s4;
	v0 =	vsel @!p1 vm0, v1, v0  }
0x47f: {  	s0 =	simm.s32 @!p1 $0x60B8;
	s1 =	simm.s32 @!p1 $0x0;
	p3 =	por !p2, p1;
	[tilespmem:$0x64B8] =	vst @!p1 v0  }
0x480: {  	[spmem:s1] =	stream.linear.scatter @!p1 [tilespmem:s0], [sflag:$0x1], $0x20, $0x38;
	[tilespmem:$0x1EC48] =	vst v63  }
0x481: {  	s0 =	sshll.u32 @!p3 s9, $0x7  }
0x482: {  	s0 =	sshra.s32 @!p3 s0, $0x2  }
0x483: {  	s1 =	simm.s32 @!p3 $0x20;
	s0 =	sadd.s32 @!p3 $0x60B8, s0  }
0x484: {  	[spmem:s1] =	stream.linear.scatter @!p3 [tilespmem:s0], [sflag:$0x1], $0x20, $0x38;
	[tilespmem:$0x1EC48] =	vst v63  }
0x485: {  	s0 =	simm.s32 @!p3 $0x1  }
0x486: {  	_ =	swait.ge @!p3 [sflag:s0], $0x40  }
0x487: {  	p1 =	por p2, p1;
	[sflag:s0] =	ssyncset.done @!p3 $0x0  }
0x488: {  	[sflag:s0] =	ssyncadd.s32 @!p3 $0xFFFFFFC0;
	s0 =	simm.s32 @!p1 $0x1  }
0x489: {  	_ =	swait.ge @!p1 [sflag:s0], $0x20  }
0x48a: {  	s29 =	simm.s32 $0x64B8;
	[sflag:s0] =	ssyncset.done @!p1 $0x0  }
0x48b: {  	s30 =	simm.s32 $0x400;
	s31 =	simm.s32 $0x1;
	[sflag:s0] =	ssyncadd.s32 @!p1 $0xFFFFFFE0  }
0x48c: {  	[spmem:s30] =	stream.linear.scatter [tilespmem:s29], [sflag:$0x1], $0x10, $0x38;
	[tilespmem:$0x1EC48] =	vst v63  }
0x48d: {  	_ =	swait.ge [sflag:s31], $0x10  }
0x48e: {  	[sflag:s31] =	ssyncset.done $0x0  }
0x48f: {  	p1 =	seq.s32 s15, $0x0;
	s8 =	rddreg [dreg:$0x2];
	[sflag:s31] =	ssyncadd.s32 $0xFFFFFFF0  }
0x490: {  	s1 =	sshll.u32 @p1 s8, $0xE;
	s7 =	rddreg [dreg:$0x3]  }
0x491: {  	s0 =	sadd.s32 @p1 $0x15C3C, s1;
	s1 =	sshll.u32 @p1 s7, $0x11  }
0x492: {  	_ =	sfence.stream.spmem;
	s0 =	sor.u32 @p1 s1, s0  }
0x493: {  	[sflag:s0] =	ssyncadd.remote.s32 @p1 $0x1;
	s0 =	simm.s32 @p1 $0x4  }
0x494: {  	s2 =	simm.s32 @!p1 $0x3C;
	s1 =	sand.u32 $0xFFFFFFFE, s8;
	_ =	swait.ge @p1 [sflag:s0], $0xA  }
0x495: {  	s4 =	simm.s32 @!p1 $0x0;
	s1 =	sadd.s32 @!p1 $0x4, s1;
	[sflag:s0] =	ssyncset.done @p1 $0x0  }
0x496: {  	s6 =	simm.s32 @!p1 $0x40;
	[sflag:s0] =	ssyncadd.s32 @p1 $0xFFFFFFF6;
	s0 =	sshll.u32 @!p1 s1, $0x1A  }
0x497: {  	s1 =	sshll.u32 @!p1 s1, $0xD;
	s0 =	sor.u32 @!p1 s0, s7;
	_ =	swait.eq @!p1 [sflag:s2], $0x1  }
0x498: {  	s1 =	sor.u32 @!p1 $0x1C04, s1;
	s2 =	simm.s32 @!p1 $0x1C03;
	s0 =	sor.u32 @!p1 $0x80004000, s0  }
0x499: {  	[spmem:s6], [sflag:s1] =	dma.general @!p1 [spmem:s4], [sflag:s2], length:$0x8, [dreg:$0x0], stride_count:$0x0, ici_dest:s0, dma_misc:DstOpCode:WRITE  }
0x49a: {  	p2 =	slt.s32 s9, $0x2;
	s4 =	simm.s32 @!p1 $0x80;
	s6 =	simm.s32 @!p1 $0x82  }
0x49b: {  	[spmem:s6], [sflag:s1] =	dma.general @!p1 [spmem:s4], [sflag:s2], length:$0x2, [dreg:$0x0], stride_count:$0x0, ici_dest:s0, dma_misc:DstOpCode:WRITE  }
.Ltmp32:
0x49c: {  	s0 =	simm.s32 @!p1 $0x3;
	(pc) =	sbr.rel @p2 .LBB2_42-.Ltmp32, $4  }
0x49d: {  	s1 =	sshll.u32 @!p1 s8, $0xE;
	_ =	swait.ge @!p1 [sflag:s0], $0xA  }
0x49e: {  	s2 =	sshll.u32 @!p1 s7, $0x11;
	s1 =	sadd.s32 @!p1 $0x11C3C, s1;
	[sflag:s0] =	ssyncset.done @!p1 $0x0  }
0x49f: {  	[sflag:s0] =	ssyncadd.s32 @!p1 $0xFFFFFFF6;
	s0 =	sor.u32 @!p1 s2, s1  }
0x4a0: {  	[sflag:s0] =	ssyncadd.remote.s32 @!p1 $0xFFFFFFFF;
	s0 =	simm.s32 $0x0  }
0x4a1: {  	s0 =	simm.s32 $0x6099  }
0x4a2: {  	v0 =	vld.msk [tilespmem:s0+$0x0], $0x1;
	_ =	sdelay $0x4  }
0x4a3: {  	(v2sf) =	vpush v0, $0x0;
	_ =	sdelay $0xc  }
0x4a4: {  	s1 =	sadd.s32 $0xFFFFFFFE, s3  }
0x4a5: {  	s1 =	sadd.s32 $0xFFFFFFFF, s1  }
0x4a6: {  	p2 =	sne.s32 s1, $0x0;
	s2 =	spop (v2sf)  }
.Ltmp33:
0x4a7: {  	p1 =	sgt.u32 s2, $0x7FFC;
	(pc) =	sbr.rel @!p2 .LBB2_41-.Ltmp33, $4  }
0x4a8: {  	s4 =	simm.s32 $0x0;
	s3 =	sand.u32 @!p1 $0x7FF8, s2  }
0x4a9: {  	s0 =	simm.s32 $0x60D8;
	s2 =	sand.u32 @!p1 $0x7, s2;
	s3 =	sadd.s32 @!p1 s5, s3  }
0x4aa: {  	[hbm4b:s3+s2] =	stream.linear.scatter @!p1 [tilespmem:s0], [sflag:$0x5], $0x20, $0x38;
	[tilespmem:$0x1EC48] =	vst v63  }
0x4ab: {  	s4 =	simm.s32 @!p1 $0x80;
	s2 =	simm.s32 $0x0;
	s3 =	simm.s32 $0x609A  }
.LBB2_40:
0x4ac: {  	v0 =	vld.msk [tilespmem:s3+$0x0], $0x1;
	s1 =	sadd.s32 $0xFFFFFFFF, s1;
	s2 =	sadd.s32 s2, s4  }
0x4ad: {  	p1 =	sne.s32 s1, $0x0;
	_ =	sdelay $0x3  }
0x4ae: {  	(v2sf) =	vpush v0, $0x0;
	_ =	sdelay $0xe  }
.Ltmp34:
0x4af: {  	s6 =	spop (v2sf);
	(pc) =	sbr.rel @p1 .LBB2_40-.Ltmp34, $4  }
0x4b0: {  	s4 =	simm.s32 $0x0;
	p2 =	sgt.u32 s6, $0x7FFC  }
0x4b1: {  	s0 =	sadd.s32 $0x20, s0;
	s4 =	simm.s32 @!p2 $0x80;
	s7 =	sand.u32 @!p2 $0x7FF8, s6  }
0x4b2: {  	s3 =	sadd.s32 $0x1, s3;
	s6 =	sand.u32 @!p2 $0x7, s6;
	s7 =	sadd.s32 @!p2 s5, s7  }
0x4b3: {  	[hbm4b:s7+s6] =	stream.linear.scatter @!p2 [tilespmem:s0], [sflag:$0x5], $0x20, $0x38;
	[tilespmem:$0x1EC48] =	vst v63  }
.LBB2_41:
0x4b4: {  	s0 =	sadd.s32 s2, s4  }
0x4b5: {  	s0 =	sshrl.u32 s0, $0x2  }
.LBB2_42:
0x4b6: {  	s1 =	simm.s32 $0x5  }
0x4b7: {  	_ =	swait.ge [sflag:s1], s0  }
0x4b8: {  	s31 =	ssub.s32 $0x0, s0;
	[sflag:s1] =	ssyncset.done $0x0  }
0x4b9: {  	[sflag:s1] =	ssyncadd.s32 s31  }
0x4ba: {  	[sflag:s1] =	ssyncpa.u1 $0x1  }
.LBB2_43:
0x4bb: {  	s0 =	sor.u32 s15, s14  }
0x4bc: {  	p1 =	sne.s32 s0, $0x0  }
.Ltmp35:
0x4bd: {  	_ = 	snop;
	(pc) =	sbr.rel @p1 .LBB2_58-.Ltmp35, $3  }
0x4be: {  	_ =	sdelay $0x1  }
0x4bf: {  	[bflag:$0x0] =	sbarrier.arrive $0xFFFF  }
0x4c0: {  	_ =	sfence  }
0x4c1: {  	s0 =	simm.s32 $0x7  }
0x4c2: {  	s1 =	simm.s32 $0x400;
	s2 =	simm.s32 $0x6098;
	[sflag:s0] =	ssyncpa.u1 $0x0  }
0x4c3: {  	[tilespmem:s2], [sflag:$0x7] =	stream.linear.gather [spmem:s1], $0x20, $0x38;
	[tilespmem:$0x1EC48] =	vst v63  }
0x4c4: {  	s30 =	simm.s32 $0x60B8;
	s1 =	simm.s32 $0x0  }
0x4c5: {  	[tilespmem:s30], [sflag:$0x7] =	stream.linear.gather [spmem:s1], $0x400, $0x38;
	[tilespmem:$0x1EC48] =	vst v63  }
.Ltmp36:
0x4c6: {  	_ = 	snop;
	(pc) =	sbr.rel .LBB2_45-.Ltmp36, $4  }
0x4c7: {  	_ =	swait.ge [sflag:s0], $0x420  }
0x4c8: {  	[sflag:s0] =	ssyncset.done $0x0  }
0x4c9: {  	s31 =	simm.s32 $0x8;
	[sflag:s0] =	ssyncadd.s32 $0xFFFFFBE0  }
0x4ca: {  	s2 =	simm.s32 $0x0;
	[sflag:s31] =	ssyncpa.u1 $0x0  }
.LBB2_51:
0x4cb: {  	p1 =	slt.u32 s3, $0x7FFD  }
0x4cc: {  	s0 =	sand.u32 @p1 $0x7FF8, s3  }
0x4cd: {  	s3 =	sand.u32 @p1 $0x7, s3;
	s4 =	simm.s32 @p1 $0x6068;
	s0 =	sadd.s32 @p1 s5, s0  }
0x4ce: {  	[tilespmem:s4], [sflag:$0x8] =	stream.linear.gather @p1 [hbm4b:s0+s3], $0x20, $0x38;
	[tilespmem:$0x1EC48] =	vst v63  }
0x4cf: {  	s0 =	simm.s32 @p1 $0x8  }
0x4d0: {  	_ =	swait.ge @p1 [sflag:s0], $0x20  }
0x4d1: {  	[sflag:s0] =	ssyncset.done @p1 $0x0  }
0x4d2: {  	[sflag:s0] =	ssyncadd.s32 @p1 $0xFFFFFFE0  }
0x4d3: {  	v1 =	vld @p1 [tilespmem:$0x6068];
	_ =	sdelay $0x2  }
0x4d4: {  	s0 =	sshll.u32 @p1 s2, $0x7  }
0x4d5: {  	s3 =	sshrl.u32 @p1 s0, $0x2  }
0x4d6: {  	[tilespmem:s3+$0x60B8] =	vst.add.f32.msk @p1 $0xffff, v1  }
0x4d7: {  	v1 =	vld @p1 [tilespmem:$0x6078];
	_ =	sdelay $0x3  }
0x4d8: {  	s4 =	sshll.u32 @!p1 s2, $0x7  }
0x4d9: {  	s4 =	smov.u32 @p1 s0;
	[tilespmem:s3+$0x60C8] =	vst.add.f32.msk @p1 $0xffff, v1  }
0x4da: {  	s0 =	sshrl.u32 s4, $0x2;
	[tilespmem:s1+$0x6098] =	vst.msk $0x1, v0  }
0x4db: {  	v0 =	vld [tilespmem:s0+$0x60B8];
	_ =	sdelay $0x2  }
0x4dc: {  	s31 =	sshll.u32 s1, $0x7  }
0x4dd: {  	s3 =	sshra.s32 s31, $0x2  }
0x4de: {  	[tilespmem:s3+$0x60B8] =	vst v0  }
0x4df: {  	v0 =	vld [tilespmem:s0+$0x60C8];
	_ =	sdelay $0x4  }
0x4e0: {  	s1 =	sadd.s32 $0x1, s1;
	[tilespmem:s3+$0x60C8] =	vst v0  }
.LBB2_52:
0x4e1: {  	s2 =	sadd.s32 $0x1, s2  }
0x4e2: {  	p1 =	sne.s32 s2, $0x20  }
.Ltmp37:
0x4e3: {  	_ = 	snop;
	(pc) =	sbr.rel @!p1 .LBB2_53-.Ltmp37, $1  }
0x4e4: {  	_ =	sdelay $0x3  }
.LBB2_45:
0x4e5: {  	v0 =	vld.msk [tilespmem:s2+$0x6098], $0x1;
	_ =	sdelay $0x4  }
0x4e6: {  	(v2sf) =	vpush v0, $0x0;
	_ =	sdelay $0xe  }
0x4e7: {  	s3 =	spop (v2sf)  }
0x4e8: {  	p1 =	seq.s32 s3, $0xFFFFFFFF  }
.Ltmp38:
0x4e9: {  	_ = 	snop;
	(pc) =	sbr.rel @p1 .LBB2_52-.Ltmp38, $1  }
0x4ea: {  	_ =	sdelay $0x3  }
0x4eb: {  	p1 =	slt.s32 s1, $0x1  }
.Ltmp39:
0x4ec: {  	_ = 	snop;
	(pc) =	sbr.rel @p1 .LBB2_51-.Ltmp39, $1  }
0x4ed: {  	_ =	sdelay $0x3  }
0x4ee: {  	s0 =	simm.s32 $0x6098;
	p1 =	por $0x0, $0x0  }
0x4ef: {  	v1 =	vld.msk @!p1 [tilespmem:s0+$0x0], $0x1;
	_ =	sdelay $0x4  }
0x4f0: {  	(v2sf) =	vpush @!p1 v1, $0x0;
	_ =	sdelay $0xd  }
0x4f1: {  	p3 =	sne.s32 s1, $0x1  }
.Ltmp40:
0x4f2: {  	s4 =	spop @!p1 (v2sf);
	(pc) =	sbr.rel @!p3 .LBB2_49-.Ltmp40, $4  }
0x4f3: {  	p2 =	seq.s32 @!p1 s3, s4  }
0x4f4: {  	s4 =	simm.s32 $0x0;
	p2 =	por !p2, p1  }
0x4f5: {  	s7 =	simm.s32 $0xFFFFFFFF;
	s4 =	simm.s32 @p2 $0xFFFFFFFF  }
0x4f6: {  	s6 =	simm.s32 $0x1;
	s4 =	smov.u32 @p1 s7  }
.LBB2_48:
0x4f7: {  	s7 =	smov.u32 s4;
	p1 =	sne.s32 s4, $0xFFFFFFFF  }
0x4f8: {  	s0 =	sadd.s32 $0x1, s0;
	s4 =	smov.u32 s6;
	s6 =	sadd.s32 $0x1, s6  }
0x4f9: {  	p2 =	sne.s32 s1, s6;
	v1 =	vld.msk @!p1 [tilespmem:s0+$0x0], $0x1;
	_ =	sdelay $0x4  }
0x4fa: {  	(v2sf) =	vpush @!p1 v1, $0x0;
	_ =	sdelay $0xe  }
.Ltmp41:
0x4fb: {  	s8 =	spop @!p1 (v2sf);
	(pc) =	sbr.rel @p2 .LBB2_48-.Ltmp41, $4  }
0x4fc: {  	p3 =	seq.s32 @!p1 s3, s8  }
0x4fd: {  	p3 =	por !p3, p1  }
0x4fe: {  	s4 =	simm.s32 @p3 $0xFFFFFFFF  }
0x4ff: {  	s4 =	smov.u32 @p1 s7  }
.LBB2_49:
0x500: {  	p1 =	seq.s32 s4, $0xFFFFFFFF  }
.Ltmp42:
0x501: {  	_ = 	snop;
	(pc) =	sbr.rel @p1 .LBB2_51-.Ltmp42, $1  }
0x502: {  	_ =	sdelay $0x3  }
0x503: {  	s0 =	sshll.u32 s2, $0x5  }
0x504: {  	s0 =	sand.u32 $0x3FFFFFE0, s0  }
0x505: {  	v0 =	vld [tilespmem:s0+$0x60B8];
	_ =	sdelay $0x2  }
0x506: {  	s3 =	sshll.u32 s4, $0x7  }
0x507: {  	s3 =	sshra.s32 s3, $0x2  }
0x508: {  	[tilespmem:s3+$0x60B8] =	vst.add.f32.msk $0xffff, v0  }
0x509: {  	v0 =	vld [tilespmem:s0+$0x60C8]  }
.Ltmp43:
0x50a: {  	_ = 	snop;
	(pc) =	sbr.rel .LBB2_52-.Ltmp43, $2  }
0x50b: {  	_ =	sdelay $0x2  }
0x50c: {  	[tilespmem:s3+$0x60C8] =	vst.add.f32.msk $0xffff, v0  }
.LBB2_53:
0x50d: {  	p1 =	slt.s32 s1, $0x1  }
.Ltmp44:
0x50e: {  	_ = 	snop;
	(pc) =	sbr.rel @p1 .LBB2_57-.Ltmp44, $3  }
0x50f: {  	_ =	sdelay $0x1  }
0x510: {  	s0 =	simm.s32 $0x8  }
0x511: {  	s2 =	simm.s32 $0x0;
	[sflag:s0] =	ssyncpa.u1 $0x1  }
0x512: {  	s0 =	simm.s32 $0x6098  }
0x513: {  	v0 =	vld.msk [tilespmem:s0+$0x0], $0x1;
	_ =	sdelay $0x4  }
0x514: {  	(v2sf) =	vpush v0, $0x0;
	_ =	sdelay $0xe  }
0x515: {  	s1 =	sadd.s32 $0xFFFFFFFF, s1;
	s3 =	spop (v2sf)  }
0x516: {  	p2 =	sne.s32 s1, $0x0;
	p1 =	sgt.u32 s3, $0x7FFC  }
.Ltmp45:
0x517: {  	s4 =	sand.u32 @!p1 $0x7FF8, s3;
	(pc) =	sbr.rel @!p2 .LBB2_56-.Ltmp45, $4  }
0x518: {  	s0 =	simm.s32 $0x60B8;
	s3 =	sand.u32 @!p1 $0x7, s3;
	s4 =	sadd.s32 @!p1 s5, s4  }
0x519: {  	[hbm4b:s4+s3] =	stream.linear.scatter @!p1 [tilespmem:s0], [sflag:$0x7], $0x20, $0x38;
	[tilespmem:$0x1EC48] =	vst v63  }
0x51a: {  	s4 =	simm.s32 $0x0  }
0x51b: {  	s3 =	simm.s32 $0x6099;
	s4 =	simm.s32 @!p1 $0x80  }
.LBB2_55:
0x51c: {  	v0 =	vld.msk [tilespmem:s3+$0x0], $0x1;
	s1 =	sadd.s32 $0xFFFFFFFF, s1;
	s2 =	sadd.s32 s2, s4  }
0x51d: {  	p1 =	sne.s32 s1, $0x0;
	_ =	sdelay $0x3  }
0x51e: {  	(v2sf) =	vpush v0, $0x0;
	_ =	sdelay $0xe  }
.Ltmp46:
0x51f: {  	s6 =	spop (v2sf);
	(pc) =	sbr.rel @p1 .LBB2_55-.Ltmp46, $4  }
0x520: {  	s4 =	simm.s32 $0x0;
	p2 =	sgt.u32 s6, $0x7FFC  }
0x521: {  	s0 =	sadd.s32 $0x20, s0;
	s4 =	simm.s32 @!p2 $0x80;
	s7 =	sand.u32 @!p2 $0x7FF8, s6  }
0x522: {  	s3 =	sadd.s32 $0x1, s3;
	s6 =	sand.u32 @!p2 $0x7, s6;
	s7 =	sadd.s32 @!p2 s5, s7  }
0x523: {  	[hbm4b:s7+s6] =	stream.linear.scatter @!p2 [tilespmem:s0], [sflag:$0x7], $0x20, $0x38;
	[tilespmem:$0x1EC48] =	vst v63  }
.LBB2_56:
0x524: {  	s0 =	sadd.s32 s2, s4  }
0x525: {  	s2 =	sshrl.u32 s0, $0x2  }
.LBB2_57:
0x526: {  	s0 =	simm.s32 $0x7  }
0x527: {  	_ =	swait.ge [sflag:s0], s2  }
0x528: {  	s1 =	ssub.s32 $0x0, s2;
	[sflag:s0] =	ssyncset.done $0x0  }
0x529: {  	[sflag:s0] =	ssyncadd.s32 s1  }
0x52a: {  	[sflag:s0] =	ssyncpa.u1 $0x1  }
.LBB2_58:
0x52b: {  	_ =	sfence;
	s0 =	simm.s32 $0x1  }
0x52c: {  	[sflag:s0] =	ssyncpa.u1 $0x1  }
0x52d: {  	_ =	strace $0x9000004A  }
0x52e: {  	[bflag:$0x2] =	sbarrier.arrive $0xFFFF  }
0x52f: {  	s0 =	rddreg [dreg:$0x4]  }
0x530: {  	s0 =	sadd.s32 @!p0 $0x100000, s0  }
0x531: {  	[sflag:s0] =	ssyncadd.tile.s32 @!p0 $0x1;
	_ =	shalt  }
.Lfunc_end2:
_tile_overlayer_lowered:
.L_overlay_start_2:
0x532: {  	(tag) =	ssettag $0x2  }
0x533: {  	s0 =	rddreg [dreg:$0x0];
	s2 =	stileid.u32  }
0x534: {  	s1 =	rddreg [dreg:$0x1];
	p0 =	sne.s32 s2, $0x0  }
0x535: {  	s3 =	rddreg [dreg:$0x2];
	[bflag:$0x3] =	sbarrier.arrive $0xFFFF;
	s2 =	simm.s32 @!p0 $0x1C01  }
0x536: {  	[timem:s3], [sflag:s2] =	dma.local @!p0 [hbm:s0], s1  }
0x537: {  	s0 =	simm.s32 @!p0 $0x1  }
0x538: {  	_ =	swait.ge @!p0 [sflag:s0], s1  }
0x539: {  	s1 =	ssub.s32 @!p0 $0x0, s1;
	[sflag:s0] =	ssyncset.done @!p0 $0x0  }
0x53a: {  	[sflag:s0] =	ssyncadd.s32 @!p0 s1  }
0x53b: {  	[bflag:$0x3] =	sbarrier.arrive $0xFFFF  }
0x53c: {  	_ =	shalt  }

</sc_bundles>
